<compile_context>
chip_gen: v7x
topology: tpu7x:2x2x1
jax: 0.10.2.dev20260603
libtpu: 0.0.44.dev20260713+nightly
codegen_flags: <defaults>
</compile_context>

<pallas_src>
import dataclasses
import functools

import jax
import jax.numpy as jnp
from jax import lax
from jax.experimental import pallas as pl
from jax.experimental.pallas import tpu as pltpu
from jax.experimental.pallas import tpu_sc as plsc

N = 10000
E = 320000
D = 128
H = 64
Z = 0.8
L = 16
NS = 16
NC = 2
C = 128
NCHUNK = 160
PT = NCHUNK * C
EP = NS * PT
NPAD = 10240
NB = 8


def _dense_a_body(x_ref, mf_ref, wt0_ref, bt0_ref, wt1_ref, bt1_ref, wg_ref,
                  asv_ref, adv_ref, h_ref, asrc_ref, adst_ref):
    x_ = x_ref[...]
    x1 = jnp.maximum(jnp.dot(x_, wt1_ref[...],
                             preferred_element_type=jnp.float32)
                     + bt1_ref[...], 0.0)
    x0 = jnp.maximum(jnp.dot(x_, wt0_ref[...],
                             preferred_element_type=jnp.float32)
                     + bt0_ref[...], 0.0)
    mf = mf_ref[...]
    x = mf * (Z * x1 + (1 - Z) * x0) + (1 - mf) * (Z * x0 + (1 - Z) * x1)
    h = jnp.dot(x, wg_ref[...], preferred_element_type=jnp.float32)
    h_ref[0:N, :] = h[:, :H]
    h_ref[N:2 * N, :] = h[:, H:]
    asrc_ref[...] = jnp.sum(h * asv_ref[...], axis=1, keepdims=True)
    adst_ref[...] = jnp.sum(h * adv_ref[...], axis=1, keepdims=True)


def _dense_a(x_, mf, W_t0, b_t0, W_t1, b_t1, W_gat, att_src, att_dst):
    return pl.pallas_call(
        _dense_a_body,
        out_shape=(
            jax.ShapeDtypeStruct((2 * N, H), jnp.float32),
            jax.ShapeDtypeStruct((N, 1), jnp.float32),
            jax.ShapeDtypeStruct((N, 1), jnp.float32),
        ),
    )(x_, mf, W_t0, b_t0.reshape(1, D), W_t1, b_t1.reshape(1, D), W_gat,
      att_src.reshape(1, D), att_dst.reshape(1, D))


def _sc_edge_body(h_hbm, asrc_hbm, adst_hbm, src_hbm, dst_hbm, attr_hbm,
                  out_hbm,
                  asrc_t, adst_t, e_t, rows_t, src_b, dst_b, attr_b,
                  out_sh, den_sh, max_sh, sem):
    c = lax.axis_index("c")
    s = lax.axis_index("s")
    row0 = s * NCHUNK

    pltpu.sync_copy(asrc_hbm, asrc_t)
    pltpu.sync_copy(adst_hbm, adst_t)

    zz = jnp.zeros((L,), jnp.float32)

    @pl.loop(0, C)
    def _(i):
        for q in range(H // L):
            rows_t[i, pl.ds(q * L, L)] = zz

    for q in range(5):
        pltpu.sync_copy(rows_t, out_sh.at[pl.ds(s * 640 + q * C, C)])
    for q in range(10):
        pltpu.sync_copy(rows_t.at[0], den_sh.at[pl.ds(s * 640 + q * H, H)])

    def p1_blk(b, mx):
        pltpu.sync_copy(src_hbm.at[pl.ds(row0 + b * NB, NB)], src_b)
        pltpu.sync_copy(dst_hbm.at[pl.ds(row0 + b * NB, NB)], dst_b)

        def p1_row(jj, mx):
            def p1_step(k, mx):
                sl = pl.ds(k * L, L)
                s16 = src_b[jj, sl]
                d16 = dst_b[jj, sl]
                t = (plsc.load_gather(asrc_t, [s16])
                     + plsc.load_gather(adst_t, [d16]))
                e16 = jnp.where(t >= 0.0, t, 0.2 * t)
                e_t[b * NB + jj, sl] = e16
                return jnp.maximum(mx, e16)
            return lax.fori_loop(0, C // L, p1_step, mx)
        return lax.fori_loop(0, NB, p1_row, mx)

    mx = lax.fori_loop(0, NCHUNK // NB, p1_blk,
                       jnp.full((L,), -1e30, jnp.float32))

    adst_t[pl.ds(0, L)] = mx
    pltpu.sync_copy(adst_t.at[pl.ds(0, L)], max_sh.at[pl.ds(s * L, L)])
    plsc.subcore_barrier()
    pltpu.sync_copy(max_sh, adst_t.at[pl.ds(0, NS * L)])

    def mx_step(i, mv):
        return jnp.maximum(mv, adst_t[pl.ds(i * L, L)])

    M = jnp.max(lax.fori_loop(0, NS, mx_step,
                              jnp.full((L,), -1e30, jnp.float32)))

    @pl.loop(0, NCHUNK // NB)
    def _(b):
        pltpu.sync_copy(dst_hbm.at[pl.ds(row0 + b * NB, NB)], dst_b)
        pltpu.sync_copy(attr_hbm.at[pl.ds(row0 + b * NB, NB)], attr_b)

        @pl.loop(0, NB)
        def _(jj):
            j = b * NB + jj

            @pl.loop(0, C // L)
            def _(k):
                sl = pl.ds(k * L, L)
                e_t[j, sl] = jnp.exp(e_t[j, sl] - M) * attr_b[jj, sl]

            pltpu.sync_copy(e_t.at[j], den_sh.at[dst_b.at[jj]], add=True)

    plsc.subcore_barrier()
    pltpu.sync_copy(den_sh.at[pl.ds(0, N)], asrc_t)

    @pl.loop(0, NCHUNK // NB)
    def _(b):
        pltpu.sync_copy(src_hbm.at[pl.ds(row0 + b * NB, NB)], src_b)
        pltpu.sync_copy(dst_hbm.at[pl.ds(row0 + b * NB, NB)], dst_b)

        @pl.loop(0, NB)
        def _(jj):
            j = b * NB + jj

            @pl.loop(0, C // L)
            def _(k):
                sl = pl.ds(k * L, L)
                den = plsc.load_gather(asrc_t, [dst_b[jj, sl]])
                e_t[j, sl] = e_t[j, sl] / (den + 1e-16)
                src_b[jj, sl] = src_b[jj, sl] + c * N

            pltpu.sync_copy(h_hbm.at[src_b.at[jj]], rows_t)

            @pl.loop(0, C // L)
            def _(k):
                base = k * L
                for i in range(L):
                    asp = plsc.load_gather(
                        e_t, [jnp.full((L,), j, jnp.int32),
                              jnp.full((L,), base + i, jnp.int32)])
                    for q in range(H // L):
                        sl = pl.ds(q * L, L)
                        rows_t[base + i, sl] = rows_t[base + i, sl] * asp

            pltpu.sync_copy(rows_t, out_sh.at[dst_b.at[jj]], add=True)

    plsc.subcore_barrier()

    for q in range(5):
        r0 = s * 640 + q * C
        pltpu.sync_copy(out_sh.at[pl.ds(r0, C)],
                        out_hbm.at[pl.ds(c * NPAD + r0, C)])


def _sc_edge(h2, a_src, a_dst, srcp, dstp, attrp):
    mesh = plsc.VectorSubcoreMesh(core_axis_name="c", subcore_axis_name="s")
    cp = pltpu.CompilerParams()
    if "needs_layout_passes" in pltpu.CompilerParams.__dataclass_fields__:
        cp = dataclasses.replace(cp, needs_layout_passes=False)
    if "use_tc_tiling_on_sc" in pltpu.CompilerParams.__dataclass_fields__:
        cp = dataclasses.replace(cp, use_tc_tiling_on_sc=False)
    kern = functools.partial(
        pl.kernel,
        compiler_params=cp,
        out_type=jax.ShapeDtypeStruct((2 * NPAD, H), jnp.float32),
        mesh=mesh,
        scratch_types=[
            pltpu.VMEM((N,), jnp.float32),
            pltpu.VMEM((N,), jnp.float32),
            pltpu.VMEM((NCHUNK, C), jnp.float32),
            pltpu.VMEM((C, H), jnp.float32),
            pltpu.VMEM((NB, C), jnp.int32),
            pltpu.VMEM((NB, C), jnp.int32),
            pltpu.VMEM((NB, C), jnp.float32),
            pltpu.VMEM_SHARED((NPAD, H), jnp.float32),
            pltpu.VMEM_SHARED((NPAD,), jnp.float32),
            pltpu.VMEM_SHARED((NS * L,), jnp.float32),
            pltpu.SemaphoreType.DMA,
        ],
    )(_sc_edge_body)
    return kern(h2, a_src, a_dst, srcp, dstp, attrp)


def _dense_c_body(o2_ref, x_ref, mf_ref, bg_ref, gg_ref, gb_ref, ga_ref,
                  wc0a_ref, wc0b_ref, bc0_ref, wc1a_ref, wc1b_ref, bc1_ref,
                  o_ref):
    out = jnp.concatenate([o2_ref[0], o2_ref[1]], axis=-1) + bg_ref[...]
    mean = jnp.mean(out, axis=0, keepdims=True)
    centered = out - ga_ref[...] * mean
    var = jnp.mean(centered * centered, axis=0, keepdims=True)
    outn = gg_ref[...] * centered * jax.lax.rsqrt(var + 1e-5) + gb_ref[...]
    x_ = x_ref[...]
    c1 = (jnp.dot(outn, wc1a_ref[...], preferred_element_type=jnp.float32)
          + jnp.dot(x_, wc1b_ref[...], preferred_element_type=jnp.float32)
          + bc1_ref[...])
    c0 = (jnp.dot(outn, wc0a_ref[...], preferred_element_type=jnp.float32)
          + jnp.dot(x_, wc0b_ref[...], preferred_element_type=jnp.float32)
          + bc0_ref[...])
    mf = mf_ref[...]
    o_ref[...] = (mf * (Z * c1 + (1 - Z) * c0)
                  + (1 - mf) * (Z * c0 + (1 - Z) * c1))


def _dense_c(o2, x_, mf, b_gat, gn_gamma, gn_beta, gn_alpha,
             W_c0, b_c0, W_c1, b_c1):
    return pl.pallas_call(
        _dense_c_body,
        out_shape=jax.ShapeDtypeStruct((N, D), jnp.float32),
    )(o2, x_, mf, b_gat.reshape(1, D), gn_gamma.reshape(1, D),
      gn_beta.reshape(1, D), gn_alpha.reshape(1, D),
      W_c0[:D], W_c0[D:], b_c0.reshape(1, D),
      W_c1[:D], W_c1[D:], b_c1.reshape(1, D))


def kernel(x_, edge_index, edge_attr, mask, W_t0, b_t0, W_t1, b_t1, W_gat,
           att_src, att_dst, b_gat, gn_gamma, gn_beta, gn_alpha,
           W_c0, b_c0, W_c1, b_c1):
    mf = mask.astype(jnp.float32).reshape(N, 1)

    h2, a_src, a_dst = _dense_a(x_, mf, W_t0, b_t0, W_t1, b_t1, W_gat,
                                att_src, att_dst)

    src = edge_index[0].astype(jnp.int32)
    dst = edge_index[1].astype(jnp.int32)
    pad = EP - E
    srcp = jnp.pad(src, (0, pad)).reshape(EP // C, C)
    dstp = jnp.pad(dst, (0, pad)).reshape(EP // C, C)
    attrp = jnp.pad(edge_attr.astype(jnp.float32), (0, pad)).reshape(
        EP // C, C)

    outp = _sc_edge(h2, a_src.reshape(N), a_dst.reshape(N),
                    srcp, dstp, attrp)

    o2 = outp.reshape(NC, NPAD, H)[:, :N, :]
    return _dense_c(o2, x_, mf, b_gat, gn_gamma, gn_beta, gn_alpha,
                    W_c0, b_c0, W_c1, b_c1)

# --- scband reference (transcript-rebuilt; emitter-appended) ---
"""Pipeline reference for scband-glassconv-45397804318728 (READ-ONLY COPY).

The authoritative reference and input builder live on the scoring server;
editing this copy changes nothing except your own understanding.
"""

import jax, jax.numpy as jnp
import numpy as np

N_NODES = 10000
N_EDGES = 320000
D = 128
Z_RATIO = 0.8


def setup_inputs(seed: int = 0):
    key = jax.random.key(seed)
    ks = jax.random.split(key, 20)
    s = 1.0 / np.sqrt(D)
    s2 = 1.0 / np.sqrt(2 * D)
    inp = {
        'x_': jax.random.normal(ks[0], (N_NODES, D), jnp.float32),
        'edge_index': jax.random.randint(ks[1], (2, N_EDGES), 0, N_NODES),
        'edge_attr': jax.random.uniform(ks[2], (N_EDGES,), jnp.float32),
        'mask': jax.random.randint(ks[3], (N_NODES,), 0, 2) == 1,
        'W_t0': jax.random.uniform(ks[4], (D, D), jnp.float32, -s, s),
        'b_t0': jax.random.uniform(ks[5], (D,), jnp.float32, -s, s),
        'W_t1': jax.random.uniform(ks[6], (D, D), jnp.float32, -s, s),
        'b_t1': jax.random.uniform(ks[7], (D,), jnp.float32, -s, s),
        'W_gat': jax.random.uniform(ks[8], (D, D), jnp.float32, -s, s),
        'att_src': jax.random.uniform(ks[9], (D,), jnp.float32, -s, s),
        'att_dst': jax.random.uniform(ks[10], (D,), jnp.float32, -s, s),
        'b_gat': jnp.zeros((D,), jnp.float32),
        'gn_gamma': jnp.ones((D,), jnp.float32),
        'gn_beta': jnp.zeros((D,), jnp.float32),
        'gn_alpha': jnp.ones((D,), jnp.float32),
        'W_c0': jax.random.uniform(ks[11], (2 * D, D), jnp.float32, -s2, s2),
        'b_c0': jax.random.uniform(ks[12], (D,), jnp.float32, -s2, s2),
        'W_c1': jax.random.uniform(ks[13], (2 * D, D), jnp.float32, -s2, s2),
        'b_c1': jax.random.uniform(ks[14], (D,), jnp.float32, -s2, s2),
    }
    return inp


def reference(x_, edge_index, edge_attr, mask, W_t0, b_t0, W_t1, b_t1, W_gat,
              att_src, att_dst, b_gat, gn_gamma, gn_beta, gn_alpha,
              W_c0, b_c0, W_c1, b_c1):
    n = x_.shape[0]
    m = mask[:, None]
    # label-wise transforms, mixed by z_ratio
    x1 = jax.nn.relu(x_ @ W_t1 + b_t1)
    x0 = jax.nn.relu(x_ @ W_t0 + b_t0)
    x = jnp.where(m, Z_RATIO * x1 + (1 - Z_RATIO) * x0,
                  Z_RATIO * x0 + (1 - Z_RATIO) * x1)
    # GAT (single head), edge_attr used as scalar edge weight on attention
    h = x @ W_gat
    src = edge_index[0]
    dst = edge_index[1]
    a_src = h @ att_src
    a_dst = h @ att_dst
    e = jax.nn.leaky_relu(a_src[src] + a_dst[dst], 0.2)
    e_max = jax.ops.segment_max(e, dst, num_segments=n)
    e_max = jnp.where(jnp.isfinite(e_max), e_max, 0.0)
    e_max = jax.lax.stop_gradient(e_max)
    ex = jnp.exp(e - e_max[dst]) * edge_attr
    denom = jax.ops.segment_sum(ex, dst, num_segments=n)
    alpha = ex / (denom[dst] + 1e-16)
    out = jax.ops.segment_sum(alpha[:, None] * h[src], dst, num_segments=n) + b_gat
    # GraphNorm
    mean = out.mean(axis=0)
    centered = out - gn_alpha * mean
    var = (centered ** 2).mean(axis=0)
    out = gn_gamma * centered / jnp.sqrt(var + 1e-5) + gn_beta
    # dropout: eval mode (identity)
    xcat = jnp.concatenate([out, x_], axis=-1)
    c1 = xcat @ W_c1 + b_c1
    c0 = xcat @ W_c0 + b_c0
    return jnp.where(m, Z_RATIO * c1 + (1 - Z_RATIO) * c0,
                     Z_RATIO * c0 + (1 - Z_RATIO) * c1)

if __name__ == "__main__":
    import jax
    _d = setup_inputs()
    print(jax.jit(kernel)(*tuple(_d.values())))

</pallas_src>

<mosaic_0001>
#map = affine_map<(d0, d1) -> (0, 0)>
#map1 = affine_map<(d0, d1) -> (0)>
module attributes {stable_mosaic.version = 14 : i64} {
  func.func @_sc_edge_body(%arg0: i32, %arg1: i32, %arg2: memref<20000x64xf32, #tpu.memory_space<hbm>>, %arg3: memref<10000xf32, #tpu.memory_space<hbm>>, %arg4: memref<10000xf32, #tpu.memory_space<hbm>>, %arg5: memref<2560x128xi32, #tpu.memory_space<hbm>>, %arg6: memref<2560x128xi32, #tpu.memory_space<hbm>>, %arg7: memref<2560x128xf32, #tpu.memory_space<hbm>>, %arg8: memref<20480x64xf32, #tpu.memory_space<hbm>>, %arg9: memref<10000xf32, #tpu.memory_space<vmem>>, %arg10: memref<10000xf32, #tpu.memory_space<vmem>>, %arg11: memref<160x128xf32, #tpu.memory_space<vmem>>, %arg12: memref<128x64xf32, #tpu.memory_space<vmem>>, %arg13: memref<8x128xi32, #tpu.memory_space<vmem>>, %arg14: memref<8x128xi32, #tpu.memory_space<vmem>>, %arg15: memref<8x128xf32, #tpu.memory_space<vmem>>, %arg16: memref<10240x64xf32, #tpu.memory_space<vmem_shared>>, %arg17: memref<10240xf32, #tpu.memory_space<vmem_shared>>, %arg18: memref<256xf32, #tpu.memory_space<vmem_shared>>, %arg19: memref<!tpu.dma_semaphore, #tpu.memory_space<semaphore_mem>>) attributes {dimension_semantics = [#tpu.dimension_semantics<core_parallel>, #tpu.dimension_semantics<subcore_parallel>], iteration_bounds = array<i64: 2, 16>, scalar_prefetch = 0 : i64, scratch_operands = 11 : i64, tpu.core_type = #tpu.core_type<sc_vector_subcore>, window_params = [{transform_indices = #map}, {transform_indices = #map1}, {transform_indices = #map1}, {transform_indices = #map}, {transform_indices = #map}, {transform_indices = #map}, {transform_indices = #map}]} {
    %mul3A = arith.constant 160 : i32
    %mul3A_0 = arith.muli %arg1, %mul3A : i32
    "tpu.region"() ({
      %run_scoped3A_143 = tpu.sem_alloc : memref<!tpu.dma_semaphore, #tpu.memory_space<semaphore_mem>>
      tpu.enqueue_dma source(%arg3 : memref<10000xf32, #tpu.memory_space<hbm>>) target(%arg9 : memref<10000xf32, #tpu.memory_space<vmem>>) target_semaphore(%run_scoped3A_143 : memref<!tpu.dma_semaphore, #tpu.memory_space<semaphore_mem>>)
      tpu.wait_dma2 semaphore(%run_scoped3A_143 : memref<!tpu.dma_semaphore, #tpu.memory_space<semaphore_mem>>) src(%arg3 : memref<10000xf32, #tpu.memory_space<hbm>>) dst(%arg9 : memref<10000xf32, #tpu.memory_space<vmem>>)
      tpu.yield
    }) : () -> ()
    "tpu.region"() ({
      %run_scoped3A_143 = tpu.sem_alloc : memref<!tpu.dma_semaphore, #tpu.memory_space<semaphore_mem>>
      tpu.enqueue_dma source(%arg4 : memref<10000xf32, #tpu.memory_space<hbm>>) target(%arg10 : memref<10000xf32, #tpu.memory_space<vmem>>) target_semaphore(%run_scoped3A_143 : memref<!tpu.dma_semaphore, #tpu.memory_space<semaphore_mem>>)
      tpu.wait_dma2 semaphore(%run_scoped3A_143 : memref<!tpu.dma_semaphore, #tpu.memory_space<semaphore_mem>>) src(%arg4 : memref<10000xf32, #tpu.memory_space<hbm>>) dst(%arg10 : memref<10000xf32, #tpu.memory_space<vmem>>)
      tpu.yield
    }) : () -> ()
    %broadcast_in_dim3A = arith.constant 0.000000e+00 : f32
    %broadcast_in_dim3A_1 = vector.broadcast %broadcast_in_dim3A : f32 to vector<16xf32>
    %scan3A = arith.constant 0 : i32
    %scan3A_2 = arith.constant 128 : i32
    %scan3A_3 = arith.addi %scan3A, %scan3A_2 : i32
    %scan3A_4 = arith.constant 1 : i32
    scf.for %scan3A_143 = %scan3A to %scan3A_3 step %scan3A_4  : i32 {
      %mul3A_144 = arith.constant 1 : i32
      %mul3A_145 = arith.muli %scan3A_143, %mul3A_144 : i32
      %add3A_146 = arith.constant 0 : i32
      %add3A_147 = arith.addi %add3A_146, %mul3A_145 : i32
      %swap3A_148 = arith.index_cast %add3A_147 : i32 to index
      %swap3A_149 = arith.constant 0 : index
      %swap3A_150 = tpu.vector_load %arg12[%swap3A_148, %swap3A_149] {strides = array<i32>} : memref<128x64xf32, #tpu.memory_space<vmem>>, vector<16xf32>,
      tpu.vector_store %arg12[%swap3A_148, %swap3A_149], %broadcast_in_dim3A_1 {strides = array<i32>} : memref<128x64xf32, #tpu.memory_space<vmem>>, vector<16xf32>,
      %swap3A_151 = arith.index_cast %add3A_147 : i32 to index
      %swap3A_152 = arith.constant 16 : index
      %swap3A_153 = tpu.vector_load %arg12[%swap3A_151, %swap3A_152] {strides = array<i32>} : memref<128x64xf32, #tpu.memory_space<vmem>>, vector<16xf32>,
      tpu.vector_store %arg12[%swap3A_151, %swap3A_152], %broadcast_in_dim3A_1 {strides = array<i32>} : memref<128x64xf32, #tpu.memory_space<vmem>>, vector<16xf32>,
      %swap3A_154 = arith.index_cast %add3A_147 : i32 to index
      %swap3A_155 = arith.constant 32 : index
      %swap3A_156 = tpu.vector_load %arg12[%swap3A_154, %swap3A_155] {strides = array<i32>} : memref<128x64xf32, #tpu.memory_space<vmem>>, vector<16xf32>,
      tpu.vector_store %arg12[%swap3A_154, %swap3A_155], %broadcast_in_dim3A_1 {strides = array<i32>} : memref<128x64xf32, #tpu.memory_space<vmem>>, vector<16xf32>,
      %swap3A_157 = arith.index_cast %add3A_147 : i32 to index
      %swap3A_158 = arith.constant 48 : index
      %swap3A_159 = tpu.vector_load %arg12[%swap3A_157, %swap3A_158] {strides = array<i32>} : memref<128x64xf32, #tpu.memory_space<vmem>>, vector<16xf32>,
      tpu.vector_store %arg12[%swap3A_157, %swap3A_158], %broadcast_in_dim3A_1 {strides = array<i32>} : memref<128x64xf32, #tpu.memory_space<vmem>>, vector<16xf32>,
    }
    %scan3A_5 = arith.constant 128 : i32
    %mul3A_6 = arith.constant 640 : i32
    %mul3A_7 = arith.muli %arg1, %mul3A_6 : i32
    %add3A = arith.constant 0 : i32
    %add3A_8 = arith.addi %mul3A_7, %add3A : i32
    "tpu.region"() ({
      %run_scoped3A_143 = tpu.sem_alloc : memref<!tpu.dma_semaphore, #tpu.memory_space<semaphore_mem>>
      %dma_start3A = arith.constant 0 : i32
      %dma_start3A_144 = tpu.memref_slice %arg16[%add3A_8, %dma_start3A] : memref<10240x64xf32, #tpu.memory_space<vmem_shared>> -> memref<128x64xf32, #tpu.memory_space<vmem_shared>>
      %dma_start3A_145 = arith.constant 0 : i32
      %dma_start3A_146 = tpu.memref_slice %arg16[%add3A_8, %dma_start3A_145] : memref<10240x64xf32, #tpu.memory_space<vmem_shared>> -> memref<128x64xf32, #tpu.memory_space<vmem_shared>>
      tpu.enqueue_dma source(%arg12 : memref<128x64xf32, #tpu.memory_space<vmem>>) target(%dma_start3A_146 : memref<128x64xf32, #tpu.memory_space<vmem_shared>>) target_semaphore(%run_scoped3A_143 : memref<!tpu.dma_semaphore, #tpu.memory_space<semaphore_mem>>)
      %dma_wait3A = arith.constant 0 : i32
      %dma_wait3A_147 = tpu.memref_slice %arg16[%add3A_8, %dma_wait3A] : memref<10240x64xf32, #tpu.memory_space<vmem_shared>> -> memref<128x64xf32, #tpu.memory_space<vmem_shared>>
      %dma_wait3A_148 = arith.constant 0 : i32
      %dma_wait3A_149 = tpu.memref_slice %arg16[%add3A_8, %dma_wait3A_148] : memref<10240x64xf32, #tpu.memory_space<vmem_shared>> -> memref<128x64xf32, #tpu.memory_space<vmem_shared>>
      tpu.wait_dma2 semaphore(%run_scoped3A_143 : memref<!tpu.dma_semaphore, #tpu.memory_space<semaphore_mem>>) src(%arg12 : memref<128x64xf32, #tpu.memory_space<vmem>>) dst(%dma_wait3A_149 : memref<128x64xf32, #tpu.memory_space<vmem_shared>>)
      tpu.yield
    }) : () -> ()
    %mul3A_9 = arith.constant 640 : i32
    %mul3A_10 = arith.muli %arg1, %mul3A_9 : i32
    %add3A_11 = arith.constant 128 : i32
    %add3A_12 = arith.addi %mul3A_10, %add3A_11 : i32
    "tpu.region"() ({
      %run_scoped3A_143 = tpu.sem_alloc : memref<!tpu.dma_semaphore, #tpu.memory_space<semaphore_mem>>
      %dma_start3A = arith.constant 0 : i32
      %dma_start3A_144 = tpu.memref_slice %arg16[%add3A_12, %dma_start3A] : memref<10240x64xf32, #tpu.memory_space<vmem_shared>> -> memref<128x64xf32, #tpu.memory_space<vmem_shared>>
      %dma_start3A_145 = arith.constant 0 : i32
      %dma_start3A_146 = tpu.memref_slice %arg16[%add3A_12, %dma_start3A_145] : memref<10240x64xf32, #tpu.memory_space<vmem_shared>> -> memref<128x64xf32, #tpu.memory_space<vmem_shared>>
      tpu.enqueue_dma source(%arg12 : memref<128x64xf32, #tpu.memory_space<vmem>>) target(%dma_start3A_146 : memref<128x64xf32, #tpu.memory_space<vmem_shared>>) target_semaphore(%run_scoped3A_143 : memref<!tpu.dma_semaphore, #tpu.memory_space<semaphore_mem>>)
      %dma_wait3A = arith.constant 0 : i32
      %dma_wait3A_147 = tpu.memref_slice %arg16[%add3A_12, %dma_wait3A] : memref<10240x64xf32, #tpu.memory_space<vmem_shared>> -> memref<128x64xf32, #tpu.memory_space<vmem_shared>>
      %dma_wait3A_148 = arith.constant 0 : i32
      %dma_wait3A_149 = tpu.memref_slice %arg16[%add3A_12, %dma_wait3A_148] : memref<10240x64xf32, #tpu.memory_space<vmem_shared>> -> memref<128x64xf32, #tpu.memory_space<vmem_shared>>
      tpu.wait_dma2 semaphore(%run_scoped3A_143 : memref<!tpu.dma_semaphore, #tpu.memory_space<semaphore_mem>>) src(%arg12 : memref<128x64xf32, #tpu.memory_space<vmem>>) dst(%dma_wait3A_149 : memref<128x64xf32, #tpu.memory_space<vmem_shared>>)
      tpu.yield
    }) : () -> ()
    %mul3A_13 = arith.constant 640 : i32
    %mul3A_14 = arith.muli %arg1, %mul3A_13 : i32
    %add3A_15 = arith.constant 256 : i32
    %add3A_16 = arith.addi %mul3A_14, %add3A_15 : i32
    "tpu.region"() ({
      %run_scoped3A_143 = tpu.sem_alloc : memref<!tpu.dma_semaphore, #tpu.memory_space<semaphore_mem>>
      %dma_start3A = arith.constant 0 : i32
      %dma_start3A_144 = tpu.memref_slice %arg16[%add3A_16, %dma_start3A] : memref<10240x64xf32, #tpu.memory_space<vmem_shared>> -> memref<128x64xf32, #tpu.memory_space<vmem_shared>>
      %dma_start3A_145 = arith.constant 0 : i32
      %dma_start3A_146 = tpu.memref_slice %arg16[%add3A_16, %dma_start3A_145] : memref<10240x64xf32, #tpu.memory_space<vmem_shared>> -> memref<128x64xf32, #tpu.memory_space<vmem_shared>>
      tpu.enqueue_dma source(%arg12 : memref<128x64xf32, #tpu.memory_space<vmem>>) target(%dma_start3A_146 : memref<128x64xf32, #tpu.memory_space<vmem_shared>>) target_semaphore(%run_scoped3A_143 : memref<!tpu.dma_semaphore, #tpu.memory_space<semaphore_mem>>)
      %dma_wait3A = arith.constant 0 : i32
      %dma_wait3A_147 = tpu.memref_slice %arg16[%add3A_16, %dma_wait3A] : memref<10240x64xf32, #tpu.memory_space<vmem_shared>> -> memref<128x64xf32, #tpu.memory_space<vmem_shared>>
      %dma_wait3A_148 = arith.constant 0 : i32
      %dma_wait3A_149 = tpu.memref_slice %arg16[%add3A_16, %dma_wait3A_148] : memref<10240x64xf32, #tpu.memory_space<vmem_shared>> -> memref<128x64xf32, #tpu.memory_space<vmem_shared>>
      tpu.wait_dma2 semaphore(%run_scoped3A_143 : memref<!tpu.dma_semaphore, #tpu.memory_space<semaphore_mem>>) src(%arg12 : memref<128x64xf32, #tpu.memory_space<vmem>>) dst(%dma_wait3A_149 : memref<128x64xf32, #tpu.memory_space<vmem_shared>>)
      tpu.yield
    }) : () -> ()
    %mul3A_17 = arith.constant 640 : i32
    %mul3A_18 = arith.muli %arg1, %mul3A_17 : i32
    %add3A_19 = arith.constant 384 : i32
    %add3A_20 = arith.addi %mul3A_18, %add3A_19 : i32
    "tpu.region"() ({
      %run_scoped3A_143 = tpu.sem_alloc : memref<!tpu.dma_semaphore, #tpu.memory_space<semaphore_mem>>
      %dma_start3A = arith.constant 0 : i32
      %dma_start3A_144 = tpu.memref_slice %arg16[%add3A_20, %dma_start3A] : memref<10240x64xf32, #tpu.memory_space<vmem_shared>> -> memref<128x64xf32, #tpu.memory_space<vmem_shared>>
      %dma_start3A_145 = arith.constant 0 : i32
      %dma_start3A_146 = tpu.memref_slice %arg16[%add3A_20, %dma_start3A_145] : memref<10240x64xf32, #tpu.memory_space<vmem_shared>> -> memref<128x64xf32, #tpu.memory_space<vmem_shared>>
      tpu.enqueue_dma source(%arg12 : memref<128x64xf32, #tpu.memory_space<vmem>>) target(%dma_start3A_146 : memref<128x64xf32, #tpu.memory_space<vmem_shared>>) target_semaphore(%run_scoped3A_143 : memref<!tpu.dma_semaphore, #tpu.memory_space<semaphore_mem>>)
      %dma_wait3A = arith.constant 0 : i32
      %dma_wait3A_147 = tpu.memref_slice %arg16[%add3A_20, %dma_wait3A] : memref<10240x64xf32, #tpu.memory_space<vmem_shared>> -> memref<128x64xf32, #tpu.memory_space<vmem_shared>>
      %dma_wait3A_148 = arith.constant 0 : i32
      %dma_wait3A_149 = tpu.memref_slice %arg16[%add3A_20, %dma_wait3A_148] : memref<10240x64xf32, #tpu.memory_space<vmem_shared>> -> memref<128x64xf32, #tpu.memory_space<vmem_shared>>
      tpu.wait_dma2 semaphore(%run_scoped3A_143 : memref<!tpu.dma_semaphore, #tpu.memory_space<semaphore_mem>>) src(%arg12 : memref<128x64xf32, #tpu.memory_space<vmem>>) dst(%dma_wait3A_149 : memref<128x64xf32, #tpu.memory_space<vmem_shared>>)
      tpu.yield
    }) : () -> ()
    %mul3A_21 = arith.constant 640 : i32
    %mul3A_22 = arith.muli %arg1, %mul3A_21 : i32
    %add3A_23 = arith.constant 512 : i32
    %add3A_24 = arith.addi %mul3A_22, %add3A_23 : i32
    "tpu.region"() ({
      %run_scoped3A_143 = tpu.sem_alloc : memref<!tpu.dma_semaphore, #tpu.memory_space<semaphore_mem>>
      %dma_start3A = arith.constant 0 : i32
      %dma_start3A_144 = tpu.memref_slice %arg16[%add3A_24, %dma_start3A] : memref<10240x64xf32, #tpu.memory_space<vmem_shared>> -> memref<128x64xf32, #tpu.memory_space<vmem_shared>>
      %dma_start3A_145 = arith.constant 0 : i32
      %dma_start3A_146 = tpu.memref_slice %arg16[%add3A_24, %dma_start3A_145] : memref<10240x64xf32, #tpu.memory_space<vmem_shared>> -> memref<128x64xf32, #tpu.memory_space<vmem_shared>>
      tpu.enqueue_dma source(%arg12 : memref<128x64xf32, #tpu.memory_space<vmem>>) target(%dma_start3A_146 : memref<128x64xf32, #tpu.memory_space<vmem_shared>>) target_semaphore(%run_scoped3A_143 : memref<!tpu.dma_semaphore, #tpu.memory_space<semaphore_mem>>)
      %dma_wait3A = arith.constant 0 : i32
      %dma_wait3A_147 = tpu.memref_slice %arg16[%add3A_24, %dma_wait3A] : memref<10240x64xf32, #tpu.memory_space<vmem_shared>> -> memref<128x64xf32, #tpu.memory_space<vmem_shared>>
      %dma_wait3A_148 = arith.constant 0 : i32
      %dma_wait3A_149 = tpu.memref_slice %arg16[%add3A_24, %dma_wait3A_148] : memref<10240x64xf32, #tpu.memory_space<vmem_shared>> -> memref<128x64xf32, #tpu.memory_space<vmem_shared>>
      tpu.wait_dma2 semaphore(%run_scoped3A_143 : memref<!tpu.dma_semaphore, #tpu.memory_space<semaphore_mem>>) src(%arg12 : memref<128x64xf32, #tpu.memory_space<vmem>>) dst(%dma_wait3A_149 : memref<128x64xf32, #tpu.memory_space<vmem_shared>>)
      tpu.yield
    }) : () -> ()
    %mul3A_25 = arith.constant 640 : i32
    %mul3A_26 = arith.muli %arg1, %mul3A_25 : i32
    %add3A_27 = arith.constant 0 : i32
    %add3A_28 = arith.addi %mul3A_26, %add3A_27 : i32
    %run_scoped3A = arith.constant 0 : i32
    "tpu.region"() ({
      %run_scoped3A_143 = tpu.sem_alloc : memref<!tpu.dma_semaphore, #tpu.memory_space<semaphore_mem>>
      %dma_start3A = arith.constant 0 : i32
      %dma_start3A_144 = tpu.memref_slice %arg12[%run_scoped3A, %dma_start3A] : memref<128x64xf32, #tpu.memory_space<vmem>> -> memref<1x64xf32, #tpu.memory_space<vmem>>
      %dma_start3A_145 = tpu.memref_squeeze %dma_start3A_144 : memref<1x64xf32, #tpu.memory_space<vmem>> -> memref<64xf32, #tpu.memory_space<vmem>>
      %dma_start3A_146 = tpu.memref_slice %arg17[%add3A_28] : memref<10240xf32, #tpu.memory_space<vmem_shared>> -> memref<64xf32, #tpu.memory_space<vmem_shared>>
      %dma_start3A_147 = tpu.memref_slice %arg17[%add3A_28] : memref<10240xf32, #tpu.memory_space<vmem_shared>> -> memref<64xf32, #tpu.memory_space<vmem_shared>>
      %dma_start3A_148 = arith.constant 0 : i32
      %dma_start3A_149 = tpu.memref_slice %arg12[%run_scoped3A, %dma_start3A_148] : memref<128x64xf32, #tpu.memory_space<vmem>> -> memref<1x64xf32, #tpu.memory_space<vmem>>
      %dma_start3A_150 = tpu.memref_squeeze %dma_start3A_149 : memref<1x64xf32, #tpu.memory_space<vmem>> -> memref<64xf32, #tpu.memory_space<vmem>>
      tpu.enqueue_dma source(%dma_start3A_150 : memref<64xf32, #tpu.memory_space<vmem>>) target(%dma_start3A_147 : memref<64xf32, #tpu.memory_space<vmem_shared>>) target_semaphore(%run_scoped3A_143 : memref<!tpu.dma_semaphore, #tpu.memory_space<semaphore_mem>>)
      %dma_wait3A = arith.constant 0 : i32
      %dma_wait3A_151 = tpu.memref_slice %arg12[%run_scoped3A, %dma_wait3A] : memref<128x64xf32, #tpu.memory_space<vmem>> -> memref<1x64xf32, #tpu.memory_space<vmem>>
      %dma_wait3A_152 = tpu.memref_squeeze %dma_wait3A_151 : memref<1x64xf32, #tpu.memory_space<vmem>> -> memref<64xf32, #tpu.memory_space<vmem>>
      %dma_wait3A_153 = tpu.memref_slice %arg17[%add3A_28] : memref<10240xf32, #tpu.memory_space<vmem_shared>> -> memref<64xf32, #tpu.memory_space<vmem_shared>>
      %dma_wait3A_154 = tpu.memref_slice %arg17[%add3A_28] : memref<10240xf32, #tpu.memory_space<vmem_shared>> -> memref<64xf32, #tpu.memory_space<vmem_shared>>
      %dma_wait3A_155 = arith.constant 0 : i32
      %dma_wait3A_156 = tpu.memref_slice %arg12[%run_scoped3A, %dma_wait3A_155] : memref<128x64xf32, #tpu.memory_space<vmem>> -> memref<1x64xf32, #tpu.memory_space<vmem>>
      %dma_wait3A_157 = tpu.memref_squeeze %dma_wait3A_156 : memref<1x64xf32, #tpu.memory_space<vmem>> -> memref<64xf32, #tpu.memory_space<vmem>>
      tpu.wait_dma2 semaphore(%run_scoped3A_143 : memref<!tpu.dma_semaphore, #tpu.memory_space<semaphore_mem>>) src(%dma_wait3A_157 : memref<64xf32, #tpu.memory_space<vmem>>) dst(%dma_wait3A_154 : memref<64xf32, #tpu.memory_space<vmem_shared>>)
      tpu.yield
    }) : () -> ()
    %mul3A_29 = arith.constant 640 : i32
    %mul3A_30 = arith.muli %arg1, %mul3A_29 : i32
    %add3A_31 = arith.constant 64 : i32
    %add3A_32 = arith.addi %mul3A_30, %add3A_31 : i32
    %run_scoped3A_33 = arith.constant 0 : i32
    "tpu.region"() ({
      %run_scoped3A_143 = tpu.sem_alloc : memref<!tpu.dma_semaphore, #tpu.memory_space<semaphore_mem>>
      %dma_start3A = arith.constant 0 : i32
      %dma_start3A_144 = tpu.memref_slice %arg12[%run_scoped3A_33, %dma_start3A] : memref<128x64xf32, #tpu.memory_space<vmem>> -> memref<1x64xf32, #tpu.memory_space<vmem>>
      %dma_start3A_145 = tpu.memref_squeeze %dma_start3A_144 : memref<1x64xf32, #tpu.memory_space<vmem>> -> memref<64xf32, #tpu.memory_space<vmem>>
      %dma_start3A_146 = tpu.memref_slice %arg17[%add3A_32] : memref<10240xf32, #tpu.memory_space<vmem_shared>> -> memref<64xf32, #tpu.memory_space<vmem_shared>>
      %dma_start3A_147 = tpu.memref_slice %arg17[%add3A_32] : memref<10240xf32, #tpu.memory_space<vmem_shared>> -> memref<64xf32, #tpu.memory_space<vmem_shared>>
      %dma_start3A_148 = arith.constant 0 : i32
      %dma_start3A_149 = tpu.memref_slice %arg12[%run_scoped3A_33, %dma_start3A_148] : memref<128x64xf32, #tpu.memory_space<vmem>> -> memref<1x64xf32, #tpu.memory_space<vmem>>
      %dma_start3A_150 = tpu.memref_squeeze %dma_start3A_149 : memref<1x64xf32, #tpu.memory_space<vmem>> -> memref<64xf32, #tpu.memory_space<vmem>>
      tpu.enqueue_dma source(%dma_start3A_150 : memref<64xf32, #tpu.memory_space<vmem>>) target(%dma_start3A_147 : memref<64xf32, #tpu.memory_space<vmem_shared>>) target_semaphore(%run_scoped3A_143 : memref<!tpu.dma_semaphore, #tpu.memory_space<semaphore_mem>>)
      %dma_wait3A = arith.constant 0 : i32
      %dma_wait3A_151 = tpu.memref_slice %arg12[%run_scoped3A_33, %dma_wait3A] : memref<128x64xf32, #tpu.memory_space<vmem>> -> memref<1x64xf32, #tpu.memory_space<vmem>>
      %dma_wait3A_152 = tpu.memref_squeeze %dma_wait3A_151 : memref<1x64xf32, #tpu.memory_space<vmem>> -> memref<64xf32, #tpu.memory_space<vmem>>
      %dma_wait3A_153 = tpu.memref_slice %arg17[%add3A_32] : memref<10240xf32, #tpu.memory_space<vmem_shared>> -> memref<64xf32, #tpu.memory_space<vmem_shared>>
      %dma_wait3A_154 = tpu.memref_slice %arg17[%add3A_32] : memref<10240xf32, #tpu.memory_space<vmem_shared>> -> memref<64xf32, #tpu.memory_space<vmem_shared>>
      %dma_wait3A_155 = arith.constant 0 : i32
      %dma_wait3A_156 = tpu.memref_slice %arg12[%run_scoped3A_33, %dma_wait3A_155] : memref<128x64xf32, #tpu.memory_space<vmem>> -> memref<1x64xf32, #tpu.memory_space<vmem>>
      %dma_wait3A_157 = tpu.memref_squeeze %dma_wait3A_156 : memref<1x64xf32, #tpu.memory_space<vmem>> -> memref<64xf32, #tpu.memory_space<vmem>>
      tpu.wait_dma2 semaphore(%run_scoped3A_143 : memref<!tpu.dma_semaphore, #tpu.memory_space<semaphore_mem>>) src(%dma_wait3A_157 : memref<64xf32, #tpu.memory_space<vmem>>) dst(%dma_wait3A_154 : memref<64xf32, #tpu.memory_space<vmem_shared>>)
      tpu.yield
    }) : () -> ()
    %mul3A_34 = arith.constant 640 : i32
    %mul3A_35 = arith.muli %arg1, %mul3A_34 : i32
    %add3A_36 = arith.constant 128 : i32
    %add3A_37 = arith.addi %mul3A_35, %add3A_36 : i32
    %run_scoped3A_38 = arith.constant 0 : i32
    "tpu.region"() ({
      %run_scoped3A_143 = tpu.sem_alloc : memref<!tpu.dma_semaphore, #tpu.memory_space<semaphore_mem>>
      %dma_start3A = arith.constant 0 : i32
      %dma_start3A_144 = tpu.memref_slice %arg12[%run_scoped3A_38, %dma_start3A] : memref<128x64xf32, #tpu.memory_space<vmem>> -> memref<1x64xf32, #tpu.memory_space<vmem>>
      %dma_start3A_145 = tpu.memref_squeeze %dma_start3A_144 : memref<1x64xf32, #tpu.memory_space<vmem>> -> memref<64xf32, #tpu.memory_space<vmem>>
      %dma_start3A_146 = tpu.memref_slice %arg17[%add3A_37] : memref<10240xf32, #tpu.memory_space<vmem_shared>> -> memref<64xf32, #tpu.memory_space<vmem_shared>>
      %dma_start3A_147 = tpu.memref_slice %arg17[%add3A_37] : memref<10240xf32, #tpu.memory_space<vmem_shared>> -> memref<64xf32, #tpu.memory_space<vmem_shared>>
      %dma_start3A_148 = arith.constant 0 : i32
      %dma_start3A_149 = tpu.memref_slice %arg12[%run_scoped3A_38, %dma_start3A_148] : memref<128x64xf32, #tpu.memory_space<vmem>> -> memref<1x64xf32, #tpu.memory_space<vmem>>
      %dma_start3A_150 = tpu.memref_squeeze %dma_start3A_149 : memref<1x64xf32, #tpu.memory_space<vmem>> -> memref<64xf32, #tpu.memory_space<vmem>>
      tpu.enqueue_dma source(%dma_start3A_150 : memref<64xf32, #tpu.memory_space<vmem>>) target(%dma_start3A_147 : memref<64xf32, #tpu.memory_space<vmem_shared>>) target_semaphore(%run_scoped3A_143 : memref<!tpu.dma_semaphore, #tpu.memory_space<semaphore_mem>>)
      %dma_wait3A = arith.constant 0 : i32
      %dma_wait3A_151 = tpu.memref_slice %arg12[%run_scoped3A_38, %dma_wait3A] : memref<128x64xf32, #tpu.memory_space<vmem>> -> memref<1x64xf32, #tpu.memory_space<vmem>>
      %dma_wait3A_152 = tpu.memref_squeeze %dma_wait3A_151 : memref<1x64xf32, #tpu.memory_space<vmem>> -> memref<64xf32, #tpu.memory_space<vmem>>
      %dma_wait3A_153 = tpu.memref_slice %arg17[%add3A_37] : memref<10240xf32, #tpu.memory_space<vmem_shared>> -> memref<64xf32, #tpu.memory_space<vmem_shared>>
      %dma_wait3A_154 = tpu.memref_slice %arg17[%add3A_37] : memref<10240xf32, #tpu.memory_space<vmem_shared>> -> memref<64xf32, #tpu.memory_space<vmem_shared>>
      %dma_wait3A_155 = arith.constant 0 : i32
      %dma_wait3A_156 = tpu.memref_slice %arg12[%run_scoped3A_38, %dma_wait3A_155] : memref<128x64xf32, #tpu.memory_space<vmem>> -> memref<1x64xf32, #tpu.memory_space<vmem>>
      %dma_wait3A_157 = tpu.memref_squeeze %dma_wait3A_156 : memref<1x64xf32, #tpu.memory_space<vmem>> -> memref<64xf32, #tpu.memory_space<vmem>>
      tpu.wait_dma2 semaphore(%run_scoped3A_143 : memref<!tpu.dma_semaphore, #tpu.memory_space<semaphore_mem>>) src(%dma_wait3A_157 : memref<64xf32, #tpu.memory_space<vmem>>) dst(%dma_wait3A_154 : memref<64xf32, #tpu.memory_space<vmem_shared>>)
      tpu.yield
    }) : () -> ()
    %mul3A_39 = arith.constant 640 : i32
    %mul3A_40 = arith.muli %arg1, %mul3A_39 : i32
    %add3A_41 = arith.constant 192 : i32
    %add3A_42 = arith.addi %mul3A_40, %add3A_41 : i32
    %run_scoped3A_43 = arith.constant 0 : i32
    "tpu.region"() ({
      %run_scoped3A_143 = tpu.sem_alloc : memref<!tpu.dma_semaphore, #tpu.memory_space<semaphore_mem>>
      %dma_start3A = arith.constant 0 : i32
      %dma_start3A_144 = tpu.memref_slice %arg12[%run_scoped3A_43, %dma_start3A] : memref<128x64xf32, #tpu.memory_space<vmem>> -> memref<1x64xf32, #tpu.memory_space<vmem>>
      %dma_start3A_145 = tpu.memref_squeeze %dma_start3A_144 : memref<1x64xf32, #tpu.memory_space<vmem>> -> memref<64xf32, #tpu.memory_space<vmem>>
      %dma_start3A_146 = tpu.memref_slice %arg17[%add3A_42] : memref<10240xf32, #tpu.memory_space<vmem_shared>> -> memref<64xf32, #tpu.memory_space<vmem_shared>>
      %dma_start3A_147 = tpu.memref_slice %arg17[%add3A_42] : memref<10240xf32, #tpu.memory_space<vmem_shared>> -> memref<64xf32, #tpu.memory_space<vmem_shared>>
      %dma_start3A_148 = arith.constant 0 : i32
      %dma_start3A_149 = tpu.memref_slice %arg12[%run_scoped3A_43, %dma_start3A_148] : memref<128x64xf32, #tpu.memory_space<vmem>> -> memref<1x64xf32, #tpu.memory_space<vmem>>
      %dma_start3A_150 = tpu.memref_squeeze %dma_start3A_149 : memref<1x64xf32, #tpu.memory_space<vmem>> -> memref<64xf32, #tpu.memory_space<vmem>>
      tpu.enqueue_dma source(%dma_start3A_150 : memref<64xf32, #tpu.memory_space<vmem>>) target(%dma_start3A_147 : memref<64xf32, #tpu.memory_space<vmem_shared>>) target_semaphore(%run_scoped3A_143 : memref<!tpu.dma_semaphore, #tpu.memory_space<semaphore_mem>>)
      %dma_wait3A = arith.constant 0 : i32
      %dma_wait3A_151 = tpu.memref_slice %arg12[%run_scoped3A_43, %dma_wait3A] : memref<128x64xf32, #tpu.memory_space<vmem>> -> memref<1x64xf32, #tpu.memory_space<vmem>>
      %dma_wait3A_152 = tpu.memref_squeeze %dma_wait3A_151 : memref<1x64xf32, #tpu.memory_space<vmem>> -> memref<64xf32, #tpu.memory_space<vmem>>
      %dma_wait3A_153 = tpu.memref_slice %arg17[%add3A_42] : memref<10240xf32, #tpu.memory_space<vmem_shared>> -> memref<64xf32, #tpu.memory_space<vmem_shared>>
      %dma_wait3A_154 = tpu.memref_slice %arg17[%add3A_42] : memref<10240xf32, #tpu.memory_space<vmem_shared>> -> memref<64xf32, #tpu.memory_space<vmem_shared>>
      %dma_wait3A_155 = arith.constant 0 : i32
      %dma_wait3A_156 = tpu.memref_slice %arg12[%run_scoped3A_43, %dma_wait3A_155] : memref<128x64xf32, #tpu.memory_space<vmem>> -> memref<1x64xf32, #tpu.memory_space<vmem>>
      %dma_wait3A_157 = tpu.memref_squeeze %dma_wait3A_156 : memref<1x64xf32, #tpu.memory_space<vmem>> -> memref<64xf32, #tpu.memory_space<vmem>>
      tpu.wait_dma2 semaphore(%run_scoped3A_143 : memref<!tpu.dma_semaphore, #tpu.memory_space<semaphore_mem>>) src(%dma_wait3A_157 : memref<64xf32, #tpu.memory_space<vmem>>) dst(%dma_wait3A_154 : memref<64xf32, #tpu.memory_space<vmem_shared>>)
      tpu.yield
    }) : () -> ()
    %mul3A_44 = arith.constant 640 : i32
    %mul3A_45 = arith.muli %arg1, %mul3A_44 : i32
    %add3A_46 = arith.constant 256 : i32
    %add3A_47 = arith.addi %mul3A_45, %add3A_46 : i32
    %run_scoped3A_48 = arith.constant 0 : i32
    "tpu.region"() ({
      %run_scoped3A_143 = tpu.sem_alloc : memref<!tpu.dma_semaphore, #tpu.memory_space<semaphore_mem>>
      %dma_start3A = arith.constant 0 : i32
      %dma_start3A_144 = tpu.memref_slice %arg12[%run_scoped3A_48, %dma_start3A] : memref<128x64xf32, #tpu.memory_space<vmem>> -> memref<1x64xf32, #tpu.memory_space<vmem>>
      %dma_start3A_145 = tpu.memref_squeeze %dma_start3A_144 : memref<1x64xf32, #tpu.memory_space<vmem>> -> memref<64xf32, #tpu.memory_space<vmem>>
      %dma_start3A_146 = tpu.memref_slice %arg17[%add3A_47] : memref<10240xf32, #tpu.memory_space<vmem_shared>> -> memref<64xf32, #tpu.memory_space<vmem_shared>>
      %dma_start3A_147 = tpu.memref_slice %arg17[%add3A_47] : memref<10240xf32, #tpu.memory_space<vmem_shared>> -> memref<64xf32, #tpu.memory_space<vmem_shared>>
      %dma_start3A_148 = arith.constant 0 : i32
      %dma_start3A_149 = tpu.memref_slice %arg12[%run_scoped3A_48, %dma_start3A_148] : memref<128x64xf32, #tpu.memory_space<vmem>> -> memref<1x64xf32, #tpu.memory_space<vmem>>
      %dma_start3A_150 = tpu.memref_squeeze %dma_start3A_149 : memref<1x64xf32, #tpu.memory_space<vmem>> -> memref<64xf32, #tpu.memory_space<vmem>>
      tpu.enqueue_dma source(%dma_start3A_150 : memref<64xf32, #tpu.memory_space<vmem>>) target(%dma_start3A_147 : memref<64xf32, #tpu.memory_space<vmem_shared>>) target_semaphore(%run_scoped3A_143 : memref<!tpu.dma_semaphore, #tpu.memory_space<semaphore_mem>>)
      %dma_wait3A = arith.constant 0 : i32
      %dma_wait3A_151 = tpu.memref_slice %arg12[%run_scoped3A_48, %dma_wait3A] : memref<128x64xf32, #tpu.memory_space<vmem>> -> memref<1x64xf32, #tpu.memory_space<vmem>>
      %dma_wait3A_152 = tpu.memref_squeeze %dma_wait3A_151 : memref<1x64xf32, #tpu.memory_space<vmem>> -> memref<64xf32, #tpu.memory_space<vmem>>
      %dma_wait3A_153 = tpu.memref_slice %arg17[%add3A_47] : memref<10240xf32, #tpu.memory_space<vmem_shared>> -> memref<64xf32, #tpu.memory_space<vmem_shared>>
      %dma_wait3A_154 = tpu.memref_slice %arg17[%add3A_47] : memref<10240xf32, #tpu.memory_space<vmem_shared>> -> memref<64xf32, #tpu.memory_space<vmem_shared>>
      %dma_wait3A_155 = arith.constant 0 : i32
      %dma_wait3A_156 = tpu.memref_slice %arg12[%run_scoped3A_48, %dma_wait3A_155] : memref<128x64xf32, #tpu.memory_space<vmem>> -> memref<1x64xf32, #tpu.memory_space<vmem>>
      %dma_wait3A_157 = tpu.memref_squeeze %dma_wait3A_156 : memref<1x64xf32, #tpu.memory_space<vmem>> -> memref<64xf32, #tpu.memory_space<vmem>>
      tpu.wait_dma2 semaphore(%run_scoped3A_143 : memref<!tpu.dma_semaphore, #tpu.memory_space<semaphore_mem>>) src(%dma_wait3A_157 : memref<64xf32, #tpu.memory_space<vmem>>) dst(%dma_wait3A_154 : memref<64xf32, #tpu.memory_space<vmem_shared>>)
      tpu.yield
    }) : () -> ()
    %mul3A_49 = arith.constant 640 : i32
    %mul3A_50 = arith.muli %arg1, %mul3A_49 : i32
    %add3A_51 = arith.constant 320 : i32
    %add3A_52 = arith.addi %mul3A_50, %add3A_51 : i32
    %run_scoped3A_53 = arith.constant 0 : i32
    "tpu.region"() ({
      %run_scoped3A_143 = tpu.sem_alloc : memref<!tpu.dma_semaphore, #tpu.memory_space<semaphore_mem>>
      %dma_start3A = arith.constant 0 : i32
      %dma_start3A_144 = tpu.memref_slice %arg12[%run_scoped3A_53, %dma_start3A] : memref<128x64xf32, #tpu.memory_space<vmem>> -> memref<1x64xf32, #tpu.memory_space<vmem>>
      %dma_start3A_145 = tpu.memref_squeeze %dma_start3A_144 : memref<1x64xf32, #tpu.memory_space<vmem>> -> memref<64xf32, #tpu.memory_space<vmem>>
      %dma_start3A_146 = tpu.memref_slice %arg17[%add3A_52] : memref<10240xf32, #tpu.memory_space<vmem_shared>> -> memref<64xf32, #tpu.memory_space<vmem_shared>>
      %dma_start3A_147 = tpu.memref_slice %arg17[%add3A_52] : memref<10240xf32, #tpu.memory_space<vmem_shared>> -> memref<64xf32, #tpu.memory_space<vmem_shared>>
      %dma_start3A_148 = arith.constant 0 : i32
      %dma_start3A_149 = tpu.memref_slice %arg12[%run_scoped3A_53, %dma_start3A_148] : memref<128x64xf32, #tpu.memory_space<vmem>> -> memref<1x64xf32, #tpu.memory_space<vmem>>
      %dma_start3A_150 = tpu.memref_squeeze %dma_start3A_149 : memref<1x64xf32, #tpu.memory_space<vmem>> -> memref<64xf32, #tpu.memory_space<vmem>>
      tpu.enqueue_dma source(%dma_start3A_150 : memref<64xf32, #tpu.memory_space<vmem>>) target(%dma_start3A_147 : memref<64xf32, #tpu.memory_space<vmem_shared>>) target_semaphore(%run_scoped3A_143 : memref<!tpu.dma_semaphore, #tpu.memory_space<semaphore_mem>>)
      %dma_wait3A = arith.constant 0 : i32
      %dma_wait3A_151 = tpu.memref_slice %arg12[%run_scoped3A_53, %dma_wait3A] : memref<128x64xf32, #tpu.memory_space<vmem>> -> memref<1x64xf32, #tpu.memory_space<vmem>>
      %dma_wait3A_152 = tpu.memref_squeeze %dma_wait3A_151 : memref<1x64xf32, #tpu.memory_space<vmem>> -> memref<64xf32, #tpu.memory_space<vmem>>
      %dma_wait3A_153 = tpu.memref_slice %arg17[%add3A_52] : memref<10240xf32, #tpu.memory_space<vmem_shared>> -> memref<64xf32, #tpu.memory_space<vmem_shared>>
      %dma_wait3A_154 = tpu.memref_slice %arg17[%add3A_52] : memref<10240xf32, #tpu.memory_space<vmem_shared>> -> memref<64xf32, #tpu.memory_space<vmem_shared>>
      %dma_wait3A_155 = arith.constant 0 : i32
      %dma_wait3A_156 = tpu.memref_slice %arg12[%run_scoped3A_53, %dma_wait3A_155] : memref<128x64xf32, #tpu.memory_space<vmem>> -> memref<1x64xf32, #tpu.memory_space<vmem>>
      %dma_wait3A_157 = tpu.memref_squeeze %dma_wait3A_156 : memref<1x64xf32, #tpu.memory_space<vmem>> -> memref<64xf32, #tpu.memory_space<vmem>>
      tpu.wait_dma2 semaphore(%run_scoped3A_143 : memref<!tpu.dma_semaphore, #tpu.memory_space<semaphore_mem>>) src(%dma_wait3A_157 : memref<64xf32, #tpu.memory_space<vmem>>) dst(%dma_wait3A_154 : memref<64xf32, #tpu.memory_space<vmem_shared>>)
      tpu.yield
    }) : () -> ()
    %mul3A_54 = arith.constant 640 : i32
    %mul3A_55 = arith.muli %arg1, %mul3A_54 : i32
    %add3A_56 = arith.constant 384 : i32
    %add3A_57 = arith.addi %mul3A_55, %add3A_56 : i32
    %run_scoped3A_58 = arith.constant 0 : i32
    "tpu.region"() ({
      %run_scoped3A_143 = tpu.sem_alloc : memref<!tpu.dma_semaphore, #tpu.memory_space<semaphore_mem>>
      %dma_start3A = arith.constant 0 : i32
      %dma_start3A_144 = tpu.memref_slice %arg12[%run_scoped3A_58, %dma_start3A] : memref<128x64xf32, #tpu.memory_space<vmem>> -> memref<1x64xf32, #tpu.memory_space<vmem>>
      %dma_start3A_145 = tpu.memref_squeeze %dma_start3A_144 : memref<1x64xf32, #tpu.memory_space<vmem>> -> memref<64xf32, #tpu.memory_space<vmem>>
      %dma_start3A_146 = tpu.memref_slice %arg17[%add3A_57] : memref<10240xf32, #tpu.memory_space<vmem_shared>> -> memref<64xf32, #tpu.memory_space<vmem_shared>>
      %dma_start3A_147 = tpu.memref_slice %arg17[%add3A_57] : memref<10240xf32, #tpu.memory_space<vmem_shared>> -> memref<64xf32, #tpu.memory_space<vmem_shared>>
      %dma_start3A_148 = arith.constant 0 : i32
      %dma_start3A_149 = tpu.memref_slice %arg12[%run_scoped3A_58, %dma_start3A_148] : memref<128x64xf32, #tpu.memory_space<vmem>> -> memref<1x64xf32, #tpu.memory_space<vmem>>
      %dma_start3A_150 = tpu.memref_squeeze %dma_start3A_149 : memref<1x64xf32, #tpu.memory_space<vmem>> -> memref<64xf32, #tpu.memory_space<vmem>>
      tpu.enqueue_dma source(%dma_start3A_150 : memref<64xf32, #tpu.memory_space<vmem>>) target(%dma_start3A_147 : memref<64xf32, #tpu.memory_space<vmem_shared>>) target_semaphore(%run_scoped3A_143 : memref<!tpu.dma_semaphore, #tpu.memory_space<semaphore_mem>>)
      %dma_wait3A = arith.constant 0 : i32
      %dma_wait3A_151 = tpu.memref_slice %arg12[%run_scoped3A_58, %dma_wait3A] : memref<128x64xf32, #tpu.memory_space<vmem>> -> memref<1x64xf32, #tpu.memory_space<vmem>>
      %dma_wait3A_152 = tpu.memref_squeeze %dma_wait3A_151 : memref<1x64xf32, #tpu.memory_space<vmem>> -> memref<64xf32, #tpu.memory_space<vmem>>
      %dma_wait3A_153 = tpu.memref_slice %arg17[%add3A_57] : memref<10240xf32, #tpu.memory_space<vmem_shared>> -> memref<64xf32, #tpu.memory_space<vmem_shared>>
      %dma_wait3A_154 = tpu.memref_slice %arg17[%add3A_57] : memref<10240xf32, #tpu.memory_space<vmem_shared>> -> memref<64xf32, #tpu.memory_space<vmem_shared>>
      %dma_wait3A_155 = arith.constant 0 : i32
      %dma_wait3A_156 = tpu.memref_slice %arg12[%run_scoped3A_58, %dma_wait3A_155] : memref<128x64xf32, #tpu.memory_space<vmem>> -> memref<1x64xf32, #tpu.memory_space<vmem>>
      %dma_wait3A_157 = tpu.memref_squeeze %dma_wait3A_156 : memref<1x64xf32, #tpu.memory_space<vmem>> -> memref<64xf32, #tpu.memory_space<vmem>>
      tpu.wait_dma2 semaphore(%run_scoped3A_143 : memref<!tpu.dma_semaphore, #tpu.memory_space<semaphore_mem>>) src(%dma_wait3A_157 : memref<64xf32, #tpu.memory_space<vmem>>) dst(%dma_wait3A_154 : memref<64xf32, #tpu.memory_space<vmem_shared>>)
      tpu.yield
    }) : () -> ()
    %mul3A_59 = arith.constant 640 : i32
    %mul3A_60 = arith.muli %arg1, %mul3A_59 : i32
    %add3A_61 = arith.constant 448 : i32
    %add3A_62 = arith.addi %mul3A_60, %add3A_61 : i32
    %run_scoped3A_63 = arith.constant 0 : i32
    "tpu.region"() ({
      %run_scoped3A_143 = tpu.sem_alloc : memref<!tpu.dma_semaphore, #tpu.memory_space<semaphore_mem>>
      %dma_start3A = arith.constant 0 : i32
      %dma_start3A_144 = tpu.memref_slice %arg12[%run_scoped3A_63, %dma_start3A] : memref<128x64xf32, #tpu.memory_space<vmem>> -> memref<1x64xf32, #tpu.memory_space<vmem>>
      %dma_start3A_145 = tpu.memref_squeeze %dma_start3A_144 : memref<1x64xf32, #tpu.memory_space<vmem>> -> memref<64xf32, #tpu.memory_space<vmem>>
      %dma_start3A_146 = tpu.memref_slice %arg17[%add3A_62] : memref<10240xf32, #tpu.memory_space<vmem_shared>> -> memref<64xf32, #tpu.memory_space<vmem_shared>>
      %dma_start3A_147 = tpu.memref_slice %arg17[%add3A_62] : memref<10240xf32, #tpu.memory_space<vmem_shared>> -> memref<64xf32, #tpu.memory_space<vmem_shared>>
      %dma_start3A_148 = arith.constant 0 : i32
      %dma_start3A_149 = tpu.memref_slice %arg12[%run_scoped3A_63, %dma_start3A_148] : memref<128x64xf32, #tpu.memory_space<vmem>> -> memref<1x64xf32, #tpu.memory_space<vmem>>
      %dma_start3A_150 = tpu.memref_squeeze %dma_start3A_149 : memref<1x64xf32, #tpu.memory_space<vmem>> -> memref<64xf32, #tpu.memory_space<vmem>>
      tpu.enqueue_dma source(%dma_start3A_150 : memref<64xf32, #tpu.memory_space<vmem>>) target(%dma_start3A_147 : memref<64xf32, #tpu.memory_space<vmem_shared>>) target_semaphore(%run_scoped3A_143 : memref<!tpu.dma_semaphore, #tpu.memory_space<semaphore_mem>>)
      %dma_wait3A = arith.constant 0 : i32
      %dma_wait3A_151 = tpu.memref_slice %arg12[%run_scoped3A_63, %dma_wait3A] : memref<128x64xf32, #tpu.memory_space<vmem>> -> memref<1x64xf32, #tpu.memory_space<vmem>>
      %dma_wait3A_152 = tpu.memref_squeeze %dma_wait3A_151 : memref<1x64xf32, #tpu.memory_space<vmem>> -> memref<64xf32, #tpu.memory_space<vmem>>
      %dma_wait3A_153 = tpu.memref_slice %arg17[%add3A_62] : memref<10240xf32, #tpu.memory_space<vmem_shared>> -> memref<64xf32, #tpu.memory_space<vmem_shared>>
      %dma_wait3A_154 = tpu.memref_slice %arg17[%add3A_62] : memref<10240xf32, #tpu.memory_space<vmem_shared>> -> memref<64xf32, #tpu.memory_space<vmem_shared>>
      %dma_wait3A_155 = arith.constant 0 : i32
      %dma_wait3A_156 = tpu.memref_slice %arg12[%run_scoped3A_63, %dma_wait3A_155] : memref<128x64xf32, #tpu.memory_space<vmem>> -> memref<1x64xf32, #tpu.memory_space<vmem>>
      %dma_wait3A_157 = tpu.memref_squeeze %dma_wait3A_156 : memref<1x64xf32, #tpu.memory_space<vmem>> -> memref<64xf32, #tpu.memory_space<vmem>>
      tpu.wait_dma2 semaphore(%run_scoped3A_143 : memref<!tpu.dma_semaphore, #tpu.memory_space<semaphore_mem>>) src(%dma_wait3A_157 : memref<64xf32, #tpu.memory_space<vmem>>) dst(%dma_wait3A_154 : memref<64xf32, #tpu.memory_space<vmem_shared>>)
      tpu.yield
    }) : () -> ()
    %mul3A_64 = arith.constant 640 : i32
    %mul3A_65 = arith.muli %arg1, %mul3A_64 : i32
    %add3A_66 = arith.constant 512 : i32
    %add3A_67 = arith.addi %mul3A_65, %add3A_66 : i32
    %run_scoped3A_68 = arith.constant 0 : i32
    "tpu.region"() ({
      %run_scoped3A_143 = tpu.sem_alloc : memref<!tpu.dma_semaphore, #tpu.memory_space<semaphore_mem>>
      %dma_start3A = arith.constant 0 : i32
      %dma_start3A_144 = tpu.memref_slice %arg12[%run_scoped3A_68, %dma_start3A] : memref<128x64xf32, #tpu.memory_space<vmem>> -> memref<1x64xf32, #tpu.memory_space<vmem>>
      %dma_start3A_145 = tpu.memref_squeeze %dma_start3A_144 : memref<1x64xf32, #tpu.memory_space<vmem>> -> memref<64xf32, #tpu.memory_space<vmem>>
      %dma_start3A_146 = tpu.memref_slice %arg17[%add3A_67] : memref<10240xf32, #tpu.memory_space<vmem_shared>> -> memref<64xf32, #tpu.memory_space<vmem_shared>>
      %dma_start3A_147 = tpu.memref_slice %arg17[%add3A_67] : memref<10240xf32, #tpu.memory_space<vmem_shared>> -> memref<64xf32, #tpu.memory_space<vmem_shared>>
      %dma_start3A_148 = arith.constant 0 : i32
      %dma_start3A_149 = tpu.memref_slice %arg12[%run_scoped3A_68, %dma_start3A_148] : memref<128x64xf32, #tpu.memory_space<vmem>> -> memref<1x64xf32, #tpu.memory_space<vmem>>
      %dma_start3A_150 = tpu.memref_squeeze %dma_start3A_149 : memref<1x64xf32, #tpu.memory_space<vmem>> -> memref<64xf32, #tpu.memory_space<vmem>>
      tpu.enqueue_dma source(%dma_start3A_150 : memref<64xf32, #tpu.memory_space<vmem>>) target(%dma_start3A_147 : memref<64xf32, #tpu.memory_space<vmem_shared>>) target_semaphore(%run_scoped3A_143 : memref<!tpu.dma_semaphore, #tpu.memory_space<semaphore_mem>>)
      %dma_wait3A = arith.constant 0 : i32
      %dma_wait3A_151 = tpu.memref_slice %arg12[%run_scoped3A_68, %dma_wait3A] : memref<128x64xf32, #tpu.memory_space<vmem>> -> memref<1x64xf32, #tpu.memory_space<vmem>>
      %dma_wait3A_152 = tpu.memref_squeeze %dma_wait3A_151 : memref<1x64xf32, #tpu.memory_space<vmem>> -> memref<64xf32, #tpu.memory_space<vmem>>
      %dma_wait3A_153 = tpu.memref_slice %arg17[%add3A_67] : memref<10240xf32, #tpu.memory_space<vmem_shared>> -> memref<64xf32, #tpu.memory_space<vmem_shared>>
      %dma_wait3A_154 = tpu.memref_slice %arg17[%add3A_67] : memref<10240xf32, #tpu.memory_space<vmem_shared>> -> memref<64xf32, #tpu.memory_space<vmem_shared>>
      %dma_wait3A_155 = arith.constant 0 : i32
      %dma_wait3A_156 = tpu.memref_slice %arg12[%run_scoped3A_68, %dma_wait3A_155] : memref<128x64xf32, #tpu.memory_space<vmem>> -> memref<1x64xf32, #tpu.memory_space<vmem>>
      %dma_wait3A_157 = tpu.memref_squeeze %dma_wait3A_156 : memref<1x64xf32, #tpu.memory_space<vmem>> -> memref<64xf32, #tpu.memory_space<vmem>>
      tpu.wait_dma2 semaphore(%run_scoped3A_143 : memref<!tpu.dma_semaphore, #tpu.memory_space<semaphore_mem>>) src(%dma_wait3A_157 : memref<64xf32, #tpu.memory_space<vmem>>) dst(%dma_wait3A_154 : memref<64xf32, #tpu.memory_space<vmem_shared>>)
      tpu.yield
    }) : () -> ()
    %mul3A_69 = arith.constant 640 : i32
    %mul3A_70 = arith.muli %arg1, %mul3A_69 : i32
    %add3A_71 = arith.constant 576 : i32
    %add3A_72 = arith.addi %mul3A_70, %add3A_71 : i32
    %run_scoped3A_73 = arith.constant 0 : i32
    "tpu.region"() ({
      %run_scoped3A_143 = tpu.sem_alloc : memref<!tpu.dma_semaphore, #tpu.memory_space<semaphore_mem>>
      %dma_start3A = arith.constant 0 : i32
      %dma_start3A_144 = tpu.memref_slice %arg12[%run_scoped3A_73, %dma_start3A] : memref<128x64xf32, #tpu.memory_space<vmem>> -> memref<1x64xf32, #tpu.memory_space<vmem>>
      %dma_start3A_145 = tpu.memref_squeeze %dma_start3A_144 : memref<1x64xf32, #tpu.memory_space<vmem>> -> memref<64xf32, #tpu.memory_space<vmem>>
      %dma_start3A_146 = tpu.memref_slice %arg17[%add3A_72] : memref<10240xf32, #tpu.memory_space<vmem_shared>> -> memref<64xf32, #tpu.memory_space<vmem_shared>>
      %dma_start3A_147 = tpu.memref_slice %arg17[%add3A_72] : memref<10240xf32, #tpu.memory_space<vmem_shared>> -> memref<64xf32, #tpu.memory_space<vmem_shared>>
      %dma_start3A_148 = arith.constant 0 : i32
      %dma_start3A_149 = tpu.memref_slice %arg12[%run_scoped3A_73, %dma_start3A_148] : memref<128x64xf32, #tpu.memory_space<vmem>> -> memref<1x64xf32, #tpu.memory_space<vmem>>
      %dma_start3A_150 = tpu.memref_squeeze %dma_start3A_149 : memref<1x64xf32, #tpu.memory_space<vmem>> -> memref<64xf32, #tpu.memory_space<vmem>>
      tpu.enqueue_dma source(%dma_start3A_150 : memref<64xf32, #tpu.memory_space<vmem>>) target(%dma_start3A_147 : memref<64xf32, #tpu.memory_space<vmem_shared>>) target_semaphore(%run_scoped3A_143 : memref<!tpu.dma_semaphore, #tpu.memory_space<semaphore_mem>>)
      %dma_wait3A = arith.constant 0 : i32
      %dma_wait3A_151 = tpu.memref_slice %arg12[%run_scoped3A_73, %dma_wait3A] : memref<128x64xf32, #tpu.memory_space<vmem>> -> memref<1x64xf32, #tpu.memory_space<vmem>>
      %dma_wait3A_152 = tpu.memref_squeeze %dma_wait3A_151 : memref<1x64xf32, #tpu.memory_space<vmem>> -> memref<64xf32, #tpu.memory_space<vmem>>
      %dma_wait3A_153 = tpu.memref_slice %arg17[%add3A_72] : memref<10240xf32, #tpu.memory_space<vmem_shared>> -> memref<64xf32, #tpu.memory_space<vmem_shared>>
      %dma_wait3A_154 = tpu.memref_slice %arg17[%add3A_72] : memref<10240xf32, #tpu.memory_space<vmem_shared>> -> memref<64xf32, #tpu.memory_space<vmem_shared>>
      %dma_wait3A_155 = arith.constant 0 : i32
      %dma_wait3A_156 = tpu.memref_slice %arg12[%run_scoped3A_73, %dma_wait3A_155] : memref<128x64xf32, #tpu.memory_space<vmem>> -> memref<1x64xf32, #tpu.memory_space<vmem>>
      %dma_wait3A_157 = tpu.memref_squeeze %dma_wait3A_156 : memref<1x64xf32, #tpu.memory_space<vmem>> -> memref<64xf32, #tpu.memory_space<vmem>>
      tpu.wait_dma2 semaphore(%run_scoped3A_143 : memref<!tpu.dma_semaphore, #tpu.memory_space<semaphore_mem>>) src(%dma_wait3A_157 : memref<64xf32, #tpu.memory_space<vmem>>) dst(%dma_wait3A_154 : memref<64xf32, #tpu.memory_space<vmem_shared>>)
      tpu.yield
    }) : () -> ()
    %broadcast_in_dim3A_74 = arith.constant -1.000000e+30 : f32
    %broadcast_in_dim3A_75 = vector.broadcast %broadcast_in_dim3A_74 : f32 to vector<16xf32>
    %scan3A_76 = arith.constant 0 : i32
    %scan3A_77 = arith.constant 20 : i32
    %scan3A_78 = arith.addi %scan3A_76, %scan3A_77 : i32
    %scan3A_79 = arith.constant 1 : i32
    %scan3A_80 = scf.for %scan3A_143 = %scan3A_76 to %scan3A_78 step %scan3A_79 iter_args(%scan3A_144 = %broadcast_in_dim3A_75) -> (vector<16xf32>)  : i32 {
      %mul3A_145 = arith.constant 8 : i32
      %mul3A_146 = arith.muli %scan3A_143, %mul3A_145 : i32
      %add3A_147 = arith.addi %mul3A_0, %mul3A_146 : i32
      "tpu.region"() ({
        %run_scoped3A_157 = tpu.sem_alloc : memref<!tpu.dma_semaphore, #tpu.memory_space<semaphore_mem>>
        %dma_start3A = arith.constant 0 : i32
        %dma_start3A_158 = tpu.memref_slice %arg5[%add3A_147, %dma_start3A] : memref<2560x128xi32, #tpu.memory_space<hbm>> -> memref<8x128xi32, #tpu.memory_space<hbm>>
        %dma_start3A_159 = arith.constant 0 : i32
        %dma_start3A_160 = tpu.memref_slice %arg5[%add3A_147, %dma_start3A_159] : memref<2560x128xi32, #tpu.memory_space<hbm>> -> memref<8x128xi32, #tpu.memory_space<hbm>>
        tpu.enqueue_dma source(%dma_start3A_160 : memref<8x128xi32, #tpu.memory_space<hbm>>) target(%arg13 : memref<8x128xi32, #tpu.memory_space<vmem>>) target_semaphore(%run_scoped3A_157 : memref<!tpu.dma_semaphore, #tpu.memory_space<semaphore_mem>>)
        %dma_wait3A = arith.constant 0 : i32
        %dma_wait3A_161 = tpu.memref_slice %arg5[%add3A_147, %dma_wait3A] : memref<2560x128xi32, #tpu.memory_space<hbm>> -> memref<8x128xi32, #tpu.memory_space<hbm>>
        %dma_wait3A_162 = arith.constant 0 : i32
        %dma_wait3A_163 = tpu.memref_slice %arg5[%add3A_147, %dma_wait3A_162] : memref<2560x128xi32, #tpu.memory_space<hbm>> -> memref<8x128xi32, #tpu.memory_space<hbm>>
        tpu.wait_dma2 semaphore(%run_scoped3A_157 : memref<!tpu.dma_semaphore, #tpu.memory_space<semaphore_mem>>) src(%dma_wait3A_163 : memref<8x128xi32, #tpu.memory_space<hbm>>) dst(%arg13 : memref<8x128xi32, #tpu.memory_space<vmem>>)
        tpu.yield
      }) : () -> ()
      %mul3A_148 = arith.constant 8 : i32
      %mul3A_149 = arith.muli %scan3A_143, %mul3A_148 : i32
      %add3A_150 = arith.addi %mul3A_0, %mul3A_149 : i32
      "tpu.region"() ({
        %run_scoped3A_157 = tpu.sem_alloc : memref<!tpu.dma_semaphore, #tpu.memory_space<semaphore_mem>>
        %dma_start3A = arith.constant 0 : i32
        %dma_start3A_158 = tpu.memref_slice %arg6[%add3A_150, %dma_start3A] : memref<2560x128xi32, #tpu.memory_space<hbm>> -> memref<8x128xi32, #tpu.memory_space<hbm>>
        %dma_start3A_159 = arith.constant 0 : i32
        %dma_start3A_160 = tpu.memref_slice %arg6[%add3A_150, %dma_start3A_159] : memref<2560x128xi32, #tpu.memory_space<hbm>> -> memref<8x128xi32, #tpu.memory_space<hbm>>
        tpu.enqueue_dma source(%dma_start3A_160 : memref<8x128xi32, #tpu.memory_space<hbm>>) target(%arg14 : memref<8x128xi32, #tpu.memory_space<vmem>>) target_semaphore(%run_scoped3A_157 : memref<!tpu.dma_semaphore, #tpu.memory_space<semaphore_mem>>)
        %dma_wait3A = arith.constant 0 : i32
        %dma_wait3A_161 = tpu.memref_slice %arg6[%add3A_150, %dma_wait3A] : memref<2560x128xi32, #tpu.memory_space<hbm>> -> memref<8x128xi32, #tpu.memory_space<hbm>>
        %dma_wait3A_162 = arith.constant 0 : i32
        %dma_wait3A_163 = tpu.memref_slice %arg6[%add3A_150, %dma_wait3A_162] : memref<2560x128xi32, #tpu.memory_space<hbm>> -> memref<8x128xi32, #tpu.memory_space<hbm>>
        tpu.wait_dma2 semaphore(%run_scoped3A_157 : memref<!tpu.dma_semaphore, #tpu.memory_space<semaphore_mem>>) src(%dma_wait3A_163 : memref<8x128xi32, #tpu.memory_space<hbm>>) dst(%arg14 : memref<8x128xi32, #tpu.memory_space<vmem>>)
        tpu.yield
      }) : () -> ()
      %scan3A_151 = arith.constant 0 : i32
      %scan3A_152 = arith.constant 8 : i32
      %scan3A_153 = arith.addi %scan3A_151, %scan3A_152 : i32
      %scan3A_154 = arith.constant 1 : i32
      %scan3A_155 = scf.for %scan3A_157 = %scan3A_151 to %scan3A_153 step %scan3A_154 iter_args(%scan3A_158 = %scan3A_144) -> (vector<16xf32>)  : i32 {
        %scan3A_159 = arith.constant 0 : i32
        %scan3A_160 = arith.constant 8 : i32
        %scan3A_161 = arith.addi %scan3A_159, %scan3A_160 : i32
        %scan3A_162 = arith.constant 1 : i32
        %scan3A_163 = scf.for %scan3A_165 = %scan3A_159 to %scan3A_161 step %scan3A_162 iter_args(%scan3A_166 = %scan3A_158) -> (vector<16xf32>)  : i32 {
          %mul3A_167 = arith.constant 16 : i32
          %mul3A_168 = arith.muli %scan3A_165, %mul3A_167 : i32
          %get3A = arith.index_cast %scan3A_157 : i32 to index
          %get3A_169 = arith.index_cast %mul3A_168 : i32 to index
          %get3A_170 = tpu.vector_load %arg13[%get3A, %get3A_169] {strides = array<i32>} : memref<8x128xi32, #tpu.memory_space<vmem>>, vector<16xi32>,
          %get3A_171 = arith.index_cast %scan3A_157 : i32 to index
          %get3A_172 = arith.index_cast %mul3A_168 : i32 to index
          %get3A_173 = tpu.vector_load %arg14[%get3A_171, %get3A_172] {strides = array<i32>} : memref<8x128xi32, #tpu.memory_space<vmem>>, vector<16xi32>,
          %gather3A = tpu.vector_load_idx %arg9[%get3A_170] : memref<10000xf32, #tpu.memory_space<vmem>>[vector<16xi32>], vector<16xf32>,
          %gather3A_174 = tpu.vector_load_idx %arg10[%get3A_173] : memref<10000xf32, #tpu.memory_space<vmem>>[vector<16xi32>], vector<16xf32>,
          %add3A_175 = arith.addf %gather3A, %gather3A_174 : vector<16xf32>
          %ge3A = arith.constant 0.000000e+00 : f32
          %ge3A_176 = vector.broadcast %ge3A : f32 to vector<16xf32>
          %ge3A_177 = arith.cmpf oge, %add3A_175, %ge3A_176 : vector<16xf32>
          %mul3A_178 = arith.constant 2.000000e-01 : f32
          %mul3A_179 = vector.broadcast %mul3A_178 : f32 to vector<16xf32>
          %mul3A_180 = arith.mulf %mul3A_179, %add3A_175 : vector<16xf32>
          %select_n3A = arith.select %ge3A_177, %add3A_175, %mul3A_180 : vector<16xi1>, vector<16xf32>
          %mul3A_181 = arith.constant 8 : i32
          %mul3A_182 = arith.muli %scan3A_143, %mul3A_181 : i32
          %add3A_183 = arith.addi %mul3A_182, %scan3A_157 : i32
          %swap3A_184 = arith.index_cast %add3A_183 : i32 to index
          %swap3A_185 = arith.index_cast %mul3A_168 : i32 to index
          %swap3A_186 = tpu.vector_load %arg11[%swap3A_184, %swap3A_185] {strides = array<i32>} : memref<160x128xf32, #tpu.memory_space<vmem>>, vector<16xf32>,
          tpu.vector_store %arg11[%swap3A_184, %swap3A_185], %select_n3A {strides = array<i32>} : memref<160x128xf32, #tpu.memory_space<vmem>>, vector<16xf32>,
          %max3A = arith.maximumf %scan3A_166, %select_n3A : vector<16xf32>
          scf.yield %max3A : vector<16xf32>
        }
        %scan3A_164 = arith.constant 8 : i32
        scf.yield %scan3A_163 : vector<16xf32>
      }
      %scan3A_156 = arith.constant 8 : i32
      scf.yield %scan3A_155 : vector<16xf32>
    }
    %scan3A_81 = arith.constant 20 : i32
    %swap3A = arith.constant 0 : index
    %swap3A_82 = tpu.vector_load %arg10[%swap3A] {strides = array<i32>} : memref<10000xf32, #tpu.memory_space<vmem>>, vector<16xf32>,
    tpu.vector_store %arg10[%swap3A], %scan3A_80 {strides = array<i32>} : memref<10000xf32, #tpu.memory_space<vmem>>, vector<16xf32>,
    %mul3A_83 = arith.constant 16 : i32
    %mul3A_84 = arith.muli %arg1, %mul3A_83 : i32
    "tpu.region"() ({
      %run_scoped3A_143 = tpu.sem_alloc : memref<!tpu.dma_semaphore, #tpu.memory_space<semaphore_mem>>
      %dma_start3A = arith.constant 0 : i32
      %dma_start3A_144 = tpu.memref_slice %arg10[%dma_start3A] : memref<10000xf32, #tpu.memory_space<vmem>> -> memref<16xf32, #tpu.memory_space<vmem>>
      %dma_start3A_145 = tpu.memref_slice %arg18[%mul3A_84] : memref<256xf32, #tpu.memory_space<vmem_shared>> -> memref<16xf32, #tpu.memory_space<vmem_shared>>
      %dma_start3A_146 = tpu.memref_slice %arg18[%mul3A_84] : memref<256xf32, #tpu.memory_space<vmem_shared>> -> memref<16xf32, #tpu.memory_space<vmem_shared>>
      %dma_start3A_147 = arith.constant 0 : i32
      %dma_start3A_148 = tpu.memref_slice %arg10[%dma_start3A_147] : memref<10000xf32, #tpu.memory_space<vmem>> -> memref<16xf32, #tpu.memory_space<vmem>>
      tpu.enqueue_dma source(%dma_start3A_148 : memref<16xf32, #tpu.memory_space<vmem>>) target(%dma_start3A_146 : memref<16xf32, #tpu.memory_space<vmem_shared>>) target_semaphore(%run_scoped3A_143 : memref<!tpu.dma_semaphore, #tpu.memory_space<semaphore_mem>>)
      %dma_wait3A = arith.constant 0 : i32
      %dma_wait3A_149 = tpu.memref_slice %arg10[%dma_wait3A] : memref<10000xf32, #tpu.memory_space<vmem>> -> memref<16xf32, #tpu.memory_space<vmem>>
      %dma_wait3A_150 = tpu.memref_slice %arg18[%mul3A_84] : memref<256xf32, #tpu.memory_space<vmem_shared>> -> memref<16xf32, #tpu.memory_space<vmem_shared>>
      %dma_wait3A_151 = tpu.memref_slice %arg18[%mul3A_84] : memref<256xf32, #tpu.memory_space<vmem_shared>> -> memref<16xf32, #tpu.memory_space<vmem_shared>>
      %dma_wait3A_152 = arith.constant 0 : i32
      %dma_wait3A_153 = tpu.memref_slice %arg10[%dma_wait3A_152] : memref<10000xf32, #tpu.memory_space<vmem>> -> memref<16xf32, #tpu.memory_space<vmem>>
      tpu.wait_dma2 semaphore(%run_scoped3A_143 : memref<!tpu.dma_semaphore, #tpu.memory_space<semaphore_mem>>) src(%dma_wait3A_153 : memref<16xf32, #tpu.memory_space<vmem>>) dst(%dma_wait3A_151 : memref<16xf32, #tpu.memory_space<vmem_shared>>)
      tpu.yield
    }) : () -> ()
    %barrier3A = arith.constant 0 : index
    tpu.barrier barrier_id(%barrier3A)
    "tpu.region"() ({
      %run_scoped3A_143 = tpu.sem_alloc : memref<!tpu.dma_semaphore, #tpu.memory_space<semaphore_mem>>
      %dma_start3A = arith.constant 0 : i32
      %dma_start3A_144 = tpu.memref_slice %arg10[%dma_start3A] : memref<10000xf32, #tpu.memory_space<vmem>> -> memref<256xf32, #tpu.memory_space<vmem>>
      %dma_start3A_145 = arith.constant 0 : i32
      %dma_start3A_146 = tpu.memref_slice %arg10[%dma_start3A_145] : memref<10000xf32, #tpu.memory_space<vmem>> -> memref<256xf32, #tpu.memory_space<vmem>>
      tpu.enqueue_dma source(%arg18 : memref<256xf32, #tpu.memory_space<vmem_shared>>) target(%dma_start3A_146 : memref<256xf32, #tpu.memory_space<vmem>>) target_semaphore(%run_scoped3A_143 : memref<!tpu.dma_semaphore, #tpu.memory_space<semaphore_mem>>)
      %dma_wait3A = arith.constant 0 : i32
      %dma_wait3A_147 = tpu.memref_slice %arg10[%dma_wait3A] : memref<10000xf32, #tpu.memory_space<vmem>> -> memref<256xf32, #tpu.memory_space<vmem>>
      %dma_wait3A_148 = arith.constant 0 : i32
      %dma_wait3A_149 = tpu.memref_slice %arg10[%dma_wait3A_148] : memref<10000xf32, #tpu.memory_space<vmem>> -> memref<256xf32, #tpu.memory_space<vmem>>
      tpu.wait_dma2 semaphore(%run_scoped3A_143 : memref<!tpu.dma_semaphore, #tpu.memory_space<semaphore_mem>>) src(%arg18 : memref<256xf32, #tpu.memory_space<vmem_shared>>) dst(%dma_wait3A_149 : memref<256xf32, #tpu.memory_space<vmem>>)
      tpu.yield
    }) : () -> ()
    %broadcast_in_dim3A_85 = arith.constant -1.000000e+30 : f32
    %broadcast_in_dim3A_86 = vector.broadcast %broadcast_in_dim3A_85 : f32 to vector<16xf32>
    %scan3A_87 = arith.constant 0 : i32
    %scan3A_88 = arith.constant 16 : i32
    %scan3A_89 = arith.addi %scan3A_87, %scan3A_88 : i32
    %scan3A_90 = arith.constant 1 : i32
    %scan3A_91 = scf.for %scan3A_143 = %scan3A_87 to %scan3A_89 step %scan3A_90 iter_args(%scan3A_144 = %broadcast_in_dim3A_86) -> (vector<16xf32>)  : i32 {
      %mul3A_145 = arith.constant 16 : i32
      %mul3A_146 = arith.muli %scan3A_143, %mul3A_145 : i32
      %get3A = arith.index_cast %mul3A_146 : i32 to index
      %get3A_147 = tpu.vector_load %arg10[%get3A] {strides = array<i32>} : memref<10000xf32, #tpu.memory_space<vmem>>, vector<16xf32>,
      %max3A = arith.maximumf %scan3A_144, %get3A_147 : vector<16xf32>
      scf.yield %max3A : vector<16xf32>
    }
    %scan3A_92 = arith.constant 16 : i32
    %reduce_max3A = arith.constant true
    %reduce_max3A_93 = vector.broadcast %reduce_max3A : i1 to vector<16xi1>
    %reduce_max3A_94 = tpu.scan <max>, %scan3A_91 masked %reduce_max3A_93 : vector<16xf32>, vector<16xi1> -> vector<16xf32>
    %reduce_max3A_95 = vector.extract %reduce_max3A_94[15] : f32 from vector<16xf32>
    %scan3A_96 = arith.constant 0 : i32
    %scan3A_97 = arith.constant 20 : i32
    %scan3A_98 = arith.addi %scan3A_96, %scan3A_97 : i32
    %scan3A_99 = arith.constant 1 : i32
    scf.for %scan3A_143 = %scan3A_96 to %scan3A_98 step %scan3A_99  : i32 {
      %mul3A_144 = arith.constant 1 : i32
      %mul3A_145 = arith.muli %scan3A_143, %mul3A_144 : i32
      %add3A_146 = arith.constant 0 : i32
      %add3A_147 = arith.addi %add3A_146, %mul3A_145 : i32
      %mul3A_148 = arith.constant 8 : i32
      %mul3A_149 = arith.muli %add3A_147, %mul3A_148 : i32
      %add3A_150 = arith.addi %mul3A_0, %mul3A_149 : i32
      "tpu.region"() ({
        %run_scoped3A_159 = tpu.sem_alloc : memref<!tpu.dma_semaphore, #tpu.memory_space<semaphore_mem>>
        %dma_start3A = arith.constant 0 : i32
        %dma_start3A_160 = tpu.memref_slice %arg6[%add3A_150, %dma_start3A] : memref<2560x128xi32, #tpu.memory_space<hbm>> -> memref<8x128xi32, #tpu.memory_space<hbm>>
        %dma_start3A_161 = arith.constant 0 : i32
        %dma_start3A_162 = tpu.memref_slice %arg6[%add3A_150, %dma_start3A_161] : memref<2560x128xi32, #tpu.memory_space<hbm>> -> memref<8x128xi32, #tpu.memory_space<hbm>>
        tpu.enqueue_dma source(%dma_start3A_162 : memref<8x128xi32, #tpu.memory_space<hbm>>) target(%arg14 : memref<8x128xi32, #tpu.memory_space<vmem>>) target_semaphore(%run_scoped3A_159 : memref<!tpu.dma_semaphore, #tpu.memory_space<semaphore_mem>>)
        %dma_wait3A = arith.constant 0 : i32
        %dma_wait3A_163 = tpu.memref_slice %arg6[%add3A_150, %dma_wait3A] : memref<2560x128xi32, #tpu.memory_space<hbm>> -> memref<8x128xi32, #tpu.memory_space<hbm>>
        %dma_wait3A_164 = arith.constant 0 : i32
        %dma_wait3A_165 = tpu.memref_slice %arg6[%add3A_150, %dma_wait3A_164] : memref<2560x128xi32, #tpu.memory_space<hbm>> -> memref<8x128xi32, #tpu.memory_space<hbm>>
        tpu.wait_dma2 semaphore(%run_scoped3A_159 : memref<!tpu.dma_semaphore, #tpu.memory_space<semaphore_mem>>) src(%dma_wait3A_165 : memref<8x128xi32, #tpu.memory_space<hbm>>) dst(%arg14 : memref<8x128xi32, #tpu.memory_space<vmem>>)
        tpu.yield
      }) : () -> ()
      %mul3A_151 = arith.constant 8 : i32
      %mul3A_152 = arith.muli %add3A_147, %mul3A_151 : i32
      %add3A_153 = arith.addi %mul3A_0, %mul3A_152 : i32
      "tpu.region"() ({
        %run_scoped3A_159 = tpu.sem_alloc : memref<!tpu.dma_semaphore, #tpu.memory_space<semaphore_mem>>
        %dma_start3A = arith.constant 0 : i32
        %dma_start3A_160 = tpu.memref_slice %arg7[%add3A_153, %dma_start3A] : memref<2560x128xf32, #tpu.memory_space<hbm>> -> memref<8x128xf32, #tpu.memory_space<hbm>>
        %dma_start3A_161 = arith.constant 0 : i32
        %dma_start3A_162 = tpu.memref_slice %arg7[%add3A_153, %dma_start3A_161] : memref<2560x128xf32, #tpu.memory_space<hbm>> -> memref<8x128xf32, #tpu.memory_space<hbm>>
        tpu.enqueue_dma source(%dma_start3A_162 : memref<8x128xf32, #tpu.memory_space<hbm>>) target(%arg15 : memref<8x128xf32, #tpu.memory_space<vmem>>) target_semaphore(%run_scoped3A_159 : memref<!tpu.dma_semaphore, #tpu.memory_space<semaphore_mem>>)
        %dma_wait3A = arith.constant 0 : i32
        %dma_wait3A_163 = tpu.memref_slice %arg7[%add3A_153, %dma_wait3A] : memref<2560x128xf32, #tpu.memory_space<hbm>> -> memref<8x128xf32, #tpu.memory_space<hbm>>
        %dma_wait3A_164 = arith.constant 0 : i32
        %dma_wait3A_165 = tpu.memref_slice %arg7[%add3A_153, %dma_wait3A_164] : memref<2560x128xf32, #tpu.memory_space<hbm>> -> memref<8x128xf32, #tpu.memory_space<hbm>>
        tpu.wait_dma2 semaphore(%run_scoped3A_159 : memref<!tpu.dma_semaphore, #tpu.memory_space<semaphore_mem>>) src(%dma_wait3A_165 : memref<8x128xf32, #tpu.memory_space<hbm>>) dst(%arg15 : memref<8x128xf32, #tpu.memory_space<vmem>>)
        tpu.yield
      }) : () -> ()
      %scan3A_154 = arith.constant 0 : i32
      %scan3A_155 = arith.constant 8 : i32
      %scan3A_156 = arith.addi %scan3A_154, %scan3A_155 : i32
      %scan3A_157 = arith.constant 1 : i32
      scf.for %scan3A_159 = %scan3A_154 to %scan3A_156 step %scan3A_157  : i32 {
        %mul3A_160 = arith.constant 1 : i32
        %mul3A_161 = arith.muli %scan3A_159, %mul3A_160 : i32
        %add3A_162 = arith.constant 0 : i32
        %add3A_163 = arith.addi %add3A_162, %mul3A_161 : i32
        %mul3A_164 = arith.constant 8 : i32
        %mul3A_165 = arith.muli %add3A_147, %mul3A_164 : i32
        %add3A_166 = arith.addi %mul3A_165, %add3A_163 : i32
        %scan3A_167 = arith.constant 0 : i32
        %scan3A_168 = arith.constant 8 : i32
        %scan3A_169 = arith.addi %scan3A_167, %scan3A_168 : i32
        %scan3A_170 = arith.constant 1 : i32
        scf.for %scan3A_172 = %scan3A_167 to %scan3A_169 step %scan3A_170  : i32 {
          %mul3A_173 = arith.constant 1 : i32
          %mul3A_174 = arith.muli %scan3A_172, %mul3A_173 : i32
          %add3A_175 = arith.constant 0 : i32
          %add3A_176 = arith.addi %add3A_175, %mul3A_174 : i32
          %mul3A_177 = arith.constant 16 : i32
          %mul3A_178 = arith.muli %add3A_176, %mul3A_177 : i32
          %get3A = arith.index_cast %add3A_166 : i32 to index
          %get3A_179 = arith.index_cast %mul3A_178 : i32 to index
          %get3A_180 = tpu.vector_load %arg11[%get3A, %get3A_179] {strides = array<i32>} : memref<160x128xf32, #tpu.memory_space<vmem>>, vector<16xf32>,
          %sub3A = vector.broadcast %reduce_max3A_95 : f32 to vector<16xf32>
          %sub3A_181 = arith.subf %get3A_180, %sub3A : vector<16xf32>
          %exp3A = math.exp %sub3A_181 : vector<16xf32>
          %get3A_182 = arith.index_cast %add3A_163 : i32 to index
          %get3A_183 = arith.index_cast %mul3A_178 : i32 to index
          %get3A_184 = tpu.vector_load %arg15[%get3A_182, %get3A_183] {strides = array<i32>} : memref<8x128xf32, #tpu.memory_space<vmem>>, vector<16xf32>,
          %mul3A_185 = arith.mulf %exp3A, %get3A_184 : vector<16xf32>
          %swap3A_186 = arith.index_cast %add3A_166 : i32 to index
          %swap3A_187 = arith.index_cast %mul3A_178 : i32 to index
          %swap3A_188 = tpu.vector_load %arg11[%swap3A_186, %swap3A_187] {strides = array<i32>} : memref<160x128xf32, #tpu.memory_space<vmem>>, vector<16xf32>,
          tpu.vector_store %arg11[%swap3A_186, %swap3A_187], %mul3A_185 {strides = array<i32>} : memref<160x128xf32, #tpu.memory_space<vmem>>, vector<16xf32>,
        }
        %scan3A_171 = arith.constant 8 : i32
        "tpu.region"() ({
          %run_scoped3A_172 = tpu.sem_alloc : memref<!tpu.dma_semaphore, #tpu.memory_space<semaphore_mem>>
          %dma_start3A = arith.constant 0 : i32
          %dma_start3A_173 = tpu.memref_slice %arg11[%add3A_166, %dma_start3A] : memref<160x128xf32, #tpu.memory_space<vmem>> -> memref<1x128xf32, #tpu.memory_space<vmem>>
          %dma_start3A_174 = tpu.memref_squeeze %dma_start3A_173 : memref<1x128xf32, #tpu.memory_space<vmem>> -> memref<128xf32, #tpu.memory_space<vmem>>
          %dma_start3A_175 = arith.constant 0 : i32
          %dma_start3A_176 = tpu.memref_slice %arg14[%add3A_163, %dma_start3A_175] : memref<8x128xi32, #tpu.memory_space<vmem>> -> memref<1x128xi32, #tpu.memory_space<vmem>>
          %dma_start3A_177 = tpu.memref_squeeze %dma_start3A_176 : memref<1x128xi32, #tpu.memory_space<vmem>> -> memref<128xi32, #tpu.memory_space<vmem>>
          %dma_start3A_178 = arith.constant 0 : i32
          %dma_start3A_179 = tpu.memref_slice %arg17[%dma_start3A_178] : memref<10240xf32, #tpu.memory_space<vmem_shared>> -> memref<10240xf32, #tpu.memory_space<vmem_shared>>
          tpu.enqueue_indirect_dma source(%dma_start3A_174 : memref<128xf32, #tpu.memory_space<vmem>>) target(%dma_start3A_179 : memref<10240xf32, #tpu.memory_space<vmem_shared>>) offsets(%dma_start3A_177 : memref<128xi32, #tpu.memory_space<vmem>>) semaphore(%run_scoped3A_172 : memref<!tpu.dma_semaphore, #tpu.memory_space<semaphore_mem>>) {add = true}
          %dma_wait3A = arith.constant 0 : i32
          %dma_wait3A_180 = tpu.memref_slice %arg11[%add3A_166, %dma_wait3A] : memref<160x128xf32, #tpu.memory_space<vmem>> -> memref<1x128xf32, #tpu.memory_space<vmem>>
          %dma_wait3A_181 = tpu.memref_squeeze %dma_wait3A_180 : memref<1x128xf32, #tpu.memory_space<vmem>> -> memref<128xf32, #tpu.memory_space<vmem>>
          %dma_wait3A_182 = arith.constant 0 : i32
          %dma_wait3A_183 = tpu.memref_slice %arg14[%add3A_163, %dma_wait3A_182] : memref<8x128xi32, #tpu.memory_space<vmem>> -> memref<1x128xi32, #tpu.memory_space<vmem>>
          %dma_wait3A_184 = tpu.memref_squeeze %dma_wait3A_183 : memref<1x128xi32, #tpu.memory_space<vmem>> -> memref<128xi32, #tpu.memory_space<vmem>>
          %dma_wait3A_185 = arith.constant 0 : i32
          %dma_wait3A_186 = tpu.memref_slice %arg17[%dma_wait3A_185] : memref<10240xf32, #tpu.memory_space<vmem_shared>> -> memref<10240xf32, #tpu.memory_space<vmem_shared>>
          tpu.wait_indirect_dma semaphore(%run_scoped3A_172 : memref<!tpu.dma_semaphore, #tpu.memory_space<semaphore_mem>>) src(%dma_wait3A_181 : memref<128xf32, #tpu.memory_space<vmem>>) dst(%dma_wait3A_186 : memref<10240xf32, #tpu.memory_space<vmem_shared>>)
          tpu.yield
        }) : () -> ()
      }
      %scan3A_158 = arith.constant 8 : i32
    }
    %scan3A_100 = arith.constant 20 : i32
    %barrier3A_101 = arith.constant 0 : index
    tpu.barrier barrier_id(%barrier3A_101)
    "tpu.region"() ({
      %run_scoped3A_143 = tpu.sem_alloc : memref<!tpu.dma_semaphore, #tpu.memory_space<semaphore_mem>>
      %dma_start3A = arith.constant 0 : i32
      %dma_start3A_144 = tpu.memref_slice %arg17[%dma_start3A] : memref<10240xf32, #tpu.memory_space<vmem_shared>> -> memref<10000xf32, #tpu.memory_space<vmem_shared>>
      %dma_start3A_145 = arith.constant 0 : i32
      %dma_start3A_146 = tpu.memref_slice %arg17[%dma_start3A_145] : memref<10240xf32, #tpu.memory_space<vmem_shared>> -> memref<10000xf32, #tpu.memory_space<vmem_shared>>
      tpu.enqueue_dma source(%dma_start3A_146 : memref<10000xf32, #tpu.memory_space<vmem_shared>>) target(%arg9 : memref<10000xf32, #tpu.memory_space<vmem>>) target_semaphore(%run_scoped3A_143 : memref<!tpu.dma_semaphore, #tpu.memory_space<semaphore_mem>>)
      %dma_wait3A = arith.constant 0 : i32
      %dma_wait3A_147 = tpu.memref_slice %arg17[%dma_wait3A] : memref<10240xf32, #tpu.memory_space<vmem_shared>> -> memref<10000xf32, #tpu.memory_space<vmem_shared>>
      %dma_wait3A_148 = arith.constant 0 : i32
      %dma_wait3A_149 = tpu.memref_slice %arg17[%dma_wait3A_148] : memref<10240xf32, #tpu.memory_space<vmem_shared>> -> memref<10000xf32, #tpu.memory_space<vmem_shared>>
      tpu.wait_dma2 semaphore(%run_scoped3A_143 : memref<!tpu.dma_semaphore, #tpu.memory_space<semaphore_mem>>) src(%dma_wait3A_149 : memref<10000xf32, #tpu.memory_space<vmem_shared>>) dst(%arg9 : memref<10000xf32, #tpu.memory_space<vmem>>)
      tpu.yield
    }) : () -> ()
    %scan3A_102 = arith.constant 0 : i32
    %scan3A_103 = arith.constant 20 : i32
    %scan3A_104 = arith.addi %scan3A_102, %scan3A_103 : i32
    %scan3A_105 = arith.constant 1 : i32
    scf.for %scan3A_143 = %scan3A_102 to %scan3A_104 step %scan3A_105  : i32 {
      %mul3A_144 = arith.constant 1 : i32
      %mul3A_145 = arith.muli %scan3A_143, %mul3A_144 : i32
      %add3A_146 = arith.constant 0 : i32
      %add3A_147 = arith.addi %add3A_146, %mul3A_145 : i32
      %mul3A_148 = arith.constant 8 : i32
      %mul3A_149 = arith.muli %add3A_147, %mul3A_148 : i32
      %add3A_150 = arith.addi %mul3A_0, %mul3A_149 : i32
      "tpu.region"() ({
        %run_scoped3A_159 = tpu.sem_alloc : memref<!tpu.dma_semaphore, #tpu.memory_space<semaphore_mem>>
        %dma_start3A = arith.constant 0 : i32
        %dma_start3A_160 = tpu.memref_slice %arg5[%add3A_150, %dma_start3A] : memref<2560x128xi32, #tpu.memory_space<hbm>> -> memref<8x128xi32, #tpu.memory_space<hbm>>
        %dma_start3A_161 = arith.constant 0 : i32
        %dma_start3A_162 = tpu.memref_slice %arg5[%add3A_150, %dma_start3A_161] : memref<2560x128xi32, #tpu.memory_space<hbm>> -> memref<8x128xi32, #tpu.memory_space<hbm>>
        tpu.enqueue_dma source(%dma_start3A_162 : memref<8x128xi32, #tpu.memory_space<hbm>>) target(%arg13 : memref<8x128xi32, #tpu.memory_space<vmem>>) target_semaphore(%run_scoped3A_159 : memref<!tpu.dma_semaphore, #tpu.memory_space<semaphore_mem>>)
        %dma_wait3A = arith.constant 0 : i32
        %dma_wait3A_163 = tpu.memref_slice %arg5[%add3A_150, %dma_wait3A] : memref<2560x128xi32, #tpu.memory_space<hbm>> -> memref<8x128xi32, #tpu.memory_space<hbm>>
        %dma_wait3A_164 = arith.constant 0 : i32
        %dma_wait3A_165 = tpu.memref_slice %arg5[%add3A_150, %dma_wait3A_164] : memref<2560x128xi32, #tpu.memory_space<hbm>> -> memref<8x128xi32, #tpu.memory_space<hbm>>
        tpu.wait_dma2 semaphore(%run_scoped3A_159 : memref<!tpu.dma_semaphore, #tpu.memory_space<semaphore_mem>>) src(%dma_wait3A_165 : memref<8x128xi32, #tpu.memory_space<hbm>>) dst(%arg13 : memref<8x128xi32, #tpu.memory_space<vmem>>)
        tpu.yield
      }) : () -> ()
      %mul3A_151 = arith.constant 8 : i32
      %mul3A_152 = arith.muli %add3A_147, %mul3A_151 : i32
      %add3A_153 = arith.addi %mul3A_0, %mul3A_152 : i32
      "tpu.region"() ({
        %run_scoped3A_159 = tpu.sem_alloc : memref<!tpu.dma_semaphore, #tpu.memory_space<semaphore_mem>>
        %dma_start3A = arith.constant 0 : i32
        %dma_start3A_160 = tpu.memref_slice %arg6[%add3A_153, %dma_start3A] : memref<2560x128xi32, #tpu.memory_space<hbm>> -> memref<8x128xi32, #tpu.memory_space<hbm>>
        %dma_start3A_161 = arith.constant 0 : i32
        %dma_start3A_162 = tpu.memref_slice %arg6[%add3A_153, %dma_start3A_161] : memref<2560x128xi32, #tpu.memory_space<hbm>> -> memref<8x128xi32, #tpu.memory_space<hbm>>
        tpu.enqueue_dma source(%dma_start3A_162 : memref<8x128xi32, #tpu.memory_space<hbm>>) target(%arg14 : memref<8x128xi32, #tpu.memory_space<vmem>>) target_semaphore(%run_scoped3A_159 : memref<!tpu.dma_semaphore, #tpu.memory_space<semaphore_mem>>)
        %dma_wait3A = arith.constant 0 : i32
        %dma_wait3A_163 = tpu.memref_slice %arg6[%add3A_153, %dma_wait3A] : memref<2560x128xi32, #tpu.memory_space<hbm>> -> memref<8x128xi32, #tpu.memory_space<hbm>>
        %dma_wait3A_164 = arith.constant 0 : i32
        %dma_wait3A_165 = tpu.memref_slice %arg6[%add3A_153, %dma_wait3A_164] : memref<2560x128xi32, #tpu.memory_space<hbm>> -> memref<8x128xi32, #tpu.memory_space<hbm>>
        tpu.wait_dma2 semaphore(%run_scoped3A_159 : memref<!tpu.dma_semaphore, #tpu.memory_space<semaphore_mem>>) src(%dma_wait3A_165 : memref<8x128xi32, #tpu.memory_space<hbm>>) dst(%arg14 : memref<8x128xi32, #tpu.memory_space<vmem>>)
        tpu.yield
      }) : () -> ()
      %scan3A_154 = arith.constant 0 : i32
      %scan3A_155 = arith.constant 8 : i32
      %scan3A_156 = arith.addi %scan3A_154, %scan3A_155 : i32
      %scan3A_157 = arith.constant 1 : i32
      scf.for %scan3A_159 = %scan3A_154 to %scan3A_156 step %scan3A_157  : i32 {
        %mul3A_160 = arith.constant 1 : i32
        %mul3A_161 = arith.muli %scan3A_159, %mul3A_160 : i32
        %add3A_162 = arith.constant 0 : i32
        %add3A_163 = arith.addi %add3A_162, %mul3A_161 : i32
        %mul3A_164 = arith.constant 8 : i32
        %mul3A_165 = arith.muli %add3A_147, %mul3A_164 : i32
        %add3A_166 = arith.addi %mul3A_165, %add3A_163 : i32
        %scan3A_167 = arith.constant 0 : i32
        %scan3A_168 = arith.constant 8 : i32
        %scan3A_169 = arith.addi %scan3A_167, %scan3A_168 : i32
        %scan3A_170 = arith.constant 1 : i32
        scf.for %scan3A_177 = %scan3A_167 to %scan3A_169 step %scan3A_170  : i32 {
          %mul3A_178 = arith.constant 1 : i32
          %mul3A_179 = arith.muli %scan3A_177, %mul3A_178 : i32
          %add3A_180 = arith.constant 0 : i32
          %add3A_181 = arith.addi %add3A_180, %mul3A_179 : i32
          %mul3A_182 = arith.constant 16 : i32
          %mul3A_183 = arith.muli %add3A_181, %mul3A_182 : i32
          %get3A = arith.index_cast %add3A_163 : i32 to index
          %get3A_184 = arith.index_cast %mul3A_183 : i32 to index
          %get3A_185 = tpu.vector_load %arg14[%get3A, %get3A_184] {strides = array<i32>} : memref<8x128xi32, #tpu.memory_space<vmem>>, vector<16xi32>,
          %gather3A = tpu.vector_load_idx %arg9[%get3A_185] : memref<10000xf32, #tpu.memory_space<vmem>>[vector<16xi32>], vector<16xf32>,
          %get3A_186 = arith.index_cast %add3A_166 : i32 to index
          %get3A_187 = arith.index_cast %mul3A_183 : i32 to index
          %get3A_188 = tpu.vector_load %arg11[%get3A_186, %get3A_187] {strides = array<i32>} : memref<160x128xf32, #tpu.memory_space<vmem>>, vector<16xf32>,
          %add3A_189 = arith.constant 1.000000e-16 : f32
          %add3A_190 = vector.broadcast %add3A_189 : f32 to vector<16xf32>
          %add3A_191 = arith.addf %gather3A, %add3A_190 : vector<16xf32>
          %div3A = arith.divf %get3A_188, %add3A_191 : vector<16xf32>
          %swap3A_192 = arith.index_cast %add3A_166 : i32 to index
          %swap3A_193 = arith.index_cast %mul3A_183 : i32 to index
          %swap3A_194 = tpu.vector_load %arg11[%swap3A_192, %swap3A_193] {strides = array<i32>} : memref<160x128xf32, #tpu.memory_space<vmem>>, vector<16xf32>,
          tpu.vector_store %arg11[%swap3A_192, %swap3A_193], %div3A {strides = array<i32>} : memref<160x128xf32, #tpu.memory_space<vmem>>, vector<16xf32>,
          %get3A_195 = arith.index_cast %add3A_163 : i32 to index
          %get3A_196 = arith.index_cast %mul3A_183 : i32 to index
          %get3A_197 = tpu.vector_load %arg13[%get3A_195, %get3A_196] {strides = array<i32>} : memref<8x128xi32, #tpu.memory_space<vmem>>, vector<16xi32>,
          %mul3A_198 = arith.constant 10000 : i32
          %mul3A_199 = arith.muli %arg0, %mul3A_198 : i32
          %add3A_200 = vector.broadcast %mul3A_199 : i32 to vector<16xi32>
          %add3A_201 = arith.addi %get3A_197, %add3A_200 : vector<16xi32>
          %swap3A_202 = arith.index_cast %add3A_163 : i32 to index
          %swap3A_203 = arith.index_cast %mul3A_183 : i32 to index
          %swap3A_204 = tpu.vector_load %arg13[%swap3A_202, %swap3A_203] {strides = array<i32>} : memref<8x128xi32, #tpu.memory_space<vmem>>, vector<16xi32>,
          tpu.vector_store %arg13[%swap3A_202, %swap3A_203], %add3A_201 {strides = array<i32>} : memref<8x128xi32, #tpu.memory_space<vmem>>, vector<16xi32>,
        }
        %scan3A_171 = arith.constant 8 : i32
        "tpu.region"() ({
          %run_scoped3A_177 = tpu.sem_alloc : memref<!tpu.dma_semaphore, #tpu.memory_space<semaphore_mem>>
          %dma_start3A = arith.constant 0 : i32
          %dma_start3A_178 = tpu.memref_slice %arg13[%add3A_163, %dma_start3A] : memref<8x128xi32, #tpu.memory_space<vmem>> -> memref<1x128xi32, #tpu.memory_space<vmem>>
          %dma_start3A_179 = tpu.memref_squeeze %dma_start3A_178 : memref<1x128xi32, #tpu.memory_space<vmem>> -> memref<128xi32, #tpu.memory_space<vmem>>
          %dma_start3A_180 = arith.constant 0 : i32
          %dma_start3A_181 = arith.constant 0 : i32
          %dma_start3A_182 = tpu.memref_slice %arg2[%dma_start3A_180, %dma_start3A_181] : memref<20000x64xf32, #tpu.memory_space<hbm>> -> memref<20000x64xf32, #tpu.memory_space<hbm>>
          tpu.enqueue_indirect_dma source(%dma_start3A_182 : memref<20000x64xf32, #tpu.memory_space<hbm>>) target(%arg12 : memref<128x64xf32, #tpu.memory_space<vmem>>) offsets(%dma_start3A_179 : memref<128xi32, #tpu.memory_space<vmem>>) semaphore(%run_scoped3A_177 : memref<!tpu.dma_semaphore, #tpu.memory_space<semaphore_mem>>)
          %dma_wait3A = arith.constant 0 : i32
          %dma_wait3A_183 = tpu.memref_slice %arg13[%add3A_163, %dma_wait3A] : memref<8x128xi32, #tpu.memory_space<vmem>> -> memref<1x128xi32, #tpu.memory_space<vmem>>
          %dma_wait3A_184 = tpu.memref_squeeze %dma_wait3A_183 : memref<1x128xi32, #tpu.memory_space<vmem>> -> memref<128xi32, #tpu.memory_space<vmem>>
          %dma_wait3A_185 = arith.constant 0 : i32
          %dma_wait3A_186 = arith.constant 0 : i32
          %dma_wait3A_187 = tpu.memref_slice %arg2[%dma_wait3A_185, %dma_wait3A_186] : memref<20000x64xf32, #tpu.memory_space<hbm>> -> memref<20000x64xf32, #tpu.memory_space<hbm>>
          tpu.wait_indirect_dma semaphore(%run_scoped3A_177 : memref<!tpu.dma_semaphore, #tpu.memory_space<semaphore_mem>>) src(%dma_wait3A_187 : memref<20000x64xf32, #tpu.memory_space<hbm>>) dst(%arg12 : memref<128x64xf32, #tpu.memory_space<vmem>>)
          tpu.yield
        }) : () -> ()
        %scan3A_172 = arith.constant 0 : i32
        %scan3A_173 = arith.constant 8 : i32
        %scan3A_174 = arith.addi %scan3A_172, %scan3A_173 : i32
        %scan3A_175 = arith.constant 1 : i32
        scf.for %scan3A_177 = %scan3A_172 to %scan3A_174 step %scan3A_175  : i32 {
          %mul3A_178 = arith.constant 1 : i32
          %mul3A_179 = arith.muli %scan3A_177, %mul3A_178 : i32
          %add3A_180 = arith.constant 0 : i32
          %add3A_181 = arith.addi %add3A_180, %mul3A_179 : i32
          %mul3A_182 = arith.constant 16 : i32
          %mul3A_183 = arith.muli %add3A_181, %mul3A_182 : i32
          %broadcast_in_dim3A_184 = vector.broadcast %add3A_166 : i32 to vector<16xi32>
          %add3A_185 = arith.constant 0 : i32
          %add3A_186 = arith.addi %mul3A_183, %add3A_185 : i32
          %broadcast_in_dim3A_187 = vector.broadcast %add3A_186 : i32 to vector<16xi32>
          %gather3A = tpu.vector_load_idx %arg11[%broadcast_in_dim3A_184, %broadcast_in_dim3A_187] : memref<160x128xf32, #tpu.memory_space<vmem>>[vector<16xi32>, vector<16xi32>], vector<16xf32>,
          %add3A_188 = arith.constant 0 : i32
          %add3A_189 = arith.addi %mul3A_183, %add3A_188 : i32
          %get3A = arith.index_cast %add3A_189 : i32 to index
          %get3A_190 = arith.constant 0 : index
          %get3A_191 = tpu.vector_load %arg12[%get3A, %get3A_190] {strides = array<i32>} : memref<128x64xf32, #tpu.memory_space<vmem>>, vector<16xf32>,
          %mul3A_192 = arith.mulf %get3A_191, %gather3A : vector<16xf32>
          %add3A_193 = arith.constant 0 : i32
          %add3A_194 = arith.addi %mul3A_183, %add3A_193 : i32
          %swap3A_195 = arith.index_cast %add3A_194 : i32 to index
          %swap3A_196 = arith.constant 0 : index
          %swap3A_197 = tpu.vector_load %arg12[%swap3A_195, %swap3A_196] {strides = array<i32>} : memref<128x64xf32, #tpu.memory_space<vmem>>, vector<16xf32>,
          tpu.vector_store %arg12[%swap3A_195, %swap3A_196], %mul3A_192 {strides = array<i32>} : memref<128x64xf32, #tpu.memory_space<vmem>>, vector<16xf32>,
          %add3A_198 = arith.constant 0 : i32
          %add3A_199 = arith.addi %mul3A_183, %add3A_198 : i32
          %get3A_200 = arith.index_cast %add3A_199 : i32 to index
          %get3A_201 = arith.constant 16 : index
          %get3A_202 = tpu.vector_load %arg12[%get3A_200, %get3A_201] {strides = array<i32>} : memref<128x64xf32, #tpu.memory_space<vmem>>, vector<16xf32>,
          %mul3A_203 = arith.mulf %get3A_202, %gather3A : vector<16xf32>
          %add3A_204 = arith.constant 0 : i32
          %add3A_205 = arith.addi %mul3A_183, %add3A_204 : i32
          %swap3A_206 = arith.index_cast %add3A_205 : i32 to index
          %swap3A_207 = arith.constant 16 : index
          %swap3A_208 = tpu.vector_load %arg12[%swap3A_206, %swap3A_207] {strides = array<i32>} : memref<128x64xf32, #tpu.memory_space<vmem>>, vector<16xf32>,
          tpu.vector_store %arg12[%swap3A_206, %swap3A_207], %mul3A_203 {strides = array<i32>} : memref<128x64xf32, #tpu.memory_space<vmem>>, vector<16xf32>,
          %add3A_209 = arith.constant 0 : i32
          %add3A_210 = arith.addi %mul3A_183, %add3A_209 : i32
          %get3A_211 = arith.index_cast %add3A_210 : i32 to index
          %get3A_212 = arith.constant 32 : index
          %get3A_213 = tpu.vector_load %arg12[%get3A_211, %get3A_212] {strides = array<i32>} : memref<128x64xf32, #tpu.memory_space<vmem>>, vector<16xf32>,
          %mul3A_214 = arith.mulf %get3A_213, %gather3A : vector<16xf32>
          %add3A_215 = arith.constant 0 : i32
          %add3A_216 = arith.addi %mul3A_183, %add3A_215 : i32
          %swap3A_217 = arith.index_cast %add3A_216 : i32 to index
          %swap3A_218 = arith.constant 32 : index
          %swap3A_219 = tpu.vector_load %arg12[%swap3A_217, %swap3A_218] {strides = array<i32>} : memref<128x64xf32, #tpu.memory_space<vmem>>, vector<16xf32>,
          tpu.vector_store %arg12[%swap3A_217, %swap3A_218], %mul3A_214 {strides = array<i32>} : memref<128x64xf32, #tpu.memory_space<vmem>>, vector<16xf32>,
          %add3A_220 = arith.constant 0 : i32
          %add3A_221 = arith.addi %mul3A_183, %add3A_220 : i32
          %get3A_222 = arith.index_cast %add3A_221 : i32 to index
          %get3A_223 = arith.constant 48 : index
          %get3A_224 = tpu.vector_load %arg12[%get3A_222, %get3A_223] {strides = array<i32>} : memref<128x64xf32, #tpu.memory_space<vmem>>, vector<16xf32>,
          %mul3A_225 = arith.mulf %get3A_224, %gather3A : vector<16xf32>
          %add3A_226 = arith.constant 0 : i32
          %add3A_227 = arith.addi %mul3A_183, %add3A_226 : i32
          %swap3A_228 = arith.index_cast %add3A_227 : i32 to index
          %swap3A_229 = arith.constant 48 : index
          %swap3A_230 = tpu.vector_load %arg12[%swap3A_228, %swap3A_229] {strides = array<i32>} : memref<128x64xf32, #tpu.memory_space<vmem>>, vector<16xf32>,
          tpu.vector_store %arg12[%swap3A_228, %swap3A_229], %mul3A_225 {strides = array<i32>} : memref<128x64xf32, #tpu.memory_space<vmem>>, vector<16xf32>,
          %broadcast_in_dim3A_231 = vector.broadcast %add3A_166 : i32 to vector<16xi32>
          %add3A_232 = arith.constant 1 : i32
          %add3A_233 = arith.addi %mul3A_183, %add3A_232 : i32
          %broadcast_in_dim3A_234 = vector.broadcast %add3A_233 : i32 to vector<16xi32>
          %gather3A_235 = tpu.vector_load_idx %arg11[%broadcast_in_dim3A_231, %broadcast_in_dim3A_234] : memref<160x128xf32, #tpu.memory_space<vmem>>[vector<16xi32>, vector<16xi32>], vector<16xf32>,
          %add3A_236 = arith.constant 1 : i32
          %add3A_237 = arith.addi %mul3A_183, %add3A_236 : i32
          %get3A_238 = arith.index_cast %add3A_237 : i32 to index
          %get3A_239 = arith.constant 0 : index
          %get3A_240 = tpu.vector_load %arg12[%get3A_238, %get3A_239] {strides = array<i32>} : memref<128x64xf32, #tpu.memory_space<vmem>>, vector<16xf32>,
          %mul3A_241 = arith.mulf %get3A_240, %gather3A_235 : vector<16xf32>
          %add3A_242 = arith.constant 1 : i32
          %add3A_243 = arith.addi %mul3A_183, %add3A_242 : i32
          %swap3A_244 = arith.index_cast %add3A_243 : i32 to index
          %swap3A_245 = arith.constant 0 : index
          %swap3A_246 = tpu.vector_load %arg12[%swap3A_244, %swap3A_245] {strides = array<i32>} : memref<128x64xf32, #tpu.memory_space<vmem>>, vector<16xf32>,
          tpu.vector_store %arg12[%swap3A_244, %swap3A_245], %mul3A_241 {strides = array<i32>} : memref<128x64xf32, #tpu.memory_space<vmem>>, vector<16xf32>,
          %add3A_247 = arith.constant 1 : i32
          %add3A_248 = arith.addi %mul3A_183, %add3A_247 : i32
          %get3A_249 = arith.index_cast %add3A_248 : i32 to index
          %get3A_250 = arith.constant 16 : index
          %get3A_251 = tpu.vector_load %arg12[%get3A_249, %get3A_250] {strides = array<i32>} : memref<128x64xf32, #tpu.memory_space<vmem>>, vector<16xf32>,
          %mul3A_252 = arith.mulf %get3A_251, %gather3A_235 : vector<16xf32>
          %add3A_253 = arith.constant 1 : i32
          %add3A_254 = arith.addi %mul3A_183, %add3A_253 : i32
          %swap3A_255 = arith.index_cast %add3A_254 : i32 to index
          %swap3A_256 = arith.constant 16 : index
          %swap3A_257 = tpu.vector_load %arg12[%swap3A_255, %swap3A_256] {strides = array<i32>} : memref<128x64xf32, #tpu.memory_space<vmem>>, vector<16xf32>,
          tpu.vector_store %arg12[%swap3A_255, %swap3A_256], %mul3A_252 {strides = array<i32>} : memref<128x64xf32, #tpu.memory_space<vmem>>, vector<16xf32>,
          %add3A_258 = arith.constant 1 : i32
          %add3A_259 = arith.addi %mul3A_183, %add3A_258 : i32
          %get3A_260 = arith.index_cast %add3A_259 : i32 to index
          %get3A_261 = arith.constant 32 : index
          %get3A_262 = tpu.vector_load %arg12[%get3A_260, %get3A_261] {strides = array<i32>} : memref<128x64xf32, #tpu.memory_space<vmem>>, vector<16xf32>,
          %mul3A_263 = arith.mulf %get3A_262, %gather3A_235 : vector<16xf32>
          %add3A_264 = arith.constant 1 : i32
          %add3A_265 = arith.addi %mul3A_183, %add3A_264 : i32
          %swap3A_266 = arith.index_cast %add3A_265 : i32 to index
          %swap3A_267 = arith.constant 32 : index
          %swap3A_268 = tpu.vector_load %arg12[%swap3A_266, %swap3A_267] {strides = array<i32>} : memref<128x64xf32, #tpu.memory_space<vmem>>, vector<16xf32>,
          tpu.vector_store %arg12[%swap3A_266, %swap3A_267], %mul3A_263 {strides = array<i32>} : memref<128x64xf32, #tpu.memory_space<vmem>>, vector<16xf32>,
          %add3A_269 = arith.constant 1 : i32
          %add3A_270 = arith.addi %mul3A_183, %add3A_269 : i32
          %get3A_271 = arith.index_cast %add3A_270 : i32 to index
          %get3A_272 = arith.constant 48 : index
          %get3A_273 = tpu.vector_load %arg12[%get3A_271, %get3A_272] {strides = array<i32>} : memref<128x64xf32, #tpu.memory_space<vmem>>, vector<16xf32>,
          %mul3A_274 = arith.mulf %get3A_273, %gather3A_235 : vector<16xf32>
          %add3A_275 = arith.constant 1 : i32
          %add3A_276 = arith.addi %mul3A_183, %add3A_275 : i32
          %swap3A_277 = arith.index_cast %add3A_276 : i32 to index
          %swap3A_278 = arith.constant 48 : index
          %swap3A_279 = tpu.vector_load %arg12[%swap3A_277, %swap3A_278] {strides = array<i32>} : memref<128x64xf32, #tpu.memory_space<vmem>>, vector<16xf32>,
          tpu.vector_store %arg12[%swap3A_277, %swap3A_278], %mul3A_274 {strides = array<i32>} : memref<128x64xf32, #tpu.memory_space<vmem>>, vector<16xf32>,
          %broadcast_in_dim3A_280 = vector.broadcast %add3A_166 : i32 to vector<16xi32>
          %add3A_281 = arith.constant 2 : i32
          %add3A_282 = arith.addi %mul3A_183, %add3A_281 : i32
          %broadcast_in_dim3A_283 = vector.broadcast %add3A_282 : i32 to vector<16xi32>
          %gather3A_284 = tpu.vector_load_idx %arg11[%broadcast_in_dim3A_280, %broadcast_in_dim3A_283] : memref<160x128xf32, #tpu.memory_space<vmem>>[vector<16xi32>, vector<16xi32>], vector<16xf32>,
          %add3A_285 = arith.constant 2 : i32
          %add3A_286 = arith.addi %mul3A_183, %add3A_285 : i32
          %get3A_287 = arith.index_cast %add3A_286 : i32 to index
          %get3A_288 = arith.constant 0 : index
          %get3A_289 = tpu.vector_load %arg12[%get3A_287, %get3A_288] {strides = array<i32>} : memref<128x64xf32, #tpu.memory_space<vmem>>, vector<16xf32>,
          %mul3A_290 = arith.mulf %get3A_289, %gather3A_284 : vector<16xf32>
          %add3A_291 = arith.constant 2 : i32
          %add3A_292 = arith.addi %mul3A_183, %add3A_291 : i32
          %swap3A_293 = arith.index_cast %add3A_292 : i32 to index
          %swap3A_294 = arith.constant 0 : index
          %swap3A_295 = tpu.vector_load %arg12[%swap3A_293, %swap3A_294] {strides = array<i32>} : memref<128x64xf32, #tpu.memory_space<vmem>>, vector<16xf32>,
          tpu.vector_store %arg12[%swap3A_293, %swap3A_294], %mul3A_290 {strides = array<i32>} : memref<128x64xf32, #tpu.memory_space<vmem>>, vector<16xf32>,
          %add3A_296 = arith.constant 2 : i32
          %add3A_297 = arith.addi %mul3A_183, %add3A_296 : i32
          %get3A_298 = arith.index_cast %add3A_297 : i32 to index
          %get3A_299 = arith.constant 16 : index
          %get3A_300 = tpu.vector_load %arg12[%get3A_298, %get3A_299] {strides = array<i32>} : memref<128x64xf32, #tpu.memory_space<vmem>>, vector<16xf32>,
          %mul3A_301 = arith.mulf %get3A_300, %gather3A_284 : vector<16xf32>
          %add3A_302 = arith.constant 2 : i32
          %add3A_303 = arith.addi %mul3A_183, %add3A_302 : i32
          %swap3A_304 = arith.index_cast %add3A_303 : i32 to index
          %swap3A_305 = arith.constant 16 : index
          %swap3A_306 = tpu.vector_load %arg12[%swap3A_304, %swap3A_305] {strides = array<i32>} : memref<128x64xf32, #tpu.memory_space<vmem>>, vector<16xf32>,
          tpu.vector_store %arg12[%swap3A_304, %swap3A_305], %mul3A_301 {strides = array<i32>} : memref<128x64xf32, #tpu.memory_space<vmem>>, vector<16xf32>,
          %add3A_307 = arith.constant 2 : i32
          %add3A_308 = arith.addi %mul3A_183, %add3A_307 : i32
          %get3A_309 = arith.index_cast %add3A_308 : i32 to index
          %get3A_310 = arith.constant 32 : index
          %get3A_311 = tpu.vector_load %arg12[%get3A_309, %get3A_310] {strides = array<i32>} : memref<128x64xf32, #tpu.memory_space<vmem>>, vector<16xf32>,
          %mul3A_312 = arith.mulf %get3A_311, %gather3A_284 : vector<16xf32>
          %add3A_313 = arith.constant 2 : i32
          %add3A_314 = arith.addi %mul3A_183, %add3A_313 : i32
          %swap3A_315 = arith.index_cast %add3A_314 : i32 to index
          %swap3A_316 = arith.constant 32 : index
          %swap3A_317 = tpu.vector_load %arg12[%swap3A_315, %swap3A_316] {strides = array<i32>} : memref<128x64xf32, #tpu.memory_space<vmem>>, vector<16xf32>,
          tpu.vector_store %arg12[%swap3A_315, %swap3A_316], %mul3A_312 {strides = array<i32>} : memref<128x64xf32, #tpu.memory_space<vmem>>, vector<16xf32>,
          %add3A_318 = arith.constant 2 : i32
          %add3A_319 = arith.addi %mul3A_183, %add3A_318 : i32
          %get3A_320 = arith.index_cast %add3A_319 : i32 to index
          %get3A_321 = arith.constant 48 : index
          %get3A_322 = tpu.vector_load %arg12[%get3A_320, %get3A_321] {strides = array<i32>} : memref<128x64xf32, #tpu.memory_space<vmem>>, vector<16xf32>,
          %mul3A_323 = arith.mulf %get3A_322, %gather3A_284 : vector<16xf32>
          %add3A_324 = arith.constant 2 : i32
          %add3A_325 = arith.addi %mul3A_183, %add3A_324 : i32
          %swap3A_326 = arith.index_cast %add3A_325 : i32 to index
          %swap3A_327 = arith.constant 48 : index
          %swap3A_328 = tpu.vector_load %arg12[%swap3A_326, %swap3A_327] {strides = array<i32>} : memref<128x64xf32, #tpu.memory_space<vmem>>, vector<16xf32>,
          tpu.vector_store %arg12[%swap3A_326, %swap3A_327], %mul3A_323 {strides = array<i32>} : memref<128x64xf32, #tpu.memory_space<vmem>>, vector<16xf32>,
          %broadcast_in_dim3A_329 = vector.broadcast %add3A_166 : i32 to vector<16xi32>
          %add3A_330 = arith.constant 3 : i32
          %add3A_331 = arith.addi %mul3A_183, %add3A_330 : i32
          %broadcast_in_dim3A_332 = vector.broadcast %add3A_331 : i32 to vector<16xi32>
          %gather3A_333 = tpu.vector_load_idx %arg11[%broadcast_in_dim3A_329, %broadcast_in_dim3A_332] : memref<160x128xf32, #tpu.memory_space<vmem>>[vector<16xi32>, vector<16xi32>], vector<16xf32>,
          %add3A_334 = arith.constant 3 : i32
          %add3A_335 = arith.addi %mul3A_183, %add3A_334 : i32
          %get3A_336 = arith.index_cast %add3A_335 : i32 to index
          %get3A_337 = arith.constant 0 : index
          %get3A_338 = tpu.vector_load %arg12[%get3A_336, %get3A_337] {strides = array<i32>} : memref<128x64xf32, #tpu.memory_space<vmem>>, vector<16xf32>,
          %mul3A_339 = arith.mulf %get3A_338, %gather3A_333 : vector<16xf32>
          %add3A_340 = arith.constant 3 : i32
          %add3A_341 = arith.addi %mul3A_183, %add3A_340 : i32
          %swap3A_342 = arith.index_cast %add3A_341 : i32 to index
          %swap3A_343 = arith.constant 0 : index
          %swap3A_344 = tpu.vector_load %arg12[%swap3A_342, %swap3A_343] {strides = array<i32>} : memref<128x64xf32, #tpu.memory_space<vmem>>, vector<16xf32>,
          tpu.vector_store %arg12[%swap3A_342, %swap3A_343], %mul3A_339 {strides = array<i32>} : memref<128x64xf32, #tpu.memory_space<vmem>>, vector<16xf32>,
          %add3A_345 = arith.constant 3 : i32
          %add3A_346 = arith.addi %mul3A_183, %add3A_345 : i32
          %get3A_347 = arith.index_cast %add3A_346 : i32 to index
          %get3A_348 = arith.constant 16 : index
          %get3A_349 = tpu.vector_load %arg12[%get3A_347, %get3A_348] {strides = array<i32>} : memref<128x64xf32, #tpu.memory_space<vmem>>, vector<16xf32>,
          %mul3A_350 = arith.mulf %get3A_349, %gather3A_333 : vector<16xf32>
          %add3A_351 = arith.constant 3 : i32
          %add3A_352 = arith.addi %mul3A_183, %add3A_351 : i32
          %swap3A_353 = arith.index_cast %add3A_352 : i32 to index
          %swap3A_354 = arith.constant 16 : index
          %swap3A_355 = tpu.vector_load %arg12[%swap3A_353, %swap3A_354] {strides = array<i32>} : memref<128x64xf32, #tpu.memory_space<vmem>>, vector<16xf32>,
          tpu.vector_store %arg12[%swap3A_353, %swap3A_354], %mul3A_350 {strides = array<i32>} : memref<128x64xf32, #tpu.memory_space<vmem>>, vector<16xf32>,
          %add3A_356 = arith.constant 3 : i32
          %add3A_357 = arith.addi %mul3A_183, %add3A_356 : i32
          %get3A_358 = arith.index_cast %add3A_357 : i32 to index
          %get3A_359 = arith.constant 32 : index
          %get3A_360 = tpu.vector_load %arg12[%get3A_358, %get3A_359] {strides = array<i32>} : memref<128x64xf32, #tpu.memory_space<vmem>>, vector<16xf32>,
          %mul3A_361 = arith.mulf %get3A_360, %gather3A_333 : vector<16xf32>
          %add3A_362 = arith.constant 3 : i32
          %add3A_363 = arith.addi %mul3A_183, %add3A_362 : i32
          %swap3A_364 = arith.index_cast %add3A_363 : i32 to index
          %swap3A_365 = arith.constant 32 : index
          %swap3A_366 = tpu.vector_load %arg12[%swap3A_364, %swap3A_365] {strides = array<i32>} : memref<128x64xf32, #tpu.memory_space<vmem>>, vector<16xf32>,
          tpu.vector_store %arg12[%swap3A_364, %swap3A_365], %mul3A_361 {strides = array<i32>} : memref<128x64xf32, #tpu.memory_space<vmem>>, vector<16xf32>,
          %add3A_367 = arith.constant 3 : i32
          %add3A_368 = arith.addi %mul3A_183, %add3A_367 : i32
          %get3A_369 = arith.index_cast %add3A_368 : i32 to index
          %get3A_370 = arith.constant 48 : index
          %get3A_371 = tpu.vector_load %arg12[%get3A_369, %get3A_370] {strides = array<i32>} : memref<128x64xf32, #tpu.memory_space<vmem>>, vector<16xf32>,
          %mul3A_372 = arith.mulf %get3A_371, %gather3A_333 : vector<16xf32>
          %add3A_373 = arith.constant 3 : i32
          %add3A_374 = arith.addi %mul3A_183, %add3A_373 : i32
          %swap3A_375 = arith.index_cast %add3A_374 : i32 to index
          %swap3A_376 = arith.constant 48 : index
          %swap3A_377 = tpu.vector_load %arg12[%swap3A_375, %swap3A_376] {strides = array<i32>} : memref<128x64xf32, #tpu.memory_space<vmem>>, vector<16xf32>,
          tpu.vector_store %arg12[%swap3A_375, %swap3A_376], %mul3A_372 {strides = array<i32>} : memref<128x64xf32, #tpu.memory_space<vmem>>, vector<16xf32>,
          %broadcast_in_dim3A_378 = vector.broadcast %add3A_166 : i32 to vector<16xi32>
          %add3A_379 = arith.constant 4 : i32
          %add3A_380 = arith.addi %mul3A_183, %add3A_379 : i32
          %broadcast_in_dim3A_381 = vector.broadcast %add3A_380 : i32 to vector<16xi32>
          %gather3A_382 = tpu.vector_load_idx %arg11[%broadcast_in_dim3A_378, %broadcast_in_dim3A_381] : memref<160x128xf32, #tpu.memory_space<vmem>>[vector<16xi32>, vector<16xi32>], vector<16xf32>,
          %add3A_383 = arith.constant 4 : i32
          %add3A_384 = arith.addi %mul3A_183, %add3A_383 : i32
          %get3A_385 = arith.index_cast %add3A_384 : i32 to index
          %get3A_386 = arith.constant 0 : index
          %get3A_387 = tpu.vector_load %arg12[%get3A_385, %get3A_386] {strides = array<i32>} : memref<128x64xf32, #tpu.memory_space<vmem>>, vector<16xf32>,
          %mul3A_388 = arith.mulf %get3A_387, %gather3A_382 : vector<16xf32>
          %add3A_389 = arith.constant 4 : i32
          %add3A_390 = arith.addi %mul3A_183, %add3A_389 : i32
          %swap3A_391 = arith.index_cast %add3A_390 : i32 to index
          %swap3A_392 = arith.constant 0 : index
          %swap3A_393 = tpu.vector_load %arg12[%swap3A_391, %swap3A_392] {strides = array<i32>} : memref<128x64xf32, #tpu.memory_space<vmem>>, vector<16xf32>,
          tpu.vector_store %arg12[%swap3A_391, %swap3A_392], %mul3A_388 {strides = array<i32>} : memref<128x64xf32, #tpu.memory_space<vmem>>, vector<16xf32>,
          %add3A_394 = arith.constant 4 : i32
          %add3A_395 = arith.addi %mul3A_183, %add3A_394 : i32
          %get3A_396 = arith.index_cast %add3A_395 : i32 to index
          %get3A_397 = arith.constant 16 : index
          %get3A_398 = tpu.vector_load %arg12[%get3A_396, %get3A_397] {strides = array<i32>} : memref<128x64xf32, #tpu.memory_space<vmem>>, vector<16xf32>,
          %mul3A_399 = arith.mulf %get3A_398, %gather3A_382 : vector<16xf32>
          %add3A_400 = arith.constant 4 : i32
          %add3A_401 = arith.addi %mul3A_183, %add3A_400 : i32
          %swap3A_402 = arith.index_cast %add3A_401 : i32 to index
          %swap3A_403 = arith.constant 16 : index
          %swap3A_404 = tpu.vector_load %arg12[%swap3A_402, %swap3A_403] {strides = array<i32>} : memref<128x64xf32, #tpu.memory_space<vmem>>, vector<16xf32>,
          tpu.vector_store %arg12[%swap3A_402, %swap3A_403], %mul3A_399 {strides = array<i32>} : memref<128x64xf32, #tpu.memory_space<vmem>>, vector<16xf32>,
          %add3A_405 = arith.constant 4 : i32
          %add3A_406 = arith.addi %mul3A_183, %add3A_405 : i32
          %get3A_407 = arith.index_cast %add3A_406 : i32 to index
          %get3A_408 = arith.constant 32 : index
          %get3A_409 = tpu.vector_load %arg12[%get3A_407, %get3A_408] {strides = array<i32>} : memref<128x64xf32, #tpu.memory_space<vmem>>, vector<16xf32>,
          %mul3A_410 = arith.mulf %get3A_409, %gather3A_382 : vector<16xf32>
          %add3A_411 = arith.constant 4 : i32
          %add3A_412 = arith.addi %mul3A_183, %add3A_411 : i32
          %swap3A_413 = arith.index_cast %add3A_412 : i32 to index
          %swap3A_414 = arith.constant 32 : index
          %swap3A_415 = tpu.vector_load %arg12[%swap3A_413, %swap3A_414] {strides = array<i32>} : memref<128x64xf32, #tpu.memory_space<vmem>>, vector<16xf32>,
          tpu.vector_store %arg12[%swap3A_413, %swap3A_414], %mul3A_410 {strides = array<i32>} : memref<128x64xf32, #tpu.memory_space<vmem>>, vector<16xf32>,
          %add3A_416 = arith.constant 4 : i32
          %add3A_417 = arith.addi %mul3A_183, %add3A_416 : i32
          %get3A_418 = arith.index_cast %add3A_417 : i32 to index
          %get3A_419 = arith.constant 48 : index
          %get3A_420 = tpu.vector_load %arg12[%get3A_418, %get3A_419] {strides = array<i32>} : memref<128x64xf32, #tpu.memory_space<vmem>>, vector<16xf32>,
          %mul3A_421 = arith.mulf %get3A_420, %gather3A_382 : vector<16xf32>
          %add3A_422 = arith.constant 4 : i32
          %add3A_423 = arith.addi %mul3A_183, %add3A_422 : i32
          %swap3A_424 = arith.index_cast %add3A_423 : i32 to index
          %swap3A_425 = arith.constant 48 : index
          %swap3A_426 = tpu.vector_load %arg12[%swap3A_424, %swap3A_425] {strides = array<i32>} : memref<128x64xf32, #tpu.memory_space<vmem>>, vector<16xf32>,
          tpu.vector_store %arg12[%swap3A_424, %swap3A_425], %mul3A_421 {strides = array<i32>} : memref<128x64xf32, #tpu.memory_space<vmem>>, vector<16xf32>,
          %broadcast_in_dim3A_427 = vector.broadcast %add3A_166 : i32 to vector<16xi32>
          %add3A_428 = arith.constant 5 : i32
          %add3A_429 = arith.addi %mul3A_183, %add3A_428 : i32
          %broadcast_in_dim3A_430 = vector.broadcast %add3A_429 : i32 to vector<16xi32>
          %gather3A_431 = tpu.vector_load_idx %arg11[%broadcast_in_dim3A_427, %broadcast_in_dim3A_430] : memref<160x128xf32, #tpu.memory_space<vmem>>[vector<16xi32>, vector<16xi32>], vector<16xf32>,
          %add3A_432 = arith.constant 5 : i32
          %add3A_433 = arith.addi %mul3A_183, %add3A_432 : i32
          %get3A_434 = arith.index_cast %add3A_433 : i32 to index
          %get3A_435 = arith.constant 0 : index
          %get3A_436 = tpu.vector_load %arg12[%get3A_434, %get3A_435] {strides = array<i32>} : memref<128x64xf32, #tpu.memory_space<vmem>>, vector<16xf32>,
          %mul3A_437 = arith.mulf %get3A_436, %gather3A_431 : vector<16xf32>
          %add3A_438 = arith.constant 5 : i32
          %add3A_439 = arith.addi %mul3A_183, %add3A_438 : i32
          %swap3A_440 = arith.index_cast %add3A_439 : i32 to index
          %swap3A_441 = arith.constant 0 : index
          %swap3A_442 = tpu.vector_load %arg12[%swap3A_440, %swap3A_441] {strides = array<i32>} : memref<128x64xf32, #tpu.memory_space<vmem>>, vector<16xf32>,
          tpu.vector_store %arg12[%swap3A_440, %swap3A_441], %mul3A_437 {strides = array<i32>} : memref<128x64xf32, #tpu.memory_space<vmem>>, vector<16xf32>,
          %add3A_443 = arith.constant 5 : i32
          %add3A_444 = arith.addi %mul3A_183, %add3A_443 : i32
          %get3A_445 = arith.index_cast %add3A_444 : i32 to index
          %get3A_446 = arith.constant 16 : index
          %get3A_447 = tpu.vector_load %arg12[%get3A_445, %get3A_446] {strides = array<i32>} : memref<128x64xf32, #tpu.memory_space<vmem>>, vector<16xf32>,
          %mul3A_448 = arith.mulf %get3A_447, %gather3A_431 : vector<16xf32>
          %add3A_449 = arith.constant 5 : i32
          %add3A_450 = arith.addi %mul3A_183, %add3A_449 : i32
          %swap3A_451 = arith.index_cast %add3A_450 : i32 to index
          %swap3A_452 = arith.constant 16 : index
          %swap3A_453 = tpu.vector_load %arg12[%swap3A_451, %swap3A_452] {strides = array<i32>} : memref<128x64xf32, #tpu.memory_space<vmem>>, vector<16xf32>,
          tpu.vector_store %arg12[%swap3A_451, %swap3A_452], %mul3A_448 {strides = array<i32>} : memref<128x64xf32, #tpu.memory_space<vmem>>, vector<16xf32>,
          %add3A_454 = arith.constant 5 : i32
          %add3A_455 = arith.addi %mul3A_183, %add3A_454 : i32
          %get3A_456 = arith.index_cast %add3A_455 : i32 to index
          %get3A_457 = arith.constant 32 : index
          %get3A_458 = tpu.vector_load %arg12[%get3A_456, %get3A_457] {strides = array<i32>} : memref<128x64xf32, #tpu.memory_space<vmem>>, vector<16xf32>,
          %mul3A_459 = arith.mulf %get3A_458, %gather3A_431 : vector<16xf32>
          %add3A_460 = arith.constant 5 : i32
          %add3A_461 = arith.addi %mul3A_183, %add3A_460 : i32
          %swap3A_462 = arith.index_cast %add3A_461 : i32 to index
          %swap3A_463 = arith.constant 32 : index
          %swap3A_464 = tpu.vector_load %arg12[%swap3A_462, %swap3A_463] {strides = array<i32>} : memref<128x64xf32, #tpu.memory_space<vmem>>, vector<16xf32>,
          tpu.vector_store %arg12[%swap3A_462, %swap3A_463], %mul3A_459 {strides = array<i32>} : memref<128x64xf32, #tpu.memory_space<vmem>>, vector<16xf32>,
          %add3A_465 = arith.constant 5 : i32
          %add3A_466 = arith.addi %mul3A_183, %add3A_465 : i32
          %get3A_467 = arith.index_cast %add3A_466 : i32 to index
          %get3A_468 = arith.constant 48 : index
          %get3A_469 = tpu.vector_load %arg12[%get3A_467, %get3A_468] {strides = array<i32>} : memref<128x64xf32, #tpu.memory_space<vmem>>, vector<16xf32>,
          %mul3A_470 = arith.mulf %get3A_469, %gather3A_431 : vector<16xf32>
          %add3A_471 = arith.constant 5 : i32
          %add3A_472 = arith.addi %mul3A_183, %add3A_471 : i32
          %swap3A_473 = arith.index_cast %add3A_472 : i32 to index
          %swap3A_474 = arith.constant 48 : index
          %swap3A_475 = tpu.vector_load %arg12[%swap3A_473, %swap3A_474] {strides = array<i32>} : memref<128x64xf32, #tpu.memory_space<vmem>>, vector<16xf32>,
          tpu.vector_store %arg12[%swap3A_473, %swap3A_474], %mul3A_470 {strides = array<i32>} : memref<128x64xf32, #tpu.memory_space<vmem>>, vector<16xf32>,
          %broadcast_in_dim3A_476 = vector.broadcast %add3A_166 : i32 to vector<16xi32>
          %add3A_477 = arith.constant 6 : i32
          %add3A_478 = arith.addi %mul3A_183, %add3A_477 : i32
          %broadcast_in_dim3A_479 = vector.broadcast %add3A_478 : i32 to vector<16xi32>
          %gather3A_480 = tpu.vector_load_idx %arg11[%broadcast_in_dim3A_476, %broadcast_in_dim3A_479] : memref<160x128xf32, #tpu.memory_space<vmem>>[vector<16xi32>, vector<16xi32>], vector<16xf32>,
          %add3A_481 = arith.constant 6 : i32
          %add3A_482 = arith.addi %mul3A_183, %add3A_481 : i32
          %get3A_483 = arith.index_cast %add3A_482 : i32 to index
          %get3A_484 = arith.constant 0 : index
          %get3A_485 = tpu.vector_load %arg12[%get3A_483, %get3A_484] {strides = array<i32>} : memref<128x64xf32, #tpu.memory_space<vmem>>, vector<16xf32>,
          %mul3A_486 = arith.mulf %get3A_485, %gather3A_480 : vector<16xf32>
          %add3A_487 = arith.constant 6 : i32
          %add3A_488 = arith.addi %mul3A_183, %add3A_487 : i32
          %swap3A_489 = arith.index_cast %add3A_488 : i32 to index
          %swap3A_490 = arith.constant 0 : index
          %swap3A_491 = tpu.vector_load %arg12[%swap3A_489, %swap3A_490] {strides = array<i32>} : memref<128x64xf32, #tpu.memory_space<vmem>>, vector<16xf32>,
          tpu.vector_store %arg12[%swap3A_489, %swap3A_490], %mul3A_486 {strides = array<i32>} : memref<128x64xf32, #tpu.memory_space<vmem>>, vector<16xf32>,
          %add3A_492 = arith.constant 6 : i32
          %add3A_493 = arith.addi %mul3A_183, %add3A_492 : i32
          %get3A_494 = arith.index_cast %add3A_493 : i32 to index
          %get3A_495 = arith.constant 16 : index
          %get3A_496 = tpu.vector_load %arg12[%get3A_494, %get3A_495] {strides = array<i32>} : memref<128x64xf32, #tpu.memory_space<vmem>>, vector<16xf32>,
          %mul3A_497 = arith.mulf %get3A_496, %gather3A_480 : vector<16xf32>
          %add3A_498 = arith.constant 6 : i32
          %add3A_499 = arith.addi %mul3A_183, %add3A_498 : i32
          %swap3A_500 = arith.index_cast %add3A_499 : i32 to index
          %swap3A_501 = arith.constant 16 : index
          %swap3A_502 = tpu.vector_load %arg12[%swap3A_500, %swap3A_501] {strides = array<i32>} : memref<128x64xf32, #tpu.memory_space<vmem>>, vector<16xf32>,
          tpu.vector_store %arg12[%swap3A_500, %swap3A_501], %mul3A_497 {strides = array<i32>} : memref<128x64xf32, #tpu.memory_space<vmem>>, vector<16xf32>,
          %add3A_503 = arith.constant 6 : i32
          %add3A_504 = arith.addi %mul3A_183, %add3A_503 : i32
          %get3A_505 = arith.index_cast %add3A_504 : i32 to index
          %get3A_506 = arith.constant 32 : index
          %get3A_507 = tpu.vector_load %arg12[%get3A_505, %get3A_506] {strides = array<i32>} : memref<128x64xf32, #tpu.memory_space<vmem>>, vector<16xf32>,
          %mul3A_508 = arith.mulf %get3A_507, %gather3A_480 : vector<16xf32>
          %add3A_509 = arith.constant 6 : i32
          %add3A_510 = arith.addi %mul3A_183, %add3A_509 : i32
          %swap3A_511 = arith.index_cast %add3A_510 : i32 to index
          %swap3A_512 = arith.constant 32 : index
          %swap3A_513 = tpu.vector_load %arg12[%swap3A_511, %swap3A_512] {strides = array<i32>} : memref<128x64xf32, #tpu.memory_space<vmem>>, vector<16xf32>,
          tpu.vector_store %arg12[%swap3A_511, %swap3A_512], %mul3A_508 {strides = array<i32>} : memref<128x64xf32, #tpu.memory_space<vmem>>, vector<16xf32>,
          %add3A_514 = arith.constant 6 : i32
          %add3A_515 = arith.addi %mul3A_183, %add3A_514 : i32
          %get3A_516 = arith.index_cast %add3A_515 : i32 to index
          %get3A_517 = arith.constant 48 : index
          %get3A_518 = tpu.vector_load %arg12[%get3A_516, %get3A_517] {strides = array<i32>} : memref<128x64xf32, #tpu.memory_space<vmem>>, vector<16xf32>,
          %mul3A_519 = arith.mulf %get3A_518, %gather3A_480 : vector<16xf32>
          %add3A_520 = arith.constant 6 : i32
          %add3A_521 = arith.addi %mul3A_183, %add3A_520 : i32
          %swap3A_522 = arith.index_cast %add3A_521 : i32 to index
          %swap3A_523 = arith.constant 48 : index
          %swap3A_524 = tpu.vector_load %arg12[%swap3A_522, %swap3A_523] {strides = array<i32>} : memref<128x64xf32, #tpu.memory_space<vmem>>, vector<16xf32>,
          tpu.vector_store %arg12[%swap3A_522, %swap3A_523], %mul3A_519 {strides = array<i32>} : memref<128x64xf32, #tpu.memory_space<vmem>>, vector<16xf32>,
          %broadcast_in_dim3A_525 = vector.broadcast %add3A_166 : i32 to vector<16xi32>
          %add3A_526 = arith.constant 7 : i32
          %add3A_527 = arith.addi %mul3A_183, %add3A_526 : i32
          %broadcast_in_dim3A_528 = vector.broadcast %add3A_527 : i32 to vector<16xi32>
          %gather3A_529 = tpu.vector_load_idx %arg11[%broadcast_in_dim3A_525, %broadcast_in_dim3A_528] : memref<160x128xf32, #tpu.memory_space<vmem>>[vector<16xi32>, vector<16xi32>], vector<16xf32>,
          %add3A_530 = arith.constant 7 : i32
          %add3A_531 = arith.addi %mul3A_183, %add3A_530 : i32
          %get3A_532 = arith.index_cast %add3A_531 : i32 to index
          %get3A_533 = arith.constant 0 : index
          %get3A_534 = tpu.vector_load %arg12[%get3A_532, %get3A_533] {strides = array<i32>} : memref<128x64xf32, #tpu.memory_space<vmem>>, vector<16xf32>,
          %mul3A_535 = arith.mulf %get3A_534, %gather3A_529 : vector<16xf32>
          %add3A_536 = arith.constant 7 : i32
          %add3A_537 = arith.addi %mul3A_183, %add3A_536 : i32
          %swap3A_538 = arith.index_cast %add3A_537 : i32 to index
          %swap3A_539 = arith.constant 0 : index
          %swap3A_540 = tpu.vector_load %arg12[%swap3A_538, %swap3A_539] {strides = array<i32>} : memref<128x64xf32, #tpu.memory_space<vmem>>, vector<16xf32>,
          tpu.vector_store %arg12[%swap3A_538, %swap3A_539], %mul3A_535 {strides = array<i32>} : memref<128x64xf32, #tpu.memory_space<vmem>>, vector<16xf32>,
          %add3A_541 = arith.constant 7 : i32
          %add3A_542 = arith.addi %mul3A_183, %add3A_541 : i32
          %get3A_543 = arith.index_cast %add3A_542 : i32 to index
          %get3A_544 = arith.constant 16 : index
          %get3A_545 = tpu.vector_load %arg12[%get3A_543, %get3A_544] {strides = array<i32>} : memref<128x64xf32, #tpu.memory_space<vmem>>, vector<16xf32>,
          %mul3A_546 = arith.mulf %get3A_545, %gather3A_529 : vector<16xf32>
          %add3A_547 = arith.constant 7 : i32
          %add3A_548 = arith.addi %mul3A_183, %add3A_547 : i32
          %swap3A_549 = arith.index_cast %add3A_548 : i32 to index
          %swap3A_550 = arith.constant 16 : index
          %swap3A_551 = tpu.vector_load %arg12[%swap3A_549, %swap3A_550] {strides = array<i32>} : memref<128x64xf32, #tpu.memory_space<vmem>>, vector<16xf32>,
          tpu.vector_store %arg12[%swap3A_549, %swap3A_550], %mul3A_546 {strides = array<i32>} : memref<128x64xf32, #tpu.memory_space<vmem>>, vector<16xf32>,
          %add3A_552 = arith.constant 7 : i32
          %add3A_553 = arith.addi %mul3A_183, %add3A_552 : i32
          %get3A_554 = arith.index_cast %add3A_553 : i32 to index
          %get3A_555 = arith.constant 32 : index
          %get3A_556 = tpu.vector_load %arg12[%get3A_554, %get3A_555] {strides = array<i32>} : memref<128x64xf32, #tpu.memory_space<vmem>>, vector<16xf32>,
          %mul3A_557 = arith.mulf %get3A_556, %gather3A_529 : vector<16xf32>
          %add3A_558 = arith.constant 7 : i32
          %add3A_559 = arith.addi %mul3A_183, %add3A_558 : i32
          %swap3A_560 = arith.index_cast %add3A_559 : i32 to index
          %swap3A_561 = arith.constant 32 : index
          %swap3A_562 = tpu.vector_load %arg12[%swap3A_560, %swap3A_561] {strides = array<i32>} : memref<128x64xf32, #tpu.memory_space<vmem>>, vector<16xf32>,
          tpu.vector_store %arg12[%swap3A_560, %swap3A_561], %mul3A_557 {strides = array<i32>} : memref<128x64xf32, #tpu.memory_space<vmem>>, vector<16xf32>,
          %add3A_563 = arith.constant 7 : i32
          %add3A_564 = arith.addi %mul3A_183, %add3A_563 : i32
          %get3A_565 = arith.index_cast %add3A_564 : i32 to index
          %get3A_566 = arith.constant 48 : index
          %get3A_567 = tpu.vector_load %arg12[%get3A_565, %get3A_566] {strides = array<i32>} : memref<128x64xf32, #tpu.memory_space<vmem>>, vector<16xf32>,
          %mul3A_568 = arith.mulf %get3A_567, %gather3A_529 : vector<16xf32>
          %add3A_569 = arith.constant 7 : i32
          %add3A_570 = arith.addi %mul3A_183, %add3A_569 : i32
          %swap3A_571 = arith.index_cast %add3A_570 : i32 to index
          %swap3A_572 = arith.constant 48 : index
          %swap3A_573 = tpu.vector_load %arg12[%swap3A_571, %swap3A_572] {strides = array<i32>} : memref<128x64xf32, #tpu.memory_space<vmem>>, vector<16xf32>,
          tpu.vector_store %arg12[%swap3A_571, %swap3A_572], %mul3A_568 {strides = array<i32>} : memref<128x64xf32, #tpu.memory_space<vmem>>, vector<16xf32>,
          %broadcast_in_dim3A_574 = vector.broadcast %add3A_166 : i32 to vector<16xi32>
          %add3A_575 = arith.constant 8 : i32
          %add3A_576 = arith.addi %mul3A_183, %add3A_575 : i32
          %broadcast_in_dim3A_577 = vector.broadcast %add3A_576 : i32 to vector<16xi32>
          %gather3A_578 = tpu.vector_load_idx %arg11[%broadcast_in_dim3A_574, %broadcast_in_dim3A_577] : memref<160x128xf32, #tpu.memory_space<vmem>>[vector<16xi32>, vector<16xi32>], vector<16xf32>,
          %add3A_579 = arith.constant 8 : i32
          %add3A_580 = arith.addi %mul3A_183, %add3A_579 : i32
          %get3A_581 = arith.index_cast %add3A_580 : i32 to index
          %get3A_582 = arith.constant 0 : index
          %get3A_583 = tpu.vector_load %arg12[%get3A_581, %get3A_582] {strides = array<i32>} : memref<128x64xf32, #tpu.memory_space<vmem>>, vector<16xf32>,
          %mul3A_584 = arith.mulf %get3A_583, %gather3A_578 : vector<16xf32>
          %add3A_585 = arith.constant 8 : i32
          %add3A_586 = arith.addi %mul3A_183, %add3A_585 : i32
          %swap3A_587 = arith.index_cast %add3A_586 : i32 to index
          %swap3A_588 = arith.constant 0 : index
          %swap3A_589 = tpu.vector_load %arg12[%swap3A_587, %swap3A_588] {strides = array<i32>} : memref<128x64xf32, #tpu.memory_space<vmem>>, vector<16xf32>,
          tpu.vector_store %arg12[%swap3A_587, %swap3A_588], %mul3A_584 {strides = array<i32>} : memref<128x64xf32, #tpu.memory_space<vmem>>, vector<16xf32>,
          %add3A_590 = arith.constant 8 : i32
          %add3A_591 = arith.addi %mul3A_183, %add3A_590 : i32
          %get3A_592 = arith.index_cast %add3A_591 : i32 to index
          %get3A_593 = arith.constant 16 : index
          %get3A_594 = tpu.vector_load %arg12[%get3A_592, %get3A_593] {strides = array<i32>} : memref<128x64xf32, #tpu.memory_space<vmem>>, vector<16xf32>,
          %mul3A_595 = arith.mulf %get3A_594, %gather3A_578 : vector<16xf32>
          %add3A_596 = arith.constant 8 : i32
          %add3A_597 = arith.addi %mul3A_183, %add3A_596 : i32
          %swap3A_598 = arith.index_cast %add3A_597 : i32 to index
          %swap3A_599 = arith.constant 16 : index
          %swap3A_600 = tpu.vector_load %arg12[%swap3A_598, %swap3A_599] {strides = array<i32>} : memref<128x64xf32, #tpu.memory_space<vmem>>, vector<16xf32>,
          tpu.vector_store %arg12[%swap3A_598, %swap3A_599], %mul3A_595 {strides = array<i32>} : memref<128x64xf32, #tpu.memory_space<vmem>>, vector<16xf32>,
          %add3A_601 = arith.constant 8 : i32
          %add3A_602 = arith.addi %mul3A_183, %add3A_601 : i32
          %get3A_603 = arith.index_cast %add3A_602 : i32 to index
          %get3A_604 = arith.constant 32 : index
          %get3A_605 = tpu.vector_load %arg12[%get3A_603, %get3A_604] {strides = array<i32>} : memref<128x64xf32, #tpu.memory_space<vmem>>, vector<16xf32>,
          %mul3A_606 = arith.mulf %get3A_605, %gather3A_578 : vector<16xf32>
          %add3A_607 = arith.constant 8 : i32
          %add3A_608 = arith.addi %mul3A_183, %add3A_607 : i32
          %swap3A_609 = arith.index_cast %add3A_608 : i32 to index
          %swap3A_610 = arith.constant 32 : index
          %swap3A_611 = tpu.vector_load %arg12[%swap3A_609, %swap3A_610] {strides = array<i32>} : memref<128x64xf32, #tpu.memory_space<vmem>>, vector<16xf32>,
          tpu.vector_store %arg12[%swap3A_609, %swap3A_610], %mul3A_606 {strides = array<i32>} : memref<128x64xf32, #tpu.memory_space<vmem>>, vector<16xf32>,
          %add3A_612 = arith.constant 8 : i32
          %add3A_613 = arith.addi %mul3A_183, %add3A_612 : i32
          %get3A_614 = arith.index_cast %add3A_613 : i32 to index
          %get3A_615 = arith.constant 48 : index
          %get3A_616 = tpu.vector_load %arg12[%get3A_614, %get3A_615] {strides = array<i32>} : memref<128x64xf32, #tpu.memory_space<vmem>>, vector<16xf32>,
          %mul3A_617 = arith.mulf %get3A_616, %gather3A_578 : vector<16xf32>
          %add3A_618 = arith.constant 8 : i32
          %add3A_619 = arith.addi %mul3A_183, %add3A_618 : i32
          %swap3A_620 = arith.index_cast %add3A_619 : i32 to index
          %swap3A_621 = arith.constant 48 : index
          %swap3A_622 = tpu.vector_load %arg12[%swap3A_620, %swap3A_621] {strides = array<i32>} : memref<128x64xf32, #tpu.memory_space<vmem>>, vector<16xf32>,
          tpu.vector_store %arg12[%swap3A_620, %swap3A_621], %mul3A_617 {strides = array<i32>} : memref<128x64xf32, #tpu.memory_space<vmem>>, vector<16xf32>,
          %broadcast_in_dim3A_623 = vector.broadcast %add3A_166 : i32 to vector<16xi32>
          %add3A_624 = arith.constant 9 : i32
          %add3A_625 = arith.addi %mul3A_183, %add3A_624 : i32
          %broadcast_in_dim3A_626 = vector.broadcast %add3A_625 : i32 to vector<16xi32>
          %gather3A_627 = tpu.vector_load_idx %arg11[%broadcast_in_dim3A_623, %broadcast_in_dim3A_626] : memref<160x128xf32, #tpu.memory_space<vmem>>[vector<16xi32>, vector<16xi32>], vector<16xf32>,
          %add3A_628 = arith.constant 9 : i32
          %add3A_629 = arith.addi %mul3A_183, %add3A_628 : i32
          %get3A_630 = arith.index_cast %add3A_629 : i32 to index
          %get3A_631 = arith.constant 0 : index
          %get3A_632 = tpu.vector_load %arg12[%get3A_630, %get3A_631] {strides = array<i32>} : memref<128x64xf32, #tpu.memory_space<vmem>>, vector<16xf32>,
          %mul3A_633 = arith.mulf %get3A_632, %gather3A_627 : vector<16xf32>
          %add3A_634 = arith.constant 9 : i32
          %add3A_635 = arith.addi %mul3A_183, %add3A_634 : i32
          %swap3A_636 = arith.index_cast %add3A_635 : i32 to index
          %swap3A_637 = arith.constant 0 : index
          %swap3A_638 = tpu.vector_load %arg12[%swap3A_636, %swap3A_637] {strides = array<i32>} : memref<128x64xf32, #tpu.memory_space<vmem>>, vector<16xf32>,
          tpu.vector_store %arg12[%swap3A_636, %swap3A_637], %mul3A_633 {strides = array<i32>} : memref<128x64xf32, #tpu.memory_space<vmem>>, vector<16xf32>,
          %add3A_639 = arith.constant 9 : i32
          %add3A_640 = arith.addi %mul3A_183, %add3A_639 : i32
          %get3A_641 = arith.index_cast %add3A_640 : i32 to index
          %get3A_642 = arith.constant 16 : index
          %get3A_643 = tpu.vector_load %arg12[%get3A_641, %get3A_642] {strides = array<i32>} : memref<128x64xf32, #tpu.memory_space<vmem>>, vector<16xf32>,
          %mul3A_644 = arith.mulf %get3A_643, %gather3A_627 : vector<16xf32>
          %add3A_645 = arith.constant 9 : i32
          %add3A_646 = arith.addi %mul3A_183, %add3A_645 : i32
          %swap3A_647 = arith.index_cast %add3A_646 : i32 to index
          %swap3A_648 = arith.constant 16 : index
          %swap3A_649 = tpu.vector_load %arg12[%swap3A_647, %swap3A_648] {strides = array<i32>} : memref<128x64xf32, #tpu.memory_space<vmem>>, vector<16xf32>,
          tpu.vector_store %arg12[%swap3A_647, %swap3A_648], %mul3A_644 {strides = array<i32>} : memref<128x64xf32, #tpu.memory_space<vmem>>, vector<16xf32>,
          %add3A_650 = arith.constant 9 : i32
          %add3A_651 = arith.addi %mul3A_183, %add3A_650 : i32
          %get3A_652 = arith.index_cast %add3A_651 : i32 to index
          %get3A_653 = arith.constant 32 : index
          %get3A_654 = tpu.vector_load %arg12[%get3A_652, %get3A_653] {strides = array<i32>} : memref<128x64xf32, #tpu.memory_space<vmem>>, vector<16xf32>,
          %mul3A_655 = arith.mulf %get3A_654, %gather3A_627 : vector<16xf32>
          %add3A_656 = arith.constant 9 : i32
          %add3A_657 = arith.addi %mul3A_183, %add3A_656 : i32
          %swap3A_658 = arith.index_cast %add3A_657 : i32 to index
          %swap3A_659 = arith.constant 32 : index
          %swap3A_660 = tpu.vector_load %arg12[%swap3A_658, %swap3A_659] {strides = array<i32>} : memref<128x64xf32, #tpu.memory_space<vmem>>, vector<16xf32>,
          tpu.vector_store %arg12[%swap3A_658, %swap3A_659], %mul3A_655 {strides = array<i32>} : memref<128x64xf32, #tpu.memory_space<vmem>>, vector<16xf32>,
          %add3A_661 = arith.constant 9 : i32
          %add3A_662 = arith.addi %mul3A_183, %add3A_661 : i32
          %get3A_663 = arith.index_cast %add3A_662 : i32 to index
          %get3A_664 = arith.constant 48 : index
          %get3A_665 = tpu.vector_load %arg12[%get3A_663, %get3A_664] {strides = array<i32>} : memref<128x64xf32, #tpu.memory_space<vmem>>, vector<16xf32>,
          %mul3A_666 = arith.mulf %get3A_665, %gather3A_627 : vector<16xf32>
          %add3A_667 = arith.constant 9 : i32
          %add3A_668 = arith.addi %mul3A_183, %add3A_667 : i32
          %swap3A_669 = arith.index_cast %add3A_668 : i32 to index
          %swap3A_670 = arith.constant 48 : index
          %swap3A_671 = tpu.vector_load %arg12[%swap3A_669, %swap3A_670] {strides = array<i32>} : memref<128x64xf32, #tpu.memory_space<vmem>>, vector<16xf32>,
          tpu.vector_store %arg12[%swap3A_669, %swap3A_670], %mul3A_666 {strides = array<i32>} : memref<128x64xf32, #tpu.memory_space<vmem>>, vector<16xf32>,
          %broadcast_in_dim3A_672 = vector.broadcast %add3A_166 : i32 to vector<16xi32>
          %add3A_673 = arith.constant 10 : i32
          %add3A_674 = arith.addi %mul3A_183, %add3A_673 : i32
          %broadcast_in_dim3A_675 = vector.broadcast %add3A_674 : i32 to vector<16xi32>
          %gather3A_676 = tpu.vector_load_idx %arg11[%broadcast_in_dim3A_672, %broadcast_in_dim3A_675] : memref<160x128xf32, #tpu.memory_space<vmem>>[vector<16xi32>, vector<16xi32>], vector<16xf32>,
          %add3A_677 = arith.constant 10 : i32
          %add3A_678 = arith.addi %mul3A_183, %add3A_677 : i32
          %get3A_679 = arith.index_cast %add3A_678 : i32 to index
          %get3A_680 = arith.constant 0 : index
          %get3A_681 = tpu.vector_load %arg12[%get3A_679, %get3A_680] {strides = array<i32>} : memref<128x64xf32, #tpu.memory_space<vmem>>, vector<16xf32>,
          %mul3A_682 = arith.mulf %get3A_681, %gather3A_676 : vector<16xf32>
          %add3A_683 = arith.constant 10 : i32
          %add3A_684 = arith.addi %mul3A_183, %add3A_683 : i32
          %swap3A_685 = arith.index_cast %add3A_684 : i32 to index
          %swap3A_686 = arith.constant 0 : index
          %swap3A_687 = tpu.vector_load %arg12[%swap3A_685, %swap3A_686] {strides = array<i32>} : memref<128x64xf32, #tpu.memory_space<vmem>>, vector<16xf32>,
          tpu.vector_store %arg12[%swap3A_685, %swap3A_686], %mul3A_682 {strides = array<i32>} : memref<128x64xf32, #tpu.memory_space<vmem>>, vector<16xf32>,
          %add3A_688 = arith.constant 10 : i32
          %add3A_689 = arith.addi %mul3A_183, %add3A_688 : i32
          %get3A_690 = arith.index_cast %add3A_689 : i32 to index
          %get3A_691 = arith.constant 16 : index
          %get3A_692 = tpu.vector_load %arg12[%get3A_690, %get3A_691] {strides = array<i32>} : memref<128x64xf32, #tpu.memory_space<vmem>>, vector<16xf32>,
          %mul3A_693 = arith.mulf %get3A_692, %gather3A_676 : vector<16xf32>
          %add3A_694 = arith.constant 10 : i32
          %add3A_695 = arith.addi %mul3A_183, %add3A_694 : i32
          %swap3A_696 = arith.index_cast %add3A_695 : i32 to index
          %swap3A_697 = arith.constant 16 : index
          %swap3A_698 = tpu.vector_load %arg12[%swap3A_696, %swap3A_697] {strides = array<i32>} : memref<128x64xf32, #tpu.memory_space<vmem>>, vector<16xf32>,
          tpu.vector_store %arg12[%swap3A_696, %swap3A_697], %mul3A_693 {strides = array<i32>} : memref<128x64xf32, #tpu.memory_space<vmem>>, vector<16xf32>,
          %add3A_699 = arith.constant 10 : i32
          %add3A_700 = arith.addi %mul3A_183, %add3A_699 : i32
          %get3A_701 = arith.index_cast %add3A_700 : i32 to index
          %get3A_702 = arith.constant 32 : index
          %get3A_703 = tpu.vector_load %arg12[%get3A_701, %get3A_702] {strides = array<i32>} : memref<128x64xf32, #tpu.memory_space<vmem>>, vector<16xf32>,
          %mul3A_704 = arith.mulf %get3A_703, %gather3A_676 : vector<16xf32>
          %add3A_705 = arith.constant 10 : i32
          %add3A_706 = arith.addi %mul3A_183, %add3A_705 : i32
          %swap3A_707 = arith.index_cast %add3A_706 : i32 to index
          %swap3A_708 = arith.constant 32 : index
          %swap3A_709 = tpu.vector_load %arg12[%swap3A_707, %swap3A_708] {strides = array<i32>} : memref<128x64xf32, #tpu.memory_space<vmem>>, vector<16xf32>,
          tpu.vector_store %arg12[%swap3A_707, %swap3A_708], %mul3A_704 {strides = array<i32>} : memref<128x64xf32, #tpu.memory_space<vmem>>, vector<16xf32>,
          %add3A_710 = arith.constant 10 : i32
          %add3A_711 = arith.addi %mul3A_183, %add3A_710 : i32
          %get3A_712 = arith.index_cast %add3A_711 : i32 to index
          %get3A_713 = arith.constant 48 : index
          %get3A_714 = tpu.vector_load %arg12[%get3A_712, %get3A_713] {strides = array<i32>} : memref<128x64xf32, #tpu.memory_space<vmem>>, vector<16xf32>,
          %mul3A_715 = arith.mulf %get3A_714, %gather3A_676 : vector<16xf32>
          %add3A_716 = arith.constant 10 : i32
          %add3A_717 = arith.addi %mul3A_183, %add3A_716 : i32
          %swap3A_718 = arith.index_cast %add3A_717 : i32 to index
          %swap3A_719 = arith.constant 48 : index
          %swap3A_720 = tpu.vector_load %arg12[%swap3A_718, %swap3A_719] {strides = array<i32>} : memref<128x64xf32, #tpu.memory_space<vmem>>, vector<16xf32>,
          tpu.vector_store %arg12[%swap3A_718, %swap3A_719], %mul3A_715 {strides = array<i32>} : memref<128x64xf32, #tpu.memory_space<vmem>>, vector<16xf32>,
          %broadcast_in_dim3A_721 = vector.broadcast %add3A_166 : i32 to vector<16xi32>
          %add3A_722 = arith.constant 11 : i32
          %add3A_723 = arith.addi %mul3A_183, %add3A_722 : i32
          %broadcast_in_dim3A_724 = vector.broadcast %add3A_723 : i32 to vector<16xi32>
          %gather3A_725 = tpu.vector_load_idx %arg11[%broadcast_in_dim3A_721, %broadcast_in_dim3A_724] : memref<160x128xf32, #tpu.memory_space<vmem>>[vector<16xi32>, vector<16xi32>], vector<16xf32>,
          %add3A_726 = arith.constant 11 : i32
          %add3A_727 = arith.addi %mul3A_183, %add3A_726 : i32
          %get3A_728 = arith.index_cast %add3A_727 : i32 to index
          %get3A_729 = arith.constant 0 : index
          %get3A_730 = tpu.vector_load %arg12[%get3A_728, %get3A_729] {strides = array<i32>} : memref<128x64xf32, #tpu.memory_space<vmem>>, vector<16xf32>,
          %mul3A_731 = arith.mulf %get3A_730, %gather3A_725 : vector<16xf32>
          %add3A_732 = arith.constant 11 : i32
          %add3A_733 = arith.addi %mul3A_183, %add3A_732 : i32
          %swap3A_734 = arith.index_cast %add3A_733 : i32 to index
          %swap3A_735 = arith.constant 0 : index
          %swap3A_736 = tpu.vector_load %arg12[%swap3A_734, %swap3A_735] {strides = array<i32>} : memref<128x64xf32, #tpu.memory_space<vmem>>, vector<16xf32>,
          tpu.vector_store %arg12[%swap3A_734, %swap3A_735], %mul3A_731 {strides = array<i32>} : memref<128x64xf32, #tpu.memory_space<vmem>>, vector<16xf32>,
          %add3A_737 = arith.constant 11 : i32
          %add3A_738 = arith.addi %mul3A_183, %add3A_737 : i32
          %get3A_739 = arith.index_cast %add3A_738 : i32 to index
          %get3A_740 = arith.constant 16 : index
          %get3A_741 = tpu.vector_load %arg12[%get3A_739, %get3A_740] {strides = array<i32>} : memref<128x64xf32, #tpu.memory_space<vmem>>, vector<16xf32>,
          %mul3A_742 = arith.mulf %get3A_741, %gather3A_725 : vector<16xf32>
          %add3A_743 = arith.constant 11 : i32
          %add3A_744 = arith.addi %mul3A_183, %add3A_743 : i32
          %swap3A_745 = arith.index_cast %add3A_744 : i32 to index
          %swap3A_746 = arith.constant 16 : index
          %swap3A_747 = tpu.vector_load %arg12[%swap3A_745, %swap3A_746] {strides = array<i32>} : memref<128x64xf32, #tpu.memory_space<vmem>>, vector<16xf32>,
          tpu.vector_store %arg12[%swap3A_745, %swap3A_746], %mul3A_742 {strides = array<i32>} : memref<128x64xf32, #tpu.memory_space<vmem>>, vector<16xf32>,
          %add3A_748 = arith.constant 11 : i32
          %add3A_749 = arith.addi %mul3A_183, %add3A_748 : i32
          %get3A_750 = arith.index_cast %add3A_749 : i32 to index
          %get3A_751 = arith.constant 32 : index
          %get3A_752 = tpu.vector_load %arg12[%get3A_750, %get3A_751] {strides = array<i32>} : memref<128x64xf32, #tpu.memory_space<vmem>>, vector<16xf32>,
          %mul3A_753 = arith.mulf %get3A_752, %gather3A_725 : vector<16xf32>
          %add3A_754 = arith.constant 11 : i32
          %add3A_755 = arith.addi %mul3A_183, %add3A_754 : i32
          %swap3A_756 = arith.index_cast %add3A_755 : i32 to index
          %swap3A_757 = arith.constant 32 : index
          %swap3A_758 = tpu.vector_load %arg12[%swap3A_756, %swap3A_757] {strides = array<i32>} : memref<128x64xf32, #tpu.memory_space<vmem>>, vector<16xf32>,
          tpu.vector_store %arg12[%swap3A_756, %swap3A_757], %mul3A_753 {strides = array<i32>} : memref<128x64xf32, #tpu.memory_space<vmem>>, vector<16xf32>,
          %add3A_759 = arith.constant 11 : i32
          %add3A_760 = arith.addi %mul3A_183, %add3A_759 : i32
          %get3A_761 = arith.index_cast %add3A_760 : i32 to index
          %get3A_762 = arith.constant 48 : index
          %get3A_763 = tpu.vector_load %arg12[%get3A_761, %get3A_762] {strides = array<i32>} : memref<128x64xf32, #tpu.memory_space<vmem>>, vector<16xf32>,
          %mul3A_764 = arith.mulf %get3A_763, %gather3A_725 : vector<16xf32>
          %add3A_765 = arith.constant 11 : i32
          %add3A_766 = arith.addi %mul3A_183, %add3A_765 : i32
          %swap3A_767 = arith.index_cast %add3A_766 : i32 to index
          %swap3A_768 = arith.constant 48 : index
          %swap3A_769 = tpu.vector_load %arg12[%swap3A_767, %swap3A_768] {strides = array<i32>} : memref<128x64xf32, #tpu.memory_space<vmem>>, vector<16xf32>,
          tpu.vector_store %arg12[%swap3A_767, %swap3A_768], %mul3A_764 {strides = array<i32>} : memref<128x64xf32, #tpu.memory_space<vmem>>, vector<16xf32>,
          %broadcast_in_dim3A_770 = vector.broadcast %add3A_166 : i32 to vector<16xi32>
          %add3A_771 = arith.constant 12 : i32
          %add3A_772 = arith.addi %mul3A_183, %add3A_771 : i32
          %broadcast_in_dim3A_773 = vector.broadcast %add3A_772 : i32 to vector<16xi32>
          %gather3A_774 = tpu.vector_load_idx %arg11[%broadcast_in_dim3A_770, %broadcast_in_dim3A_773] : memref<160x128xf32, #tpu.memory_space<vmem>>[vector<16xi32>, vector<16xi32>], vector<16xf32>,
          %add3A_775 = arith.constant 12 : i32
          %add3A_776 = arith.addi %mul3A_183, %add3A_775 : i32
          %get3A_777 = arith.index_cast %add3A_776 : i32 to index
          %get3A_778 = arith.constant 0 : index
          %get3A_779 = tpu.vector_load %arg12[%get3A_777, %get3A_778] {strides = array<i32>} : memref<128x64xf32, #tpu.memory_space<vmem>>, vector<16xf32>,
          %mul3A_780 = arith.mulf %get3A_779, %gather3A_774 : vector<16xf32>
          %add3A_781 = arith.constant 12 : i32
          %add3A_782 = arith.addi %mul3A_183, %add3A_781 : i32
          %swap3A_783 = arith.index_cast %add3A_782 : i32 to index
          %swap3A_784 = arith.constant 0 : index
          %swap3A_785 = tpu.vector_load %arg12[%swap3A_783, %swap3A_784] {strides = array<i32>} : memref<128x64xf32, #tpu.memory_space<vmem>>, vector<16xf32>,
          tpu.vector_store %arg12[%swap3A_783, %swap3A_784], %mul3A_780 {strides = array<i32>} : memref<128x64xf32, #tpu.memory_space<vmem>>, vector<16xf32>,
          %add3A_786 = arith.constant 12 : i32
          %add3A_787 = arith.addi %mul3A_183, %add3A_786 : i32
          %get3A_788 = arith.index_cast %add3A_787 : i32 to index
          %get3A_789 = arith.constant 16 : index
          %get3A_790 = tpu.vector_load %arg12[%get3A_788, %get3A_789] {strides = array<i32>} : memref<128x64xf32, #tpu.memory_space<vmem>>, vector<16xf32>,
          %mul3A_791 = arith.mulf %get3A_790, %gather3A_774 : vector<16xf32>
          %add3A_792 = arith.constant 12 : i32
          %add3A_793 = arith.addi %mul3A_183, %add3A_792 : i32
          %swap3A_794 = arith.index_cast %add3A_793 : i32 to index
          %swap3A_795 = arith.constant 16 : index
          %swap3A_796 = tpu.vector_load %arg12[%swap3A_794, %swap3A_795] {strides = array<i32>} : memref<128x64xf32, #tpu.memory_space<vmem>>, vector<16xf32>,
          tpu.vector_store %arg12[%swap3A_794, %swap3A_795], %mul3A_791 {strides = array<i32>} : memref<128x64xf32, #tpu.memory_space<vmem>>, vector<16xf32>,
          %add3A_797 = arith.constant 12 : i32
          %add3A_798 = arith.addi %mul3A_183, %add3A_797 : i32
          %get3A_799 = arith.index_cast %add3A_798 : i32 to index
          %get3A_800 = arith.constant 32 : index
          %get3A_801 = tpu.vector_load %arg12[%get3A_799, %get3A_800] {strides = array<i32>} : memref<128x64xf32, #tpu.memory_space<vmem>>, vector<16xf32>,
          %mul3A_802 = arith.mulf %get3A_801, %gather3A_774 : vector<16xf32>
          %add3A_803 = arith.constant 12 : i32
          %add3A_804 = arith.addi %mul3A_183, %add3A_803 : i32
          %swap3A_805 = arith.index_cast %add3A_804 : i32 to index
          %swap3A_806 = arith.constant 32 : index
          %swap3A_807 = tpu.vector_load %arg12[%swap3A_805, %swap3A_806] {strides = array<i32>} : memref<128x64xf32, #tpu.memory_space<vmem>>, vector<16xf32>,
          tpu.vector_store %arg12[%swap3A_805, %swap3A_806], %mul3A_802 {strides = array<i32>} : memref<128x64xf32, #tpu.memory_space<vmem>>, vector<16xf32>,
          %add3A_808 = arith.constant 12 : i32
          %add3A_809 = arith.addi %mul3A_183, %add3A_808 : i32
          %get3A_810 = arith.index_cast %add3A_809 : i32 to index
          %get3A_811 = arith.constant 48 : index
          %get3A_812 = tpu.vector_load %arg12[%get3A_810, %get3A_811] {strides = array<i32>} : memref<128x64xf32, #tpu.memory_space<vmem>>, vector<16xf32>,
          %mul3A_813 = arith.mulf %get3A_812, %gather3A_774 : vector<16xf32>
          %add3A_814 = arith.constant 12 : i32
          %add3A_815 = arith.addi %mul3A_183, %add3A_814 : i32
          %swap3A_816 = arith.index_cast %add3A_815 : i32 to index
          %swap3A_817 = arith.constant 48 : index
          %swap3A_818 = tpu.vector_load %arg12[%swap3A_816, %swap3A_817] {strides = array<i32>} : memref<128x64xf32, #tpu.memory_space<vmem>>, vector<16xf32>,
          tpu.vector_store %arg12[%swap3A_816, %swap3A_817], %mul3A_813 {strides = array<i32>} : memref<128x64xf32, #tpu.memory_space<vmem>>, vector<16xf32>,
          %broadcast_in_dim3A_819 = vector.broadcast %add3A_166 : i32 to vector<16xi32>
          %add3A_820 = arith.constant 13 : i32
          %add3A_821 = arith.addi %mul3A_183, %add3A_820 : i32
          %broadcast_in_dim3A_822 = vector.broadcast %add3A_821 : i32 to vector<16xi32>
          %gather3A_823 = tpu.vector_load_idx %arg11[%broadcast_in_dim3A_819, %broadcast_in_dim3A_822] : memref<160x128xf32, #tpu.memory_space<vmem>>[vector<16xi32>, vector<16xi32>], vector<16xf32>,
          %add3A_824 = arith.constant 13 : i32
          %add3A_825 = arith.addi %mul3A_183, %add3A_824 : i32
          %get3A_826 = arith.index_cast %add3A_825 : i32 to index
          %get3A_827 = arith.constant 0 : index
          %get3A_828 = tpu.vector_load %arg12[%get3A_826, %get3A_827] {strides = array<i32>} : memref<128x64xf32, #tpu.memory_space<vmem>>, vector<16xf32>,
          %mul3A_829 = arith.mulf %get3A_828, %gather3A_823 : vector<16xf32>
          %add3A_830 = arith.constant 13 : i32
          %add3A_831 = arith.addi %mul3A_183, %add3A_830 : i32
          %swap3A_832 = arith.index_cast %add3A_831 : i32 to index
          %swap3A_833 = arith.constant 0 : index
          %swap3A_834 = tpu.vector_load %arg12[%swap3A_832, %swap3A_833] {strides = array<i32>} : memref<128x64xf32, #tpu.memory_space<vmem>>, vector<16xf32>,
          tpu.vector_store %arg12[%swap3A_832, %swap3A_833], %mul3A_829 {strides = array<i32>} : memref<128x64xf32, #tpu.memory_space<vmem>>, vector<16xf32>,
          %add3A_835 = arith.constant 13 : i32
          %add3A_836 = arith.addi %mul3A_183, %add3A_835 : i32
          %get3A_837 = arith.index_cast %add3A_836 : i32 to index
          %get3A_838 = arith.constant 16 : index
          %get3A_839 = tpu.vector_load %arg12[%get3A_837, %get3A_838] {strides = array<i32>} : memref<128x64xf32, #tpu.memory_space<vmem>>, vector<16xf32>,
          %mul3A_840 = arith.mulf %get3A_839, %gather3A_823 : vector<16xf32>
          %add3A_841 = arith.constant 13 : i32
          %add3A_842 = arith.addi %mul3A_183, %add3A_841 : i32
          %swap3A_843 = arith.index_cast %add3A_842 : i32 to index
          %swap3A_844 = arith.constant 16 : index
          %swap3A_845 = tpu.vector_load %arg12[%swap3A_843, %swap3A_844] {strides = array<i32>} : memref<128x64xf32, #tpu.memory_space<vmem>>, vector<16xf32>,
          tpu.vector_store %arg12[%swap3A_843, %swap3A_844], %mul3A_840 {strides = array<i32>} : memref<128x64xf32, #tpu.memory_space<vmem>>, vector<16xf32>,
          %add3A_846 = arith.constant 13 : i32
          %add3A_847 = arith.addi %mul3A_183, %add3A_846 : i32
          %get3A_848 = arith.index_cast %add3A_847 : i32 to index
          %get3A_849 = arith.constant 32 : index
          %get3A_850 = tpu.vector_load %arg12[%get3A_848, %get3A_849] {strides = array<i32>} : memref<128x64xf32, #tpu.memory_space<vmem>>, vector<16xf32>,
          %mul3A_851 = arith.mulf %get3A_850, %gather3A_823 : vector<16xf32>
          %add3A_852 = arith.constant 13 : i32
          %add3A_853 = arith.addi %mul3A_183, %add3A_852 : i32
          %swap3A_854 = arith.index_cast %add3A_853 : i32 to index
          %swap3A_855 = arith.constant 32 : index
          %swap3A_856 = tpu.vector_load %arg12[%swap3A_854, %swap3A_855] {strides = array<i32>} : memref<128x64xf32, #tpu.memory_space<vmem>>, vector<16xf32>,
          tpu.vector_store %arg12[%swap3A_854, %swap3A_855], %mul3A_851 {strides = array<i32>} : memref<128x64xf32, #tpu.memory_space<vmem>>, vector<16xf32>,
          %add3A_857 = arith.constant 13 : i32
          %add3A_858 = arith.addi %mul3A_183, %add3A_857 : i32
          %get3A_859 = arith.index_cast %add3A_858 : i32 to index
          %get3A_860 = arith.constant 48 : index
          %get3A_861 = tpu.vector_load %arg12[%get3A_859, %get3A_860] {strides = array<i32>} : memref<128x64xf32, #tpu.memory_space<vmem>>, vector<16xf32>,
          %mul3A_862 = arith.mulf %get3A_861, %gather3A_823 : vector<16xf32>
          %add3A_863 = arith.constant 13 : i32
          %add3A_864 = arith.addi %mul3A_183, %add3A_863 : i32
          %swap3A_865 = arith.index_cast %add3A_864 : i32 to index
          %swap3A_866 = arith.constant 48 : index
          %swap3A_867 = tpu.vector_load %arg12[%swap3A_865, %swap3A_866] {strides = array<i32>} : memref<128x64xf32, #tpu.memory_space<vmem>>, vector<16xf32>,
          tpu.vector_store %arg12[%swap3A_865, %swap3A_866], %mul3A_862 {strides = array<i32>} : memref<128x64xf32, #tpu.memory_space<vmem>>, vector<16xf32>,
          %broadcast_in_dim3A_868 = vector.broadcast %add3A_166 : i32 to vector<16xi32>
          %add3A_869 = arith.constant 14 : i32
          %add3A_870 = arith.addi %mul3A_183, %add3A_869 : i32
          %broadcast_in_dim3A_871 = vector.broadcast %add3A_870 : i32 to vector<16xi32>
          %gather3A_872 = tpu.vector_load_idx %arg11[%broadcast_in_dim3A_868, %broadcast_in_dim3A_871] : memref<160x128xf32, #tpu.memory_space<vmem>>[vector<16xi32>, vector<16xi32>], vector<16xf32>,
          %add3A_873 = arith.constant 14 : i32
          %add3A_874 = arith.addi %mul3A_183, %add3A_873 : i32
          %get3A_875 = arith.index_cast %add3A_874 : i32 to index
          %get3A_876 = arith.constant 0 : index
          %get3A_877 = tpu.vector_load %arg12[%get3A_875, %get3A_876] {strides = array<i32>} : memref<128x64xf32, #tpu.memory_space<vmem>>, vector<16xf32>,
          %mul3A_878 = arith.mulf %get3A_877, %gather3A_872 : vector<16xf32>
          %add3A_879 = arith.constant 14 : i32
          %add3A_880 = arith.addi %mul3A_183, %add3A_879 : i32
          %swap3A_881 = arith.index_cast %add3A_880 : i32 to index
          %swap3A_882 = arith.constant 0 : index
          %swap3A_883 = tpu.vector_load %arg12[%swap3A_881, %swap3A_882] {strides = array<i32>} : memref<128x64xf32, #tpu.memory_space<vmem>>, vector<16xf32>,
          tpu.vector_store %arg12[%swap3A_881, %swap3A_882], %mul3A_878 {strides = array<i32>} : memref<128x64xf32, #tpu.memory_space<vmem>>, vector<16xf32>,
          %add3A_884 = arith.constant 14 : i32
          %add3A_885 = arith.addi %mul3A_183, %add3A_884 : i32
          %get3A_886 = arith.index_cast %add3A_885 : i32 to index
          %get3A_887 = arith.constant 16 : index
          %get3A_888 = tpu.vector_load %arg12[%get3A_886, %get3A_887] {strides = array<i32>} : memref<128x64xf32, #tpu.memory_space<vmem>>, vector<16xf32>,
          %mul3A_889 = arith.mulf %get3A_888, %gather3A_872 : vector<16xf32>
          %add3A_890 = arith.constant 14 : i32
          %add3A_891 = arith.addi %mul3A_183, %add3A_890 : i32
          %swap3A_892 = arith.index_cast %add3A_891 : i32 to index
          %swap3A_893 = arith.constant 16 : index
          %swap3A_894 = tpu.vector_load %arg12[%swap3A_892, %swap3A_893] {strides = array<i32>} : memref<128x64xf32, #tpu.memory_space<vmem>>, vector<16xf32>,
          tpu.vector_store %arg12[%swap3A_892, %swap3A_893], %mul3A_889 {strides = array<i32>} : memref<128x64xf32, #tpu.memory_space<vmem>>, vector<16xf32>,
          %add3A_895 = arith.constant 14 : i32
          %add3A_896 = arith.addi %mul3A_183, %add3A_895 : i32
          %get3A_897 = arith.index_cast %add3A_896 : i32 to index
          %get3A_898 = arith.constant 32 : index
          %get3A_899 = tpu.vector_load %arg12[%get3A_897, %get3A_898] {strides = array<i32>} : memref<128x64xf32, #tpu.memory_space<vmem>>, vector<16xf32>,
          %mul3A_900 = arith.mulf %get3A_899, %gather3A_872 : vector<16xf32>
          %add3A_901 = arith.constant 14 : i32
          %add3A_902 = arith.addi %mul3A_183, %add3A_901 : i32
          %swap3A_903 = arith.index_cast %add3A_902 : i32 to index
          %swap3A_904 = arith.constant 32 : index
          %swap3A_905 = tpu.vector_load %arg12[%swap3A_903, %swap3A_904] {strides = array<i32>} : memref<128x64xf32, #tpu.memory_space<vmem>>, vector<16xf32>,
          tpu.vector_store %arg12[%swap3A_903, %swap3A_904], %mul3A_900 {strides = array<i32>} : memref<128x64xf32, #tpu.memory_space<vmem>>, vector<16xf32>,
          %add3A_906 = arith.constant 14 : i32
          %add3A_907 = arith.addi %mul3A_183, %add3A_906 : i32
          %get3A_908 = arith.index_cast %add3A_907 : i32 to index
          %get3A_909 = arith.constant 48 : index
          %get3A_910 = tpu.vector_load %arg12[%get3A_908, %get3A_909] {strides = array<i32>} : memref<128x64xf32, #tpu.memory_space<vmem>>, vector<16xf32>,
          %mul3A_911 = arith.mulf %get3A_910, %gather3A_872 : vector<16xf32>
          %add3A_912 = arith.constant 14 : i32
          %add3A_913 = arith.addi %mul3A_183, %add3A_912 : i32
          %swap3A_914 = arith.index_cast %add3A_913 : i32 to index
          %swap3A_915 = arith.constant 48 : index
          %swap3A_916 = tpu.vector_load %arg12[%swap3A_914, %swap3A_915] {strides = array<i32>} : memref<128x64xf32, #tpu.memory_space<vmem>>, vector<16xf32>,
          tpu.vector_store %arg12[%swap3A_914, %swap3A_915], %mul3A_911 {strides = array<i32>} : memref<128x64xf32, #tpu.memory_space<vmem>>, vector<16xf32>,
          %broadcast_in_dim3A_917 = vector.broadcast %add3A_166 : i32 to vector<16xi32>
          %add3A_918 = arith.constant 15 : i32
          %add3A_919 = arith.addi %mul3A_183, %add3A_918 : i32
          %broadcast_in_dim3A_920 = vector.broadcast %add3A_919 : i32 to vector<16xi32>
          %gather3A_921 = tpu.vector_load_idx %arg11[%broadcast_in_dim3A_917, %broadcast_in_dim3A_920] : memref<160x128xf32, #tpu.memory_space<vmem>>[vector<16xi32>, vector<16xi32>], vector<16xf32>,
          %add3A_922 = arith.constant 15 : i32
          %add3A_923 = arith.addi %mul3A_183, %add3A_922 : i32
          %get3A_924 = arith.index_cast %add3A_923 : i32 to index
          %get3A_925 = arith.constant 0 : index
          %get3A_926 = tpu.vector_load %arg12[%get3A_924, %get3A_925] {strides = array<i32>} : memref<128x64xf32, #tpu.memory_space<vmem>>, vector<16xf32>,
          %mul3A_927 = arith.mulf %get3A_926, %gather3A_921 : vector<16xf32>
          %add3A_928 = arith.constant 15 : i32
          %add3A_929 = arith.addi %mul3A_183, %add3A_928 : i32
          %swap3A_930 = arith.index_cast %add3A_929 : i32 to index
          %swap3A_931 = arith.constant 0 : index
          %swap3A_932 = tpu.vector_load %arg12[%swap3A_930, %swap3A_931] {strides = array<i32>} : memref<128x64xf32, #tpu.memory_space<vmem>>, vector<16xf32>,
          tpu.vector_store %arg12[%swap3A_930, %swap3A_931], %mul3A_927 {strides = array<i32>} : memref<128x64xf32, #tpu.memory_space<vmem>>, vector<16xf32>,
          %add3A_933 = arith.constant 15 : i32
          %add3A_934 = arith.addi %mul3A_183, %add3A_933 : i32
          %get3A_935 = arith.index_cast %add3A_934 : i32 to index
          %get3A_936 = arith.constant 16 : index
          %get3A_937 = tpu.vector_load %arg12[%get3A_935, %get3A_936] {strides = array<i32>} : memref<128x64xf32, #tpu.memory_space<vmem>>, vector<16xf32>,
          %mul3A_938 = arith.mulf %get3A_937, %gather3A_921 : vector<16xf32>
          %add3A_939 = arith.constant 15 : i32
          %add3A_940 = arith.addi %mul3A_183, %add3A_939 : i32
          %swap3A_941 = arith.index_cast %add3A_940 : i32 to index
          %swap3A_942 = arith.constant 16 : index
          %swap3A_943 = tpu.vector_load %arg12[%swap3A_941, %swap3A_942] {strides = array<i32>} : memref<128x64xf32, #tpu.memory_space<vmem>>, vector<16xf32>,
          tpu.vector_store %arg12[%swap3A_941, %swap3A_942], %mul3A_938 {strides = array<i32>} : memref<128x64xf32, #tpu.memory_space<vmem>>, vector<16xf32>,
          %add3A_944 = arith.constant 15 : i32
          %add3A_945 = arith.addi %mul3A_183, %add3A_944 : i32
          %get3A_946 = arith.index_cast %add3A_945 : i32 to index
          %get3A_947 = arith.constant 32 : index
          %get3A_948 = tpu.vector_load %arg12[%get3A_946, %get3A_947] {strides = array<i32>} : memref<128x64xf32, #tpu.memory_space<vmem>>, vector<16xf32>,
          %mul3A_949 = arith.mulf %get3A_948, %gather3A_921 : vector<16xf32>
          %add3A_950 = arith.constant 15 : i32
          %add3A_951 = arith.addi %mul3A_183, %add3A_950 : i32
          %swap3A_952 = arith.index_cast %add3A_951 : i32 to index
          %swap3A_953 = arith.constant 32 : index
          %swap3A_954 = tpu.vector_load %arg12[%swap3A_952, %swap3A_953] {strides = array<i32>} : memref<128x64xf32, #tpu.memory_space<vmem>>, vector<16xf32>,
          tpu.vector_store %arg12[%swap3A_952, %swap3A_953], %mul3A_949 {strides = array<i32>} : memref<128x64xf32, #tpu.memory_space<vmem>>, vector<16xf32>,
          %add3A_955 = arith.constant 15 : i32
          %add3A_956 = arith.addi %mul3A_183, %add3A_955 : i32
          %get3A_957 = arith.index_cast %add3A_956 : i32 to index
          %get3A_958 = arith.constant 48 : index
          %get3A_959 = tpu.vector_load %arg12[%get3A_957, %get3A_958] {strides = array<i32>} : memref<128x64xf32, #tpu.memory_space<vmem>>, vector<16xf32>,
          %mul3A_960 = arith.mulf %get3A_959, %gather3A_921 : vector<16xf32>
          %add3A_961 = arith.constant 15 : i32
          %add3A_962 = arith.addi %mul3A_183, %add3A_961 : i32
          %swap3A_963 = arith.index_cast %add3A_962 : i32 to index
          %swap3A_964 = arith.constant 48 : index
          %swap3A_965 = tpu.vector_load %arg12[%swap3A_963, %swap3A_964] {strides = array<i32>} : memref<128x64xf32, #tpu.memory_space<vmem>>, vector<16xf32>,
          tpu.vector_store %arg12[%swap3A_963, %swap3A_964], %mul3A_960 {strides = array<i32>} : memref<128x64xf32, #tpu.memory_space<vmem>>, vector<16xf32>,
        }
        %scan3A_176 = arith.constant 8 : i32
        "tpu.region"() ({
          %run_scoped3A_177 = tpu.sem_alloc : memref<!tpu.dma_semaphore, #tpu.memory_space<semaphore_mem>>
          %dma_start3A = arith.constant 0 : i32
          %dma_start3A_178 = tpu.memref_slice %arg14[%add3A_163, %dma_start3A] : memref<8x128xi32, #tpu.memory_space<vmem>> -> memref<1x128xi32, #tpu.memory_space<vmem>>
          %dma_start3A_179 = tpu.memref_squeeze %dma_start3A_178 : memref<1x128xi32, #tpu.memory_space<vmem>> -> memref<128xi32, #tpu.memory_space<vmem>>
          %dma_start3A_180 = arith.constant 0 : i32
          %dma_start3A_181 = arith.constant 0 : i32
          %dma_start3A_182 = tpu.memref_slice %arg16[%dma_start3A_180, %dma_start3A_181] : memref<10240x64xf32, #tpu.memory_space<vmem_shared>> -> memref<10240x64xf32, #tpu.memory_space<vmem_shared>>
          tpu.enqueue_indirect_dma source(%arg12 : memref<128x64xf32, #tpu.memory_space<vmem>>) target(%dma_start3A_182 : memref<10240x64xf32, #tpu.memory_space<vmem_shared>>) offsets(%dma_start3A_179 : memref<128xi32, #tpu.memory_space<vmem>>) semaphore(%run_scoped3A_177 : memref<!tpu.dma_semaphore, #tpu.memory_space<semaphore_mem>>) {add = true}
          %dma_wait3A = arith.constant 0 : i32
          %dma_wait3A_183 = tpu.memref_slice %arg14[%add3A_163, %dma_wait3A] : memref<8x128xi32, #tpu.memory_space<vmem>> -> memref<1x128xi32, #tpu.memory_space<vmem>>
          %dma_wait3A_184 = tpu.memref_squeeze %dma_wait3A_183 : memref<1x128xi32, #tpu.memory_space<vmem>> -> memref<128xi32, #tpu.memory_space<vmem>>
          %dma_wait3A_185 = arith.constant 0 : i32
          %dma_wait3A_186 = arith.constant 0 : i32
          %dma_wait3A_187 = tpu.memref_slice %arg16[%dma_wait3A_185, %dma_wait3A_186] : memref<10240x64xf32, #tpu.memory_space<vmem_shared>> -> memref<10240x64xf32, #tpu.memory_space<vmem_shared>>
          tpu.wait_indirect_dma semaphore(%run_scoped3A_177 : memref<!tpu.dma_semaphore, #tpu.memory_space<semaphore_mem>>) src(%arg12 : memref<128x64xf32, #tpu.memory_space<vmem>>) dst(%dma_wait3A_187 : memref<10240x64xf32, #tpu.memory_space<vmem_shared>>)
          tpu.yield
        }) : () -> ()
      }
      %scan3A_158 = arith.constant 8 : i32
    }
    %scan3A_106 = arith.constant 20 : i32
    %barrier3A_107 = arith.constant 0 : index
    tpu.barrier barrier_id(%barrier3A_107)
    %mul3A_108 = arith.constant 640 : i32
    %mul3A_109 = arith.muli %arg1, %mul3A_108 : i32
    %add3A_110 = arith.constant 0 : i32
    %add3A_111 = arith.addi %mul3A_109, %add3A_110 : i32
    %mul3A_112 = arith.constant 10240 : i32
    %mul3A_113 = arith.muli %arg0, %mul3A_112 : i32
    %add3A_114 = arith.addi %mul3A_113, %add3A_111 : i32
    "tpu.region"() ({
      %run_scoped3A_143 = tpu.sem_alloc : memref<!tpu.dma_semaphore, #tpu.memory_space<semaphore_mem>>
      %dma_start3A = arith.constant 0 : i32
      %dma_start3A_144 = tpu.memref_slice %arg8[%add3A_114, %dma_start3A] : memref<20480x64xf32, #tpu.memory_space<hbm>> -> memref<128x64xf32, #tpu.memory_space<hbm>>
      %dma_start3A_145 = arith.constant 0 : i32
      %dma_start3A_146 = tpu.memref_slice %arg16[%add3A_111, %dma_start3A_145] : memref<10240x64xf32, #tpu.memory_space<vmem_shared>> -> memref<128x64xf32, #tpu.memory_space<vmem_shared>>
      tpu.enqueue_dma source(%dma_start3A_146 : memref<128x64xf32, #tpu.memory_space<vmem_shared>>) target(%dma_start3A_144 : memref<128x64xf32, #tpu.memory_space<hbm>>) target_semaphore(%run_scoped3A_143 : memref<!tpu.dma_semaphore, #tpu.memory_space<semaphore_mem>>)
      %dma_wait3A = arith.constant 0 : i32
      %dma_wait3A_147 = tpu.memref_slice %arg8[%add3A_114, %dma_wait3A] : memref<20480x64xf32, #tpu.memory_space<hbm>> -> memref<128x64xf32, #tpu.memory_space<hbm>>
      %dma_wait3A_148 = arith.constant 0 : i32
      %dma_wait3A_149 = tpu.memref_slice %arg16[%add3A_111, %dma_wait3A_148] : memref<10240x64xf32, #tpu.memory_space<vmem_shared>> -> memref<128x64xf32, #tpu.memory_space<vmem_shared>>
      tpu.wait_dma2 semaphore(%run_scoped3A_143 : memref<!tpu.dma_semaphore, #tpu.memory_space<semaphore_mem>>) src(%dma_wait3A_149 : memref<128x64xf32, #tpu.memory_space<vmem_shared>>) dst(%dma_wait3A_147 : memref<128x64xf32, #tpu.memory_space<hbm>>)
      tpu.yield
    }) : () -> ()
    %mul3A_115 = arith.constant 640 : i32
    %mul3A_116 = arith.muli %arg1, %mul3A_115 : i32
    %add3A_117 = arith.constant 128 : i32
    %add3A_118 = arith.addi %mul3A_116, %add3A_117 : i32
    %mul3A_119 = arith.constant 10240 : i32
    %mul3A_120 = arith.muli %arg0, %mul3A_119 : i32
    %add3A_121 = arith.addi %mul3A_120, %add3A_118 : i32
    "tpu.region"() ({
      %run_scoped3A_143 = tpu.sem_alloc : memref<!tpu.dma_semaphore, #tpu.memory_space<semaphore_mem>>
      %dma_start3A = arith.constant 0 : i32
      %dma_start3A_144 = tpu.memref_slice %arg8[%add3A_121, %dma_start3A] : memref<20480x64xf32, #tpu.memory_space<hbm>> -> memref<128x64xf32, #tpu.memory_space<hbm>>
      %dma_start3A_145 = arith.constant 0 : i32
      %dma_start3A_146 = tpu.memref_slice %arg16[%add3A_118, %dma_start3A_145] : memref<10240x64xf32, #tpu.memory_space<vmem_shared>> -> memref<128x64xf32, #tpu.memory_space<vmem_shared>>
      tpu.enqueue_dma source(%dma_start3A_146 : memref<128x64xf32, #tpu.memory_space<vmem_shared>>) target(%dma_start3A_144 : memref<128x64xf32, #tpu.memory_space<hbm>>) target_semaphore(%run_scoped3A_143 : memref<!tpu.dma_semaphore, #tpu.memory_space<semaphore_mem>>)
      %dma_wait3A = arith.constant 0 : i32
      %dma_wait3A_147 = tpu.memref_slice %arg8[%add3A_121, %dma_wait3A] : memref<20480x64xf32, #tpu.memory_space<hbm>> -> memref<128x64xf32, #tpu.memory_space<hbm>>
      %dma_wait3A_148 = arith.constant 0 : i32
      %dma_wait3A_149 = tpu.memref_slice %arg16[%add3A_118, %dma_wait3A_148] : memref<10240x64xf32, #tpu.memory_space<vmem_shared>> -> memref<128x64xf32, #tpu.memory_space<vmem_shared>>
      tpu.wait_dma2 semaphore(%run_scoped3A_143 : memref<!tpu.dma_semaphore, #tpu.memory_space<semaphore_mem>>) src(%dma_wait3A_149 : memref<128x64xf32, #tpu.memory_space<vmem_shared>>) dst(%dma_wait3A_147 : memref<128x64xf32, #tpu.memory_space<hbm>>)
      tpu.yield
    }) : () -> ()
    %mul3A_122 = arith.constant 640 : i32
    %mul3A_123 = arith.muli %arg1, %mul3A_122 : i32
    %add3A_124 = arith.constant 256 : i32
    %add3A_125 = arith.addi %mul3A_123, %add3A_124 : i32
    %mul3A_126 = arith.constant 10240 : i32
    %mul3A_127 = arith.muli %arg0, %mul3A_126 : i32
    %add3A_128 = arith.addi %mul3A_127, %add3A_125 : i32
    "tpu.region"() ({
      %run_scoped3A_143 = tpu.sem_alloc : memref<!tpu.dma_semaphore, #tpu.memory_space<semaphore_mem>>
      %dma_start3A = arith.constant 0 : i32
      %dma_start3A_144 = tpu.memref_slice %arg8[%add3A_128, %dma_start3A] : memref<20480x64xf32, #tpu.memory_space<hbm>> -> memref<128x64xf32, #tpu.memory_space<hbm>>
      %dma_start3A_145 = arith.constant 0 : i32
      %dma_start3A_146 = tpu.memref_slice %arg16[%add3A_125, %dma_start3A_145] : memref<10240x64xf32, #tpu.memory_space<vmem_shared>> -> memref<128x64xf32, #tpu.memory_space<vmem_shared>>
      tpu.enqueue_dma source(%dma_start3A_146 : memref<128x64xf32, #tpu.memory_space<vmem_shared>>) target(%dma_start3A_144 : memref<128x64xf32, #tpu.memory_space<hbm>>) target_semaphore(%run_scoped3A_143 : memref<!tpu.dma_semaphore, #tpu.memory_space<semaphore_mem>>)
      %dma_wait3A = arith.constant 0 : i32
      %dma_wait3A_147 = tpu.memref_slice %arg8[%add3A_128, %dma_wait3A] : memref<20480x64xf32, #tpu.memory_space<hbm>> -> memref<128x64xf32, #tpu.memory_space<hbm>>
      %dma_wait3A_148 = arith.constant 0 : i32
      %dma_wait3A_149 = tpu.memref_slice %arg16[%add3A_125, %dma_wait3A_148] : memref<10240x64xf32, #tpu.memory_space<vmem_shared>> -> memref<128x64xf32, #tpu.memory_space<vmem_shared>>
      tpu.wait_dma2 semaphore(%run_scoped3A_143 : memref<!tpu.dma_semaphore, #tpu.memory_space<semaphore_mem>>) src(%dma_wait3A_149 : memref<128x64xf32, #tpu.memory_space<vmem_shared>>) dst(%dma_wait3A_147 : memref<128x64xf32, #tpu.memory_space<hbm>>)
      tpu.yield
    }) : () -> ()
    %mul3A_129 = arith.constant 640 : i32
    %mul3A_130 = arith.muli %arg1, %mul3A_129 : i32
    %add3A_131 = arith.constant 384 : i32
    %add3A_132 = arith.addi %mul3A_130, %add3A_131 : i32
    %mul3A_133 = arith.constant 10240 : i32
    %mul3A_134 = arith.muli %arg0, %mul3A_133 : i32
    %add3A_135 = arith.addi %mul3A_134, %add3A_132 : i32
    "tpu.region"() ({
      %run_scoped3A_143 = tpu.sem_alloc : memref<!tpu.dma_semaphore, #tpu.memory_space<semaphore_mem>>
      %dma_start3A = arith.constant 0 : i32
      %dma_start3A_144 = tpu.memref_slice %arg8[%add3A_135, %dma_start3A] : memref<20480x64xf32, #tpu.memory_space<hbm>> -> memref<128x64xf32, #tpu.memory_space<hbm>>
      %dma_start3A_145 = arith.constant 0 : i32
      %dma_start3A_146 = tpu.memref_slice %arg16[%add3A_132, %dma_start3A_145] : memref<10240x64xf32, #tpu.memory_space<vmem_shared>> -> memref<128x64xf32, #tpu.memory_space<vmem_shared>>
      tpu.enqueue_dma source(%dma_start3A_146 : memref<128x64xf32, #tpu.memory_space<vmem_shared>>) target(%dma_start3A_144 : memref<128x64xf32, #tpu.memory_space<hbm>>) target_semaphore(%run_scoped3A_143 : memref<!tpu.dma_semaphore, #tpu.memory_space<semaphore_mem>>)
      %dma_wait3A = arith.constant 0 : i32
      %dma_wait3A_147 = tpu.memref_slice %arg8[%add3A_135, %dma_wait3A] : memref<20480x64xf32, #tpu.memory_space<hbm>> -> memref<128x64xf32, #tpu.memory_space<hbm>>
      %dma_wait3A_148 = arith.constant 0 : i32
      %dma_wait3A_149 = tpu.memref_slice %arg16[%add3A_132, %dma_wait3A_148] : memref<10240x64xf32, #tpu.memory_space<vmem_shared>> -> memref<128x64xf32, #tpu.memory_space<vmem_shared>>
      tpu.wait_dma2 semaphore(%run_scoped3A_143 : memref<!tpu.dma_semaphore, #tpu.memory_space<semaphore_mem>>) src(%dma_wait3A_149 : memref<128x64xf32, #tpu.memory_space<vmem_shared>>) dst(%dma_wait3A_147 : memref<128x64xf32, #tpu.memory_space<hbm>>)
      tpu.yield
    }) : () -> ()
    %mul3A_136 = arith.constant 640 : i32
    %mul3A_137 = arith.muli %arg1, %mul3A_136 : i32
    %add3A_138 = arith.constant 512 : i32
    %add3A_139 = arith.addi %mul3A_137, %add3A_138 : i32
    %mul3A_140 = arith.constant 10240 : i32
    %mul3A_141 = arith.muli %arg0, %mul3A_140 : i32
    %add3A_142 = arith.addi %mul3A_141, %add3A_139 : i32
    "tpu.region"() ({
      %run_scoped3A_143 = tpu.sem_alloc : memref<!tpu.dma_semaphore, #tpu.memory_space<semaphore_mem>>
      %dma_start3A = arith.constant 0 : i32
      %dma_start3A_144 = tpu.memref_slice %arg8[%add3A_142, %dma_start3A] : memref<20480x64xf32, #tpu.memory_space<hbm>> -> memref<128x64xf32, #tpu.memory_space<hbm>>
      %dma_start3A_145 = arith.constant 0 : i32
      %dma_start3A_146 = tpu.memref_slice %arg16[%add3A_139, %dma_start3A_145] : memref<10240x64xf32, #tpu.memory_space<vmem_shared>> -> memref<128x64xf32, #tpu.memory_space<vmem_shared>>
      tpu.enqueue_dma source(%dma_start3A_146 : memref<128x64xf32, #tpu.memory_space<vmem_shared>>) target(%dma_start3A_144 : memref<128x64xf32, #tpu.memory_space<hbm>>) target_semaphore(%run_scoped3A_143 : memref<!tpu.dma_semaphore, #tpu.memory_space<semaphore_mem>>)
      %dma_wait3A = arith.constant 0 : i32
      %dma_wait3A_147 = tpu.memref_slice %arg8[%add3A_142, %dma_wait3A] : memref<20480x64xf32, #tpu.memory_space<hbm>> -> memref<128x64xf32, #tpu.memory_space<hbm>>
      %dma_wait3A_148 = arith.constant 0 : i32
      %dma_wait3A_149 = tpu.memref_slice %arg16[%add3A_139, %dma_wait3A_148] : memref<10240x64xf32, #tpu.memory_space<vmem_shared>> -> memref<128x64xf32, #tpu.memory_space<vmem_shared>>
      tpu.wait_dma2 semaphore(%run_scoped3A_143 : memref<!tpu.dma_semaphore, #tpu.memory_space<semaphore_mem>>) src(%dma_wait3A_149 : memref<128x64xf32, #tpu.memory_space<vmem_shared>>) dst(%dma_wait3A_147 : memref<128x64xf32, #tpu.memory_space<hbm>>)
      tpu.yield
    }) : () -> ()
    return
  }
}

module attributes {stable_mosaic.version = 14 : i64} {
  func.func @_dense_a_body(%arg0: memref<10000x128xf32, #tpu.memory_space<vmem>>, %arg1: memref<10000x1xf32, #tpu.memory_space<vmem>>, %arg2: memref<128x128xf32, #tpu.memory_space<vmem>>, %arg3: memref<1x128xf32, #tpu.memory_space<vmem>>, %arg4: memref<128x128xf32, #tpu.memory_space<vmem>>, %arg5: memref<1x128xf32, #tpu.memory_space<vmem>>, %arg6: memref<128x128xf32, #tpu.memory_space<vmem>>, %arg7: memref<1x128xf32, #tpu.memory_space<vmem>>, %arg8: memref<1x128xf32, #tpu.memory_space<vmem>>, %arg9: memref<20000x64xf32, #tpu.memory_space<vmem>>, %arg10: memref<10000x1xf32, #tpu.memory_space<vmem>>, %arg11: memref<10000x1xf32, #tpu.memory_space<vmem>>) attributes {dimension_semantics = [], scalar_prefetch = 0 : i64, scratch_operands = 0 : i64, tpu.core_type = #tpu.core_type<tc>} {
    %get3A = arith.constant 0 : index
    %get3A_0 = arith.constant 0 : index
    %get3A_1 = vector.load %arg0[%get3A, %get3A_0] : memref<10000x128xf32, #tpu.memory_space<vmem>>, vector<10000x128xf32>
    %get3A_2 = arith.constant 0 : index
    %get3A_3 = arith.constant 0 : index
    %get3A_4 = vector.load %arg4[%get3A_2, %get3A_3] : memref<128x128xf32, #tpu.memory_space<vmem>>, vector<128x128xf32>
    %dot_general3A = arith.constant dense<0.000000e+00> : vector<10000x128xf32>
    %dot_general3A_5 = tpu.matmul %get3A_1, %get3A_4, %dot_general3A {dimension_numbers = #tpu.dot_dimension_numbers<[1], [0], [0], [1], [0, 0, 1, 1], [], []>, transpose_lhs_hint = false} : vector<10000x128xf32>, vector<128x128xf32>, vector<10000x128xf32> -> vector<10000x128xf32>
    %get3A_6 = arith.constant 0 : index
    %get3A_7 = arith.constant 0 : index
    %get3A_8 = vector.load %arg5[%get3A_6, %get3A_7] : memref<1x128xf32, #tpu.memory_space<vmem>>, vector<1x128xf32>
    %add3A = vector.broadcast %get3A_8 : vector<1x128xf32> to vector<10000x128xf32>
    %add3A_9 = arith.addf %dot_general3A_5, %add3A : vector<10000x128xf32>
    %max3A = arith.constant 0.000000e+00 : f32
    %max3A_10 = vector.broadcast %max3A : f32 to vector<10000x128xf32>
    %max3A_11 = arith.maximumf %add3A_9, %max3A_10 : vector<10000x128xf32>
    %get3A_12 = arith.constant 0 : index
    %get3A_13 = arith.constant 0 : index
    %get3A_14 = vector.load %arg2[%get3A_12, %get3A_13] : memref<128x128xf32, #tpu.memory_space<vmem>>, vector<128x128xf32>
    %dot_general3A_15 = arith.constant dense<0.000000e+00> : vector<10000x128xf32>
    %dot_general3A_16 = tpu.matmul %get3A_1, %get3A_14, %dot_general3A_15 {dimension_numbers = #tpu.dot_dimension_numbers<[1], [0], [0], [1], [0, 0, 1, 1], [], []>, transpose_lhs_hint = false} : vector<10000x128xf32>, vector<128x128xf32>, vector<10000x128xf32> -> vector<10000x128xf32>
    %get3A_17 = arith.constant 0 : index
    %get3A_18 = arith.constant 0 : index
    %get3A_19 = vector.load %arg3[%get3A_17, %get3A_18] : memref<1x128xf32, #tpu.memory_space<vmem>>, vector<1x128xf32>
    %add3A_20 = vector.broadcast %get3A_19 : vector<1x128xf32> to vector<10000x128xf32>
    %add3A_21 = arith.addf %dot_general3A_16, %add3A_20 : vector<10000x128xf32>
    %max3A_22 = arith.constant 0.000000e+00 : f32
    %max3A_23 = vector.broadcast %max3A_22 : f32 to vector<10000x128xf32>
    %max3A_24 = arith.maximumf %add3A_21, %max3A_23 : vector<10000x128xf32>
    %get3A_25 = arith.constant 0 : index
    %get3A_26 = arith.constant 0 : index
    %get3A_27 = vector.load %arg1[%get3A_25, %get3A_26] : memref<10000x1xf32, #tpu.memory_space<vmem>>, vector<10000x1xf32>
    %mul3A = arith.constant 8.000000e-01 : f32
    %mul3A_28 = vector.broadcast %mul3A : f32 to vector<10000x128xf32>
    %mul3A_29 = arith.mulf %mul3A_28, %max3A_11 : vector<10000x128xf32>
    %mul3A_30 = arith.constant 2.000000e-01 : f32
    %mul3A_31 = vector.broadcast %mul3A_30 : f32 to vector<10000x128xf32>
    %mul3A_32 = arith.mulf %mul3A_31, %max3A_24 : vector<10000x128xf32>
    %add3A_33 = arith.addf %mul3A_29, %mul3A_32 : vector<10000x128xf32>
    %mul3A_34 = vector.broadcast %get3A_27 : vector<10000x1xf32> to vector<10000x128xf32>
    %mul3A_35 = arith.mulf %mul3A_34, %add3A_33 : vector<10000x128xf32>
    %sub3A = arith.constant 1.000000e+00 : f32
    %sub3A_36 = vector.broadcast %sub3A : f32 to vector<10000x1xf32>
    %sub3A_37 = arith.subf %sub3A_36, %get3A_27 : vector<10000x1xf32>
    %mul3A_38 = arith.constant 8.000000e-01 : f32
    %mul3A_39 = vector.broadcast %mul3A_38 : f32 to vector<10000x128xf32>
    %mul3A_40 = arith.mulf %mul3A_39, %max3A_24 : vector<10000x128xf32>
    %mul3A_41 = arith.constant 2.000000e-01 : f32
    %mul3A_42 = vector.broadcast %mul3A_41 : f32 to vector<10000x128xf32>
    %mul3A_43 = arith.mulf %mul3A_42, %max3A_11 : vector<10000x128xf32>
    %add3A_44 = arith.addf %mul3A_40, %mul3A_43 : vector<10000x128xf32>
    %mul3A_45 = vector.broadcast %sub3A_37 : vector<10000x1xf32> to vector<10000x128xf32>
    %mul3A_46 = arith.mulf %mul3A_45, %add3A_44 : vector<10000x128xf32>
    %add3A_47 = arith.addf %mul3A_35, %mul3A_46 : vector<10000x128xf32>
    %get3A_48 = arith.constant 0 : index
    %get3A_49 = arith.constant 0 : index
    %get3A_50 = vector.load %arg6[%get3A_48, %get3A_49] : memref<128x128xf32, #tpu.memory_space<vmem>>, vector<128x128xf32>
    %dot_general3A_51 = arith.constant dense<0.000000e+00> : vector<10000x128xf32>
    %dot_general3A_52 = tpu.matmul %add3A_47, %get3A_50, %dot_general3A_51 {dimension_numbers = #tpu.dot_dimension_numbers<[1], [0], [0], [1], [0, 0, 1, 1], [], []>, transpose_lhs_hint = false} : vector<10000x128xf32>, vector<128x128xf32>, vector<10000x128xf32> -> vector<10000x128xf32>
    %slice3A = vector.extract_strided_slice %dot_general3A_52 {offsets = [0, 0], sizes = [10000, 64], strides = [1, 1]} : vector<10000x128xf32> to vector<10000x64xf32>
    %swap3A = arith.constant 0 : index
    %swap3A_53 = arith.constant 0 : index
    %swap3A_54 = vector.load %arg9[%swap3A, %swap3A_53] : memref<20000x64xf32, #tpu.memory_space<vmem>>, vector<10000x64xf32>
    tpu.vector_store %arg9[%swap3A, %swap3A_53], %slice3A {strides = array<i32>} : memref<20000x64xf32, #tpu.memory_space<vmem>>, vector<10000x64xf32>,
    %slice3A_55 = vector.extract_strided_slice %dot_general3A_52 {offsets = [0, 64], sizes = [10000, 64], strides = [1, 1]} : vector<10000x128xf32> to vector<10000x64xf32>
    %swap3A_56 = arith.constant 10000 : index
    %swap3A_57 = arith.constant 0 : index
    %swap3A_58 = vector.load %arg9[%swap3A_56, %swap3A_57] : memref<20000x64xf32, #tpu.memory_space<vmem>>, vector<10000x64xf32>
    tpu.vector_store %arg9[%swap3A_56, %swap3A_57], %slice3A_55 {strides = array<i32>} : memref<20000x64xf32, #tpu.memory_space<vmem>>, vector<10000x64xf32>,
    %get3A_59 = arith.constant 0 : index
    %get3A_60 = arith.constant 0 : index
    %get3A_61 = vector.load %arg7[%get3A_59, %get3A_60] : memref<1x128xf32, #tpu.memory_space<vmem>>, vector<1x128xf32>
    %mul3A_62 = vector.broadcast %get3A_61 : vector<1x128xf32> to vector<10000x128xf32>
    %mul3A_63 = arith.mulf %dot_general3A_52, %mul3A_62 : vector<10000x128xf32>
    %reduce_sum3A = arith.constant dense<0.000000e+00> : vector<10000xf32>
    %reduce_sum3A_64 = vector.multi_reduction <add>, %mul3A_63, %reduce_sum3A [1] : vector<10000x128xf32> to vector<10000xf32>
    %broadcast_in_dim3A = vector.shape_cast %reduce_sum3A_64 : vector<10000xf32> to vector<10000x1xf32>
    %swap3A_65 = arith.constant 0 : index
    %swap3A_66 = arith.constant 0 : index
    %swap3A_67 = vector.load %arg10[%swap3A_65, %swap3A_66] : memref<10000x1xf32, #tpu.memory_space<vmem>>, vector<10000x1xf32>
    tpu.vector_store %arg10[%swap3A_65, %swap3A_66], %broadcast_in_dim3A {strides = array<i32>} : memref<10000x1xf32, #tpu.memory_space<vmem>>, vector<10000x1xf32>,
    %get3A_68 = arith.constant 0 : index
    %get3A_69 = arith.constant 0 : index
    %get3A_70 = vector.load %arg8[%get3A_68, %get3A_69] : memref<1x128xf32, #tpu.memory_space<vmem>>, vector<1x128xf32>
    %mul3A_71 = vector.broadcast %get3A_70 : vector<1x128xf32> to vector<10000x128xf32>
    %mul3A_72 = arith.mulf %dot_general3A_52, %mul3A_71 : vector<10000x128xf32>
    %reduce_sum3A_73 = arith.constant dense<0.000000e+00> : vector<10000xf32>
    %reduce_sum3A_74 = vector.multi_reduction <add>, %mul3A_72, %reduce_sum3A_73 [1] : vector<10000x128xf32> to vector<10000xf32>
    %broadcast_in_dim3A_75 = vector.shape_cast %reduce_sum3A_74 : vector<10000xf32> to vector<10000x1xf32>
    %swap3A_76 = arith.constant 0 : index
    %swap3A_77 = arith.constant 0 : index
    %swap3A_78 = vector.load %arg11[%swap3A_76, %swap3A_77] : memref<10000x1xf32, #tpu.memory_space<vmem>>, vector<10000x1xf32>
    tpu.vector_store %arg11[%swap3A_76, %swap3A_77], %broadcast_in_dim3A_75 {strides = array<i32>} : memref<10000x1xf32, #tpu.memory_space<vmem>>, vector<10000x1xf32>,
    return
  }
}

module attributes {stable_mosaic.version = 14 : i64} {
  func.func @_dense_c_body(%arg0: memref<2x10000x64xf32, #tpu.memory_space<vmem>>, %arg1: memref<10000x128xf32, #tpu.memory_space<vmem>>, %arg2: memref<10000x1xf32, #tpu.memory_space<vmem>>, %arg3: memref<1x128xf32, #tpu.memory_space<vmem>>, %arg4: memref<1x128xf32, #tpu.memory_space<vmem>>, %arg5: memref<1x128xf32, #tpu.memory_space<vmem>>, %arg6: memref<1x128xf32, #tpu.memory_space<vmem>>, %arg7: memref<128x128xf32, #tpu.memory_space<vmem>>, %arg8: memref<128x128xf32, #tpu.memory_space<vmem>>, %arg9: memref<1x128xf32, #tpu.memory_space<vmem>>, %arg10: memref<128x128xf32, #tpu.memory_space<vmem>>, %arg11: memref<128x128xf32, #tpu.memory_space<vmem>>, %arg12: memref<1x128xf32, #tpu.memory_space<vmem>>, %arg13: memref<10000x128xf32, #tpu.memory_space<vmem>>) attributes {dimension_semantics = [], scalar_prefetch = 0 : i64, scratch_operands = 0 : i64, tpu.core_type = #tpu.core_type<tc>} {
    %get3A = arith.constant 0 : index
    %get3A_0 = arith.constant 0 : index
    %get3A_1 = arith.constant 0 : index
    %get3A_2 = vector.load %arg0[%get3A, %get3A_0, %get3A_1] : memref<2x10000x64xf32, #tpu.memory_space<vmem>>, vector<1x10000x64xf32>
    %get3A_3 = vector.shape_cast %get3A_2 : vector<1x10000x64xf32> to vector<10000x64xf32>
    %get3A_4 = arith.constant 1 : index
    %get3A_5 = arith.constant 0 : index
    %get3A_6 = arith.constant 0 : index
    %get3A_7 = vector.load %arg0[%get3A_4, %get3A_5, %get3A_6] : memref<2x10000x64xf32, #tpu.memory_space<vmem>>, vector<1x10000x64xf32>
    %get3A_8 = vector.shape_cast %get3A_7 : vector<1x10000x64xf32> to vector<10000x64xf32>
    %concatenate3A = tpu.concatenate %get3A_3, %get3A_8 in 1 : vector<10000x64xf32>, vector<10000x64xf32> -> vector<10000x128xf32>
    %get3A_9 = arith.constant 0 : index
    %get3A_10 = arith.constant 0 : index
    %get3A_11 = vector.load %arg3[%get3A_9, %get3A_10] : memref<1x128xf32, #tpu.memory_space<vmem>>, vector<1x128xf32>
    %add3A = vector.broadcast %get3A_11 : vector<1x128xf32> to vector<10000x128xf32>
    %add3A_12 = arith.addf %concatenate3A, %add3A : vector<10000x128xf32>
    %reduce_sum3A = arith.constant dense<0.000000e+00> : vector<128xf32>
    %reduce_sum3A_13 = vector.multi_reduction <add>, %add3A_12, %reduce_sum3A [0] : vector<10000x128xf32> to vector<128xf32>
    %broadcast_in_dim3A = vector.shape_cast %reduce_sum3A_13 : vector<128xf32> to vector<1x128xf32>
    %div3A = arith.constant 1.000000e+04 : f32
    %div3A_14 = vector.broadcast %div3A : f32 to vector<1x128xf32>
    %div3A_15 = arith.divf %broadcast_in_dim3A, %div3A_14 : vector<1x128xf32>
    %get3A_16 = arith.constant 0 : index
    %get3A_17 = arith.constant 0 : index
    %get3A_18 = vector.load %arg6[%get3A_16, %get3A_17] : memref<1x128xf32, #tpu.memory_space<vmem>>, vector<1x128xf32>
    %mul3A = arith.mulf %get3A_18, %div3A_15 : vector<1x128xf32>
    %sub3A = vector.broadcast %mul3A : vector<1x128xf32> to vector<10000x128xf32>
    %sub3A_19 = arith.subf %add3A_12, %sub3A : vector<10000x128xf32>
    %mul3A_20 = arith.mulf %sub3A_19, %sub3A_19 : vector<10000x128xf32>
    %reduce_sum3A_21 = arith.constant dense<0.000000e+00> : vector<128xf32>
    %reduce_sum3A_22 = vector.multi_reduction <add>, %mul3A_20, %reduce_sum3A_21 [0] : vector<10000x128xf32> to vector<128xf32>
    %broadcast_in_dim3A_23 = vector.shape_cast %reduce_sum3A_22 : vector<128xf32> to vector<1x128xf32>
    %div3A_24 = arith.constant 1.000000e+04 : f32
    %div3A_25 = vector.broadcast %div3A_24 : f32 to vector<1x128xf32>
    %div3A_26 = arith.divf %broadcast_in_dim3A_23, %div3A_25 : vector<1x128xf32>
    %get3A_27 = arith.constant 0 : index
    %get3A_28 = arith.constant 0 : index
    %get3A_29 = vector.load %arg4[%get3A_27, %get3A_28] : memref<1x128xf32, #tpu.memory_space<vmem>>, vector<1x128xf32>
    %mul3A_30 = vector.broadcast %get3A_29 : vector<1x128xf32> to vector<10000x128xf32>
    %mul3A_31 = arith.mulf %mul3A_30, %sub3A_19 : vector<10000x128xf32>
    %add3A_32 = arith.constant 9.99999974E-6 : f32
    %add3A_33 = vector.broadcast %add3A_32 : f32 to vector<1x128xf32>
    %add3A_34 = arith.addf %div3A_26, %add3A_33 : vector<1x128xf32>
    %rsqrt3A = math.rsqrt %add3A_34 : vector<1x128xf32>
    %mul3A_35 = vector.broadcast %rsqrt3A : vector<1x128xf32> to vector<10000x128xf32>
    %mul3A_36 = arith.mulf %mul3A_31, %mul3A_35 : vector<10000x128xf32>
    %get3A_37 = arith.constant 0 : index
    %get3A_38 = arith.constant 0 : index
    %get3A_39 = vector.load %arg5[%get3A_37, %get3A_38] : memref<1x128xf32, #tpu.memory_space<vmem>>, vector<1x128xf32>
    %add3A_40 = vector.broadcast %get3A_39 : vector<1x128xf32> to vector<10000x128xf32>
    %add3A_41 = arith.addf %mul3A_36, %add3A_40 : vector<10000x128xf32>
    %get3A_42 = arith.constant 0 : index
    %get3A_43 = arith.constant 0 : index
    %get3A_44 = vector.load %arg1[%get3A_42, %get3A_43] : memref<10000x128xf32, #tpu.memory_space<vmem>>, vector<10000x128xf32>
    %get3A_45 = arith.constant 0 : index
    %get3A_46 = arith.constant 0 : index
    %get3A_47 = vector.load %arg10[%get3A_45, %get3A_46] : memref<128x128xf32, #tpu.memory_space<vmem>>, vector<128x128xf32>
    %dot_general3A = arith.constant dense<0.000000e+00> : vector<10000x128xf32>
    %dot_general3A_48 = tpu.matmul %add3A_41, %get3A_47, %dot_general3A {dimension_numbers = #tpu.dot_dimension_numbers<[1], [0], [0], [1], [0, 0, 1, 1], [], []>, transpose_lhs_hint = false} : vector<10000x128xf32>, vector<128x128xf32>, vector<10000x128xf32> -> vector<10000x128xf32>
    %get3A_49 = arith.constant 0 : index
    %get3A_50 = arith.constant 0 : index
    %get3A_51 = vector.load %arg11[%get3A_49, %get3A_50] : memref<128x128xf32, #tpu.memory_space<vmem>>, vector<128x128xf32>
    %dot_general3A_52 = arith.constant dense<0.000000e+00> : vector<10000x128xf32>
    %dot_general3A_53 = tpu.matmul %get3A_44, %get3A_51, %dot_general3A_52 {dimension_numbers = #tpu.dot_dimension_numbers<[1], [0], [0], [1], [0, 0, 1, 1], [], []>, transpose_lhs_hint = false} : vector<10000x128xf32>, vector<128x128xf32>, vector<10000x128xf32> -> vector<10000x128xf32>
    %add3A_54 = arith.addf %dot_general3A_48, %dot_general3A_53 : vector<10000x128xf32>
    %get3A_55 = arith.constant 0 : index
    %get3A_56 = arith.constant 0 : index
    %get3A_57 = vector.load %arg12[%get3A_55, %get3A_56] : memref<1x128xf32, #tpu.memory_space<vmem>>, vector<1x128xf32>
    %add3A_58 = vector.broadcast %get3A_57 : vector<1x128xf32> to vector<10000x128xf32>
    %add3A_59 = arith.addf %add3A_54, %add3A_58 : vector<10000x128xf32>
    %get3A_60 = arith.constant 0 : index
    %get3A_61 = arith.constant 0 : index
    %get3A_62 = vector.load %arg7[%get3A_60, %get3A_61] : memref<128x128xf32, #tpu.memory_space<vmem>>, vector<128x128xf32>
    %dot_general3A_63 = arith.constant dense<0.000000e+00> : vector<10000x128xf32>
    %dot_general3A_64 = tpu.matmul %add3A_41, %get3A_62, %dot_general3A_63 {dimension_numbers = #tpu.dot_dimension_numbers<[1], [0], [0], [1], [0, 0, 1, 1], [], []>, transpose_lhs_hint = false} : vector<10000x128xf32>, vector<128x128xf32>, vector<10000x128xf32> -> vector<10000x128xf32>
    %get3A_65 = arith.constant 0 : index
    %get3A_66 = arith.constant 0 : index
    %get3A_67 = vector.load %arg8[%get3A_65, %get3A_66] : memref<128x128xf32, #tpu.memory_space<vmem>>, vector<128x128xf32>
    %dot_general3A_68 = arith.constant dense<0.000000e+00> : vector<10000x128xf32>
    %dot_general3A_69 = tpu.matmul %get3A_44, %get3A_67, %dot_general3A_68 {dimension_numbers = #tpu.dot_dimension_numbers<[1], [0], [0], [1], [0, 0, 1, 1], [], []>, transpose_lhs_hint = false} : vector<10000x128xf32>, vector<128x128xf32>, vector<10000x128xf32> -> vector<10000x128xf32>
    %add3A_70 = arith.addf %dot_general3A_64, %dot_general3A_69 : vector<10000x128xf32>
    %get3A_71 = arith.constant 0 : index
    %get3A_72 = arith.constant 0 : index
    %get3A_73 = vector.load %arg9[%get3A_71, %get3A_72] : memref<1x128xf32, #tpu.memory_space<vmem>>, vector<1x128xf32>
    %add3A_74 = vector.broadcast %get3A_73 : vector<1x128xf32> to vector<10000x128xf32>
    %add3A_75 = arith.addf %add3A_70, %add3A_74 : vector<10000x128xf32>
    %get3A_76 = arith.constant 0 : index
    %get3A_77 = arith.constant 0 : index
    %get3A_78 = vector.load %arg2[%get3A_76, %get3A_77] : memref<10000x1xf32, #tpu.memory_space<vmem>>, vector<10000x1xf32>
    %mul3A_79 = arith.constant 8.000000e-01 : f32
    %mul3A_80 = vector.broadcast %mul3A_79 : f32 to vector<10000x128xf32>
    %mul3A_81 = arith.mulf %mul3A_80, %add3A_59 : vector<10000x128xf32>
    %mul3A_82 = arith.constant 2.000000e-01 : f32
    %mul3A_83 = vector.broadcast %mul3A_82 : f32 to vector<10000x128xf32>
    %mul3A_84 = arith.mulf %mul3A_83, %add3A_75 : vector<10000x128xf32>
    %add3A_85 = arith.addf %mul3A_81, %mul3A_84 : vector<10000x128xf32>
    %mul3A_86 = vector.broadcast %get3A_78 : vector<10000x1xf32> to vector<10000x128xf32>
    %mul3A_87 = arith.mulf %mul3A_86, %add3A_85 : vector<10000x128xf32>
    %sub3A_88 = arith.constant 1.000000e+00 : f32
    %sub3A_89 = vector.broadcast %sub3A_88 : f32 to vector<10000x1xf32>
    %sub3A_90 = arith.subf %sub3A_89, %get3A_78 : vector<10000x1xf32>
    %mul3A_91 = arith.constant 8.000000e-01 : f32
    %mul3A_92 = vector.broadcast %mul3A_91 : f32 to vector<10000x128xf32>
    %mul3A_93 = arith.mulf %mul3A_92, %add3A_75 : vector<10000x128xf32>
    %mul3A_94 = arith.constant 2.000000e-01 : f32
    %mul3A_95 = vector.broadcast %mul3A_94 : f32 to vector<10000x128xf32>
    %mul3A_96 = arith.mulf %mul3A_95, %add3A_59 : vector<10000x128xf32>
    %add3A_97 = arith.addf %mul3A_93, %mul3A_96 : vector<10000x128xf32>
    %mul3A_98 = vector.broadcast %sub3A_90 : vector<10000x1xf32> to vector<10000x128xf32>
    %mul3A_99 = arith.mulf %mul3A_98, %add3A_97 : vector<10000x128xf32>
    %add3A_100 = arith.addf %mul3A_87, %mul3A_99 : vector<10000x128xf32>
    %swap3A = arith.constant 0 : index
    %swap3A_101 = arith.constant 0 : index
    %swap3A_102 = vector.load %arg13[%swap3A, %swap3A_101] : memref<10000x128xf32, #tpu.memory_space<vmem>>, vector<10000x128xf32>
    tpu.vector_store %arg13[%swap3A, %swap3A_101], %add3A_100 {strides = array<i32>} : memref<10000x128xf32, #tpu.memory_space<vmem>>, vector<10000x128xf32>,
    return
  }
}

</mosaic_0001>

<sc_bundles>
// kernel: kernel.5.cloned.1.call-start
scs
__scs_entry_jumppad:
0x0: {  	(pc) =	sbr.rel $0x88, $3  }
0x1: {  	(tag) =	ssettag $0x0;
	lr =	simm.s32 $0x1  }
0x2: {  	[smem:$0x3F8E] =	sst lr;
	_ =	strace $0xD0000000  }
0x3: {  	_ = 	snop  }
0x4: {  	_ = 	snop  }
0x5: {  	_ = 	snop  }
0x6: {  	_ = 	snop  }
0x7: {  	_ = 	snop  }
__scs_overlays_trampoline_lowered:
0x8: {  	[smem:$0x3F9D] =	sst s0  }
0x9: {  	[smem:$0x3F9E] =	sst s1  }
0xa: {  	[smem:$0x3F9F] =	sst s2  }
0xb: {  	[smem:$0x3FA0] =	sst s3  }
0xc: {  	[smem:$0x3FA1] =	sst s4  }
0xd: {  	[smem:$0x3FA2] =	sst s5  }
0xe: {  	[smem:$0x3FA3] =	sst s6  }
0xf: {  	[smem:$0x3FA4] =	sst s7  }
0x10: {  	[smem:$0x3FA5] =	sst s8  }
0x11: {  	[smem:$0x3FA6] =	sst s9;
	s0 =	simm.s32 @!p0 $0x0  }
0x12: {  	s1 =	sld [smem:$0x3F8C];
	s0 =	simm.s32 @p0 $0x1  }
0x13: {  	[smem:$0x3FA7] =	sst s0;
	s0 =	simm.s32 @!p1 $0x0  }
0x14: {  	s2 =	sld [smem:$0x3F8B];
	s0 =	simm.s32 @p1 $0x1  }
0x15: {  	[smem:$0x3FA8] =	sst s0;
	s0 =	simm.s32 @!p2 $0x0  }
0x16: {  	s3 =	sld [smem:$0x3FDB];
	s0 =	simm.s32 @p2 $0x1  }
0x17: {  	s4 =	simm.s32 $0x1BF5;
	[smem:$0x3FAA] =	sst s0  }
0x18: {  	s0 =	sld [smem:$0x3F8D];
	_ =	swait.ge [sflag:s4], $0x0  }
0x19: {  	s7 =	sld [smem:$0x3F8E]  }
0x1a: {  	s8 =	sadd.s32 $0xFFFFE003, lr  }
0x1b: {  	s9 =	sadd.s32 $0xFFFFFEF7, lr;
	s5 =	simm.s32 $0xFFFFFFFF;
	p2 =	slt.u32 s8, $0xFFFFF086  }
0x1c: {  	p1 =	slt.u32 s9, $0xF7A;
	s5 =	simm.s32 @!p2 $0x0  }
0x1d: {  	s5 =	simm.s32 @p1 $0x1;
	p0 =	seq.s32 s7, s2  }
0x1e: {  	s7 =	smul.u32 @!p0 $0xF7A, s2;
	p2 =	seq.s32 @!p0 s5, $0x0  }
0x1f: {  	s9 =	smul.u32 $0xF7A, s1;
	s8 =	simm.s32 @!p0 $0x1BF5;
	p2 =	por !p2, p0  }
0x20: {  	[sflag:s8] =	ssyncset.s32 @!p0 $0xFFFFF086;
	s6 =	sadd.s32 @!p0 s3, s7;
	s7 =	simm.s32 @!p0 $0x108  }
0x21: {  	s3 =	sadd.s32 s3, s9;
	s6 =	sadd.s32 @!p0 $0x88, s6;
	s7 =	simm.s32 @p2 $0x1082  }
0x22: {  	[simem:s7], [sflag:s8] =	dma.local @!p0 [hbm:s6], $0xF7A  }
0x23: {  	s9 =	sor.u32 $0xD0000000, s2;
	s6 =	simm.s32 $0x108;
	_ =	swait.ge @!p0 [sflag:s8], $0x0  }
0x24: {  	s3 =	sadd.s32 $0x88, s3;
	s6 =	simm.s32 @!p1 $0x1082;
	[sflag:s4] =	ssyncset.s32 $0xFFFFF086  }
0x25: {  	[simem:s6], [sflag:s4] =	dma.local [hbm:s3], $0xF7A  }
0x26: {  	[smem:$0x3F8E] =	sst s1;
	(tag) =	ssettag s2;
	_ =	strace s9  }
0x27: {  	s1 =	sld [smem:$0x3F9E]  }
0x28: {  	s2 =	sld [smem:$0x3F9F]  }
0x29: {  	s4 =	sld [smem:$0x3FA1]  }
0x2a: {  	p0 =	seq.s32 s5, $0x0;
	s5 =	sld [smem:$0x3FA2]  }
0x2b: {  	s6 =	sld [smem:$0x3FA3]  }
0x2c: {  	s7 =	sld [smem:$0x3FA4]  }
0x2d: {  	s3 =	simm.s32 $0x108;
	s8 =	sld [smem:$0x3FA5]  }
0x2e: {  	s3 =	simm.s32 @!p0 $0x1082;
	s9 =	sld [smem:$0x3FA6]  }
0x2f: {  	lr =	sadd.s32 s0, s3;
	s0 =	sld [smem:$0x3F9D]  }
0x30: {  	s3 =	sld [smem:$0x3FA0]  }
0x31: {  	[smem:$0x3FA9] =	sst s10  }
0x32: {  	s10 =	sld [smem:$0x3FA7];
	_ =	sdelay $0x3  }
0x33: {  	p0 =	seq.s32 s10, $0x1;
	s10 =	sld [smem:$0x3FA9];
	_ =	sdelay $0x3  }
0x34: {  	[smem:$0x3FA9] =	sst s10  }
0x35: {  	s10 =	sld [smem:$0x3FA8];
	_ =	sdelay $0x3  }
0x36: {  	p1 =	seq.s32 s10, $0x1;
	s10 =	sld [smem:$0x3FA9];
	_ =	sdelay $0x3  }
0x37: {  	[smem:$0x3FA9] =	sst s10  }
0x38: {  	s10 =	sld [smem:$0x3FAA]  }
0x39: {  	_ = 	snop;
	(pc) =	sbr.ind lr, $3  }
0x3a: {  	_ = 	snop  }
0x3b: {  	_ = 	snop  }
0x3c: {  	p2 =	seq.s32 s10, $0x1;
	s10 =	sld [smem:$0x3FA9]  }
0x3d: {  	_ =	shalt  }
0x3e: {  	_ =	shalt  }
0x3f: {  	_ =	shalt  }
0x40: {  	_ =	shalt  }
0x41: {  	_ =	shalt  }
0x42: {  	_ =	shalt  }
0x43: {  	_ =	shalt  }
0x44: {  	_ =	shalt  }
0x45: {  	_ =	shalt  }
0x46: {  	_ =	shalt  }
0x47: {  	_ =	shalt  }
0x48: {  	_ =	shalt  }
0x49: {  	_ =	shalt  }
0x4a: {  	_ =	shalt  }
0x4b: {  	_ =	shalt  }
0x4c: {  	_ =	shalt  }
0x4d: {  	_ =	shalt  }
0x4e: {  	_ =	shalt  }
0x4f: {  	_ =	shalt  }
0x50: {  	_ =	shalt  }
0x51: {  	_ =	shalt  }
0x52: {  	_ =	shalt  }
0x53: {  	_ =	shalt  }
0x54: {  	_ =	shalt  }
0x55: {  	_ =	shalt  }
0x56: {  	_ =	shalt  }
0x57: {  	_ =	shalt  }
0x58: {  	_ =	shalt  }
0x59: {  	_ =	shalt  }
0x5a: {  	_ =	shalt  }
0x5b: {  	_ =	shalt  }
0x5c: {  	_ =	shalt  }
0x5d: {  	_ =	shalt  }
0x5e: {  	_ =	shalt  }
0x5f: {  	_ =	shalt  }
0x60: {  	_ =	shalt  }
0x61: {  	_ =	shalt  }
0x62: {  	_ =	shalt  }
0x63: {  	_ =	shalt  }
0x64: {  	_ =	shalt  }
0x65: {  	_ =	shalt  }
0x66: {  	_ =	shalt  }
0x67: {  	_ =	shalt  }
0x68: {  	_ =	shalt  }
0x69: {  	_ =	shalt  }
0x6a: {  	_ =	shalt  }
0x6b: {  	_ =	shalt  }
0x6c: {  	_ =	shalt  }
0x6d: {  	_ =	shalt  }
0x6e: {  	_ =	shalt  }
0x6f: {  	_ =	shalt  }
0x70: {  	_ =	shalt  }
0x71: {  	_ =	shalt  }
0x72: {  	_ =	shalt  }
0x73: {  	_ =	shalt  }
0x74: {  	_ =	shalt  }
0x75: {  	_ =	shalt  }
0x76: {  	_ =	shalt  }
0x77: {  	_ =	shalt  }
0x78: {  	_ =	shalt  }
0x79: {  	_ =	shalt  }
0x7a: {  	_ =	shalt  }
0x7b: {  	_ =	shalt  }
0x7c: {  	_ =	shalt  }
0x7d: {  	_ =	shalt  }
0x7e: {  	_ =	shalt  }
0x7f: {  	_ =	shalt  }
0x80: {  	_ =	shalt  }
0x81: {  	_ =	shalt  }
0x82: {  	_ =	shalt  }
0x83: {  	_ =	shalt  }
0x84: {  	_ =	shalt  }
0x85: {  	_ =	shalt  }
0x86: {  	_ =	shalt  }
0x87: {  	_ =	shalt  }
.Lfunc_end0:
.L_simem_size_0:
called_computation_lowered:
.L_overlay_start_0:
0x88: {  	s2 =	sld [smem:$0x3FD9]  }
0x89: {  	s3 =	sld [smem:$0x3FFE];
	_ =	sdelay $0x1  }
0x8a: {  	s1 =	srdreg.scid  }
0x8b: {  	s0 =	sand.u32 $0x1, s1  }
0x8c: {  	s17 =	sshll.u32 s0, $0xA;
	s2 =	sadd.s32 s3, s2  }
0x8d: {  	s2 =	sadd.s32 s2, s17  }
0x8e: {  	[smem:$0x3FB5] =	sst s2  }
0x8f: {  	_ = 	snop  }
0x90: {  	s2 =	sld [smem:$0x3FD0];
	(tm) =	ssettm $0x1  }
0x91: {  	s18 =	sld [smem:$0x3FFB];
	_ =	sdelay $0x3  }
0x92: {  	_ =	strace s18  }
0x93: {  	s3 =	sld [smem:$0x3FFC];
	_ =	sdelay $0x3  }
0x94: {  	_ =	strace s3  }
0x95: {  	s3 =	sld [smem:$0x3FFD];
	_ =	sdelay $0x3  }
0x96: {  	_ =	strace s3  }
0x97: {  	_ =	strace $0x8FFFFFFF  }
0x98: {  	s19 =	sld [smem:$0x3FDB];
	_ =	sdelay $0x1  }
0x99: {  	s4 =	simm.s32 $_scs_section_size  }
0x9a: {  	s5 =	simm.s32 $_size__tile_overlayer_lowered;
	s6 =	simm.s32 $_tile_overlayer_lowered  }
0x9b: {  	s22 =	simm.s32 $0x1BFF;
	s21 =	sshll.u32 s6, $0x1;
	s3 =	sadd.s32 s4, s19  }
0x9c: {  	s7 =	simm.s32 $0x0;
	s20 =	sshll.u32 s5, $0x1;
	s5 =	sadd.s32 s21, s3  }
0x9d: {  	[timem:s7], [sflag:s22] =	dma.local [hbm:s5], s20  }
0x9e: {  	_ =	swait.ge [sflag:s22], s20  }
0x9f: {  	s4 =	ssub.s32 $0x0, s20;
	[sflag:s22] =	ssyncset.done $0x0  }
0xa0: {  	[sflag:s22] =	ssyncadd.s32 s4;
	_ =	sdelay $0x1  }
0xa1: {  	s23 =	simm.s32 $0x1B8B  }
0xa2: {  	_ =	swait.ge [sflag:s23], $0x1  }
0xa3: {  	[sflag:s23] =	ssyncset.done $0x0  }
0xa4: {  	s25 =	simm.s32 $0x1B8E;
	s24 =	sld [smem:$0x3FFE];
	[sflag:s23] =	ssyncadd.s32 $0xFFFFFFFF  }
0xa5: {  	s26 =	simm.s32 $execute0_lowered;
	[smem:$0x3FD2] =	sst s25  }
0xa6: {  	s5 =	sshll.u32 s26, $0x1;
	_ =	strace $0x80000046;
	[dreg:$0x1] =	wrdreg $0xFFFFFFFF  }
0xa7: {  	s28 =	simm.s32 $_size_execute0_lowered;
	s3 =	sadd.s32 s3, s5;
	[dreg:$0x0] =	wrdreg $0x0  }
0xa8: {  	s5 =	sshll.u32 s28, $0x1;
	[dreg:$0x2] =	wrdreg s3  }
0xa9: {  	[dreg:$0x3] =	wrdreg s5  }
0xaa: {  	[dreg:$0x4] =	wrdreg $0xC0  }
0xab: {  	_ =	task [dreg:s7], $0x5FFFF  }
0xac: {  	[dreg:$0x1] =	wrdreg $0xFFFFFFFF  }
0xad: {  	[dreg:$0x0] =	wrdreg $0x60  }
0xae: {  	[dreg:$0x2] =	wrdreg s2  }
0xaf: {  	[dreg:$0x3] =	wrdreg s24  }
0xb0: {  	[dreg:$0x4] =	wrdreg $0xCA200  }
0xb1: {  	[dreg:$0x5] =	wrdreg $0x16A200  }
0xb2: {  	[dreg:$0x6] =	wrdreg $0x16CA00  }
0xb3: {  	[dreg:$0x7] =	wrdreg $0x9  }
0xb4: {  	_ =	task.clear_ibuf [dreg:s7], $0x8FFFF;
	_ =	strace $0x90000046  }
0xb5: {  	s29 =	simm.s32 $0x9;
	_ =	strace $0x80000048  }
0xb6: {  	_ =	swait.ge [sflag:s29], $0x1  }
0xb7: {  	[sflag:s29] =	ssyncadd.s32 $0xFFFFFFFF  }
0xb8: {  	_ =	strace $0x90000048  }
0xb9: {  	_ =	sfence  }
0xba: {  	s30 =	sld [smem:$0x0];
	_ =	sdelay $0x2  }
0xbb: {  	s31 =	sshll.u32 s1, $0xD;
	s1 =	sshrl.u32 s1, $0x2  }
0xbc: {  	s3 =	sand.u32 $0x4000, s31;
	s1 =	sadd.s32 s1, s30  }
0xbd: {  	s0 =	sor.u32 s3, s0;
	s1 =	sshll.u32 s1, $0x11  }
0xbe: {  	s0 =	sor.u32 s1, s0  }
0xbf: {  	s0 =	sadd.s32 $0x8F2B, s0  }
0xc0: {  	[sflag:s0] =	ssyncadd.remote.s32 $0x1  }
0xc1: {  	_ =	sfence.sel $0xFFFF  }
0xc2: {  	[dreg:$0x0] =	wrdreg $0xFFFFFFFF;
	(pc) =	sbr.abs _section_cstart, $3  }
0xc3: {  	[dreg:$0x1] =	wrdreg $0xFFFFFFFF  }
0xc4: {  	_ =	task.clear_ibuf [dreg:s7], $0x2FFFF;
	_ =	strace $0x9FFFFFFF  }
0xc5: {  	(tm) =	ssettm $0x7FFFFFFF  }
tec
execute0_lowered:
.L_overlay_start_1:
0x0: {  	(tag) =	ssettag $0x1  }
0x1: {  	s1 =	rddreg [dreg:$0x0]  }
0x2: {  	s0 =	rddreg [dreg:$0x1]  }
0x3: {  	s2 =	rddreg [dreg:$0x2]  }
0x4: {  	s3 =	rddreg [dreg:$0x3]  }
0x5: {  	s24 =	rddreg [dreg:$0x4];
	s5 =	simm.s32 $0x0;
	s16 =	srdreg.scid  }
0x6: {  	s25 =	stileid.u32;
	[smem:$0x7FF] =	sst s5;
	s4 =	sadd.s32 $0x1E00, s0  }
0x7: {  	s6 =	sadd.s32 $0x1800, s0;
	s9 =	sadd.s32 $0xC400, s0;
	s7 =	smul.u32 $0x280, s25  }
0x8: {  	s10 =	sadd.s32 $0x2400, s0;
	s11 =	smul.u32 $0x28000, s25;
	s12 =	sadd.s32 $0x20400, s0  }
0x9: {  	_ =	strace $0x80000047;
	[dreg:$0x6] =	wrdreg s4;
	s4 =	sand.u32 $0x1, s16  }
0xa: {  	s30 =	smul.u32 $0xA0, s25;
	[dreg:$0x7] =	wrdreg s6;
	s17 =	ssub.s32 $0x2, s4  }
0xb: {  	s18 =	smul.u32 $0x2800, s4;
	s11 =	sshrl.u32 s11, $0x2;
	s13 =	sadd.s32 $0x80, s7  }
0xc: {  	s14 =	sadd.s32 $0x100, s7;
	s15 =	sadd.s32 $0x180, s7;
	s23 =	sadd.s32 $0x200, s7  }
0xd: {  	s8 =	sshrl.u32 s17, $0x1;
	s26 =	sshll.u32 s13, $0x6;
	s28 =	sshll.u32 s14, $0x6  }
0xe: {  	s29 =	sshll.u32 s15, $0x6;
	s31 =	sshll.u32 s23, $0x6;
	s6 =	ssub.s32 s17, s8  }
0xf: {  	s16 =	sadd.s32 s7, s18;
	s17 =	sadd.s32 s18, s13;
	s20 =	sadd.s32 s18, s14  }
0x10: {  	s21 =	sadd.s32 s18, s15;
	s8 =	sadd.s32 s18, s23;
	s16 =	sshll.u32 s16, $0x3  }
0x11: {  	s18 =	sadd.s32 s26, s2;
	s17 =	sshll.u32 s17, $0x3;
	s16 =	sadd.s32 s12, s16  }
0x12: {  	s8 =	sshll.u32 s8, $0x3;
	s19 =	sadd.s32 s12, s17;
	[dreg:$0x8] =	wrdreg s16  }
0x13: {  	s22 =	sshll.u32 s21, $0x3;
	s8 =	sadd.s32 s12, s8;
	[dreg:$0x9] =	wrdreg s19  }
0x14: {  	s17 =	sadd.s32 s11, s2;
	s11 =	sadd.s32 s13, s3;
	[dreg:$0xc] =	wrdreg s8  }
0x15: {  	s13 =	sadd.s32 s15, s3;
	s16 =	sshll.u32 s20, $0x3;
	[dreg:$0xd] =	wrdreg s11  }
0x16: {  	s21 =	sadd.s32 s31, s2;
	[dreg:$0xf] =	wrdreg s13;
	s16 =	sadd.s32 s12, s16  }
0x17: {  	s15 =	sshll.u32 s25, $0x4;
	[dreg:$0xa] =	wrdreg s16;
	s16 =	sadd.s32 s12, s22  }
0x18: {  	s19 =	sadd.s32 s28, s2;
	s12 =	sadd.s32 s14, s3;
	[dreg:$0xb] =	wrdreg s16  }
0x19: {  	s20 =	sadd.s32 s29, s2;
	s14 =	sadd.s32 s23, s3;
	[dreg:$0xe] =	wrdreg s12  }
0x1a: {  	s16 =	sadd.s32 $0x16400, s0;
	[dreg:$0x10] =	wrdreg s14;
	s0 =	sadd.s32 s15, s24  }
0x1b: {  	s22 =	sadd.s32 s7, s3;
	s24 =	smax.u32 s6, $0x1;
	[dreg:$0x11] =	wrdreg s0  }
0x1c: {  	s8 =	simm.s32 $0x1;
	s25 =	sadd.s32 $0x40, s22;
	[dreg:$0x12] =	wrdreg s24  }
0x1d: {  	s11 =	simm.s32 $0x2710;
	s26 =	sadd.s32 $0xC0, s22;
	[dreg:$0x13] =	wrdreg s25  }
0x1e: {  	s13 =	simm.s32 $0xBE20;
	s28 =	sadd.s32 $0x140, s22;
	[dreg:$0x14] =	wrdreg s26  }
0x1f: {  	s23 =	smul.u32 $0x2710, s4;
	s29 =	sadd.s32 $0x1C0, s22;
	[dreg:$0x15] =	wrdreg s28  }
0x20: {  	s31 =	sadd.s32 $0x240, s22;
	s12 =	simm.s32 $0x9E20;
	[dreg:$0x16] =	wrdreg s29  }
0x21: {  	v2 =	vimm.s32 $0x0;
	vm0 =	vcmask $0x300;
	s14 =	simm.s32 $0xC220;
	s15 =	simm.s32 $0xC620;
	[dreg:$0x17] =	wrdreg s31  }
0x22: {  	v1 =	vimm.f32 $0.0e+00;
	v2 =	vsel vm0, $0x3, v2;
	v0 =	vmov s23;
	s23 =	simm.s32 $0x80;
	s24 =	simm.s32 $0x4E20;
	s25 =	simm.s32 $0x0  }
.LBB2_1:
0x23: {  	s0 =	rddreg [dreg:$0x6]  }
0x24: {  	[tilespmem:s5], [sflag:$0x1] =	stream.linear.gather [hbm4b:s0+s5], $0x2710, $0x38;
	[tilespmem:$0x16CB0] =	vst v63  }
0x25: {  	_ =	swait.ge [sflag:s8], $0x2710  }
0x26: {  	[sflag:s8] =	ssyncset.done $0x0  }
0x27: {  	s31 =	rddreg [dreg:$0x7];
	[sflag:s8] =	ssyncadd.s32 $0xFFFFD8F0  }
0x28: {  	[tilespmem:s11], [sflag:$0x1] =	stream.linear.gather [hbm4b:s31+s5], $0x2710, $0x38;
	[tilespmem:$0x16CB0] =	vst v63  }
0x29: {  	_ =	swait.ge [sflag:s8], $0x2710  }
0x2a: {  	[sflag:s8] =	ssyncset.done $0x0  }
0x2b: {  	s4 =	simm.s32 $0x100;
	s0 =	simm.s32 $0x0;
	[sflag:s8] =	ssyncadd.s32 $0xFFFFD8F0  }
.LBB2_2:
0x2c: {  	p0 =	sne.s32 s4, $0x7F00;
	[tilespmem:s0+$0x9E50] =	vst v1;
	s6 =	smov.u32 s4;
	s4 =	sadd.s32 $0x100, s4  }
.Ltmp0:
0x2d: {  	[tilespmem:s0+$0x9E40] =	vst v1;
	(pc) =	sbr.rel @p0 .LBB2_2-.Ltmp0, $3  }
0x2e: {  	[tilespmem:s0+$0x9E20] =	vst v1  }
0x2f: {  	[tilespmem:s0+$0x9E30] =	vst v1;
	_ =	sdelay $0x1  }
0x30: {  	s0 =	sshra.s32 s6, $0x2  }
0x31: {  	[tilespmem:s0+$0x9E50] =	vst v1  }
0x32: {  	[tilespmem:s0+$0x9E40] =	vst v1  }
0x33: {  	[tilespmem:s0+$0x9E20] =	vst v1  }
0x34: {  	[tilespmem:s0+$0x9E30] =	vst v1  }
0x35: {  	[spmem:s17] =	stream.linear.scatter [tilespmem:s12], [sflag:$0x1], $0x2000, $0x38;
	[tilespmem:$0x16CB0] =	vst v63  }
0x36: {  	_ =	swait.ge [sflag:s8], $0x2000  }
0x37: {  	[sflag:s8] =	ssyncset.done $0x0  }
0x38: {  	[sflag:s8] =	ssyncadd.s32 $0xFFFFE000  }
0x39: {  	[spmem:s18] =	stream.linear.scatter [tilespmem:s12], [sflag:$0x1], $0x2000, $0x38;
	[tilespmem:$0x16CB0] =	vst v63  }
0x3a: {  	_ =	swait.ge [sflag:s8], $0x2000  }
0x3b: {  	[sflag:s8] =	ssyncset.done $0x0  }
0x3c: {  	[sflag:s8] =	ssyncadd.s32 $0xFFFFE000  }
0x3d: {  	[spmem:s19] =	stream.linear.scatter [tilespmem:s12], [sflag:$0x1], $0x2000, $0x38;
	[tilespmem:$0x16CB0] =	vst v63  }
0x3e: {  	_ =	swait.ge [sflag:s8], $0x2000  }
0x3f: {  	[sflag:s8] =	ssyncset.done $0x0  }
0x40: {  	[sflag:s8] =	ssyncadd.s32 $0xFFFFE000  }
0x41: {  	[spmem:s20] =	stream.linear.scatter [tilespmem:s12], [sflag:$0x1], $0x2000, $0x38;
	[tilespmem:$0x16CB0] =	vst v63  }
0x42: {  	_ =	swait.ge [sflag:s8], $0x2000  }
0x43: {  	[sflag:s8] =	ssyncset.done $0x0  }
0x44: {  	[sflag:s8] =	ssyncadd.s32 $0xFFFFE000  }
0x45: {  	[spmem:s21] =	stream.linear.scatter [tilespmem:s12], [sflag:$0x1], $0x2000, $0x38;
	[tilespmem:$0x16CB0] =	vst v63  }
0x46: {  	_ =	swait.ge [sflag:s8], $0x2000  }
0x47: {  	[sflag:s8] =	ssyncset.done $0x0  }
0x48: {  	[sflag:s8] =	ssyncadd.s32 $0xFFFFE000  }
0x49: {  	[spmem:s22] =	stream.linear.scatter [tilespmem:s12], [sflag:$0x1], $0x40, $0x38;
	[tilespmem:$0x16CB0] =	vst v63  }
0x4a: {  	_ =	swait.ge [sflag:s8], $0x40  }
0x4b: {  	[sflag:s8] =	ssyncset.done $0x0  }
0x4c: {  	s29 =	rddreg [dreg:$0x13];
	[sflag:s8] =	ssyncadd.s32 $0xFFFFFFC0  }
0x4d: {  	[spmem:s29] =	stream.linear.scatter [tilespmem:s12], [sflag:$0x1], $0x40, $0x38;
	[tilespmem:$0x16CB0] =	vst v63  }
0x4e: {  	_ =	swait.ge [sflag:s8], $0x40  }
0x4f: {  	[sflag:s8] =	ssyncset.done $0x0  }
0x50: {  	s31 =	rddreg [dreg:$0xd];
	[sflag:s8] =	ssyncadd.s32 $0xFFFFFFC0  }
0x51: {  	[spmem:s31] =	stream.linear.scatter [tilespmem:s12], [sflag:$0x1], $0x40, $0x38;
	[tilespmem:$0x16CB0] =	vst v63  }
0x52: {  	_ =	swait.ge [sflag:s8], $0x40  }
0x53: {  	[sflag:s8] =	ssyncset.done $0x0  }
0x54: {  	s4 =	rddreg [dreg:$0x14];
	[sflag:s8] =	ssyncadd.s32 $0xFFFFFFC0  }
0x55: {  	[spmem:s4] =	stream.linear.scatter [tilespmem:s12], [sflag:$0x1], $0x40, $0x38;
	[tilespmem:$0x16CB0] =	vst v63  }
0x56: {  	_ =	swait.ge [sflag:s8], $0x40  }
0x57: {  	[sflag:s8] =	ssyncset.done $0x0  }
0x58: {  	s6 =	rddreg [dreg:$0xe];
	[sflag:s8] =	ssyncadd.s32 $0xFFFFFFC0  }
0x59: {  	[spmem:s6] =	stream.linear.scatter [tilespmem:s12], [sflag:$0x1], $0x40, $0x38;
	[tilespmem:$0x16CB0] =	vst v63  }
0x5a: {  	_ =	swait.ge [sflag:s8], $0x40  }
0x5b: {  	[sflag:s8] =	ssyncset.done $0x0  }
0x5c: {  	s7 =	rddreg [dreg:$0x15];
	[sflag:s8] =	ssyncadd.s32 $0xFFFFFFC0  }
0x5d: {  	[spmem:s7] =	stream.linear.scatter [tilespmem:s12], [sflag:$0x1], $0x40, $0x38;
	[tilespmem:$0x16CB0] =	vst v63  }
0x5e: {  	_ =	swait.ge [sflag:s8], $0x40  }
0x5f: {  	[sflag:s8] =	ssyncset.done $0x0  }
0x60: {  	s26 =	rddreg [dreg:$0xf];
	[sflag:s8] =	ssyncadd.s32 $0xFFFFFFC0  }
0x61: {  	[spmem:s26] =	stream.linear.scatter [tilespmem:s12], [sflag:$0x1], $0x40, $0x38;
	[tilespmem:$0x16CB0] =	vst v63  }
0x62: {  	_ =	swait.ge [sflag:s8], $0x40  }
0x63: {  	[sflag:s8] =	ssyncset.done $0x0  }
0x64: {  	s28 =	rddreg [dreg:$0x16];
	[sflag:s8] =	ssyncadd.s32 $0xFFFFFFC0  }
0x65: {  	[spmem:s28] =	stream.linear.scatter [tilespmem:s12], [sflag:$0x1], $0x40, $0x38;
	[tilespmem:$0x16CB0] =	vst v63  }
0x66: {  	_ =	swait.ge [sflag:s8], $0x40  }
0x67: {  	[sflag:s8] =	ssyncset.done $0x0  }
0x68: {  	s29 =	rddreg [dreg:$0x10];
	[sflag:s8] =	ssyncadd.s32 $0xFFFFFFC0  }
0x69: {  	[spmem:s29] =	stream.linear.scatter [tilespmem:s12], [sflag:$0x1], $0x40, $0x38;
	[tilespmem:$0x16CB0] =	vst v63  }
0x6a: {  	_ =	swait.ge [sflag:s8], $0x40  }
0x6b: {  	[sflag:s8] =	ssyncset.done $0x0  }
0x6c: {  	s31 =	rddreg [dreg:$0x17];
	[sflag:s8] =	ssyncadd.s32 $0xFFFFFFC0  }
0x6d: {  	[spmem:s31] =	stream.linear.scatter [tilespmem:s12], [sflag:$0x1], $0x40, $0x38;
	[tilespmem:$0x16CB0] =	vst v63  }
0x6e: {  	_ =	swait.ge [sflag:s8], $0x40  }
0x6f: {  	s0 =	simm.s32 $0x0;
	[sflag:s8] =	ssyncset.done $0x0  }
0x70: {  	v3 =	vimm.f32 $-1.000000020e+30;
	s4 =	simm.s32 $0x4E90;
	s6 =	simm.s32 $0x0;
	[sflag:s8] =	ssyncadd.s32 $0xFFFFFFC0  }
.LBB2_4:
0x71: {  	s26 =	sshll.u32 s6, $0x3  }
0x72: {  	s26 =	sadd.s32 s30, s26  }
0x73: {  	s26 =	sshll.u32 s26, $0x4  }
0x74: {  	s28 =	sadd.s32 s9, s26  }
0x75: {  	[tilespmem:s13], [sflag:$0x1] =	stream.linear.gather [hbm4b:s28+s0], $0x400, $0x38;
	[tilespmem:$0x16CB0] =	vst v63  }
0x76: {  	_ =	swait.ge [sflag:s8], $0x400  }
0x77: {  	[sflag:s8] =	ssyncset.done $0x0  }
0x78: {  	s26 =	sadd.s32 s10, s26;
	[sflag:s8] =	ssyncadd.s32 $0xFFFFFC00  }
0x79: {  	[tilespmem:s14], [sflag:$0x1] =	stream.linear.gather [hbm4b:s26+s0], $0x400, $0x38;
	[tilespmem:$0x16CB0] =	vst v63  }
0x7a: {  	_ =	swait.ge [sflag:s8], $0x400  }
0x7b: {  	[sflag:s8] =	ssyncset.done $0x0  }
0x7c: {  	v4 =	vmov s4;
	s26 =	simm.s32 $0x0;
	[sflag:s8] =	ssyncadd.s32 $0xFFFFFC00  }
.LBB2_5:
0x7d: {  	s28 =	sshra.s32 s26, $0x2  }
0x7e: {  	v5 =	vld [tilespmem:s28+$0xBE20]  }
0x7f: {  	v6 =	vld [tilespmem:s28+$0xC220];
	_ =	sdelay $0x6  }
0x80: {  	v5 =	vld.idx.msk [tilespmem:v5+s5+$0x0], $0xffff  }
0x81: {  	v6 =	vld.idx.msk [tilespmem:v6+s11+$0x0], $0xffff;
	_ =	sdelay $0x4  }
0x82: {  	v5 =	vadd.f32 v6, v5;
	_ =	sdelay $0x1  }
0x83: {  	v6 =	vmul.f32 $2.000000030e-01, v5  }
0x84: {  	vm0 =	vge.f32 v5, $0.0e+00  }
0x85: {  	v5 =	vsel vm0, v5, v6  }
0x86: {  	[tilespmem:v4+s28+$0xFFFFFF90 ss:$0x1] =	vst.idx.msk $0xffff, v5  }
0x87: {  	v6 =	vld [tilespmem:s28+$0xBE30]  }
0x88: {  	v7 =	vld [tilespmem:s28+$0xC230];
	_ =	sdelay $0x6  }
0x89: {  	v6 =	vld.idx.msk [tilespmem:v6+s5+$0x0], $0xffff  }
0x8a: {  	v7 =	vld.idx.msk [tilespmem:v7+s11+$0x0], $0xffff;
	_ =	sdelay $0x4  }
0x8b: {  	v6 =	vadd.f32 v7, v6;
	_ =	sdelay $0x1  }
0x8c: {  	v7 =	vmul.f32 $2.000000030e-01, v6  }
0x8d: {  	vm9 =	vge.f32 v6, $0.0e+00  }
0x8e: {  	v6 =	vsel vm9, v6, v7  }
0x8f: {  	[tilespmem:v4+s28+$0xFFFFFFA0 ss:$0x1] =	vst.idx.msk $0xffff, v6  }
0x90: {  	v7 =	vld [tilespmem:s28+$0xBE40]  }
0x91: {  	v8 =	vld [tilespmem:s28+$0xC240];
	_ =	sdelay $0x6  }
0x92: {  	v7 =	vld.idx.msk [tilespmem:v7+s5+$0x0], $0xffff  }
0x93: {  	v8 =	vld.idx.msk [tilespmem:v8+s11+$0x0], $0xffff;
	_ =	sdelay $0x4  }
0x94: {  	v7 =	vadd.f32 v8, v7;
	_ =	sdelay $0x1  }
0x95: {  	v8 =	vmul.f32 $2.000000030e-01, v7  }
0x96: {  	vm10 =	vge.f32 v7, $0.0e+00  }
0x97: {  	v7 =	vsel vm10, v7, v8  }
0x98: {  	[tilespmem:v4+s28+$0xFFFFFFB0 ss:$0x1] =	vst.idx.msk $0xffff, v7  }
0x99: {  	v59 =	vld [tilespmem:s28+$0xBE50]  }
0x9a: {  	v9 =	vld [tilespmem:s28+$0xC250];
	_ =	sdelay $0x6  }
0x9b: {  	v8 =	vld.idx.msk [tilespmem:v59+s5+$0x0], $0xffff  }
0x9c: {  	v9 =	vld.idx.msk [tilespmem:v9+s11+$0x0], $0xffff;
	_ =	sdelay $0x4  }
0x9d: {  	v8 =	vadd.f32 v9, v8;
	_ =	sdelay $0x1  }
0x9e: {  	v9 =	vmul.f32 $2.000000030e-01, v8  }
0x9f: {  	vm11 =	vge.f32 v8, $0.0e+00  }
0xa0: {  	v8 =	vsel vm11, v8, v9  }
0xa1: {  	[tilespmem:v4+s28+$0xFFFFFFC0 ss:$0x1] =	vst.idx.msk $0xffff, v8  }
0xa2: {  	v60 =	vld [tilespmem:s28+$0xBE60]  }
0xa3: {  	v10 =	vld [tilespmem:s28+$0xC260];
	_ =	sdelay $0x6  }
0xa4: {  	v9 =	vld.idx.msk [tilespmem:v60+s5+$0x0], $0xffff  }
0xa5: {  	v10 =	vld.idx.msk [tilespmem:v10+s11+$0x0], $0xffff;
	_ =	sdelay $0x4  }
0xa6: {  	v9 =	vadd.f32 v10, v9;
	_ =	sdelay $0x1  }
0xa7: {  	v10 =	vmul.f32 $2.000000030e-01, v9  }
0xa8: {  	vm12 =	vge.f32 v9, $0.0e+00  }
0xa9: {  	v9 =	vsel vm12, v9, v10  }
0xaa: {  	[tilespmem:v4+s28+$0xFFFFFFD0 ss:$0x1] =	vst.idx.msk $0xffff, v9  }
0xab: {  	v61 =	vld [tilespmem:s28+$0xBE70]  }
0xac: {  	v11 =	vld [tilespmem:s28+$0xC270];
	_ =	sdelay $0x6  }
0xad: {  	v10 =	vld.idx.msk [tilespmem:v61+s5+$0x0], $0xffff  }
0xae: {  	v11 =	vld.idx.msk [tilespmem:v11+s11+$0x0], $0xffff;
	_ =	sdelay $0x4  }
0xaf: {  	v10 =	vadd.f32 v11, v10;
	_ =	sdelay $0x1  }
0xb0: {  	v11 =	vmul.f32 $2.000000030e-01, v10  }
0xb1: {  	vm13 =	vge.f32 v10, $0.0e+00  }
0xb2: {  	v10 =	vsel vm13, v10, v11  }
0xb3: {  	[tilespmem:v4+s28+$0xFFFFFFE0 ss:$0x1] =	vst.idx.msk $0xffff, v10  }
0xb4: {  	v62 =	vld [tilespmem:s28+$0xBE80]  }
0xb5: {  	v12 =	vld [tilespmem:s28+$0xC280];
	_ =	sdelay $0x6  }
0xb6: {  	v11 =	vld.idx.msk [tilespmem:v62+s5+$0x0], $0xffff  }
0xb7: {  	v12 =	vld.idx.msk [tilespmem:v12+s11+$0x0], $0xffff;
	_ =	sdelay $0x4  }
0xb8: {  	v11 =	vadd.f32 v12, v11;
	_ =	sdelay $0x1  }
0xb9: {  	v12 =	vmul.f32 $2.000000030e-01, v11  }
0xba: {  	vm14 =	vge.f32 v11, $0.0e+00  }
0xbb: {  	v11 =	vsel vm14, v11, v12  }
0xbc: {  	[tilespmem:v4+s28+$0xFFFFFFF0 ss:$0x1] =	vst.idx.msk $0xffff, v11  }
0xbd: {  	v63 =	vld [tilespmem:s28+$0xBE90]  }
0xbe: {  	v13 =	vld [tilespmem:s28+$0xC290];
	_ =	sdelay $0x6  }
0xbf: {  	v12 =	vld.idx.msk [tilespmem:v63+s5+$0x0], $0xffff  }
0xc0: {  	v13 =	vld.idx.msk [tilespmem:v13+s11+$0x0], $0xffff;
	_ =	sdelay $0x2  }
0xc1: {  	v3 =	vmax.f32 v3, v5  }
0xc2: {  	v3 =	vmax.f32 v3, v6  }
0xc3: {  	p0 =	sne.s32 s26, $0xE00;
	v3 =	vmax.f32 v3, v7;
	v5 =	vadd.f32 v13, v12  }
.Ltmp1:
0xc4: {  	v3 =	vmax.f32 v3, v8;
	(pc) =	sbr.rel @p0 .LBB2_5-.Ltmp1, $4  }
0xc5: {  	v3 =	vmax.f32 v3, v9;
	v6 =	vmul.f32 $2.000000030e-01, v5  }
0xc6: {  	v3 =	vmax.f32 v3, v10;
	vm15 =	vge.f32 v5, $0.0e+00  }
0xc7: {  	v3 =	vmax.f32 v3, v11;
	v5 =	vsel vm15, v5, v6  }
0xc8: {  	s26 =	sadd.s32 $0x200, s26;
	[tilespmem:v4+s28+$0x0 ss:$0x1] =	vst.idx.msk $0xffff, v5;
	v3 =	vmax.f32 v3, v5  }
0xc9: {  	s6 =	sadd.s32 $0x1, s6  }
0xca: {  	p0 =	sne.s32 s6, $0x14  }
.Ltmp2:
0xcb: {  	_ = 	snop;
	(pc) =	sbr.rel @p0 .LBB2_4-.Ltmp2, $2  }
0xcc: {  	_ =	sdelay $0x2  }
0xcd: {  	s4 =	sadd.s32 $0x400, s4  }
0xce: {  	[tilespmem:$0x2710] =	vst v3;
	s0 =	rddreg [dreg:$0x11]  }
0xcf: {  	[spmem:s0] =	stream.linear.scatter [tilespmem:s11], [sflag:$0x1], $0x10, $0x38;
	[tilespmem:$0x16CB0] =	vst v63  }
0xd0: {  	_ =	swait.ge [sflag:s8], $0x10  }
0xd1: {  	[sflag:s8] =	ssyncset.done $0x0  }
0xd2: {  	[sflag:s8] =	ssyncadd.s32 $0xFFFFFFF0  }
0xd3: {  	[bflag:$0x0] =	sbarrier.arrive $0xFFFF  }
0xd4: {  	s31 =	rddreg [dreg:$0x4]  }
0xd5: {  	[tilespmem:s11], [sflag:$0x1] =	stream.linear.gather [spmem:s31], $0x100, $0x38;
	[tilespmem:$0x16CB0] =	vst v63  }
0xd6: {  	_ =	swait.ge [sflag:s8], $0x100  }
0xd7: {  	[sflag:s8] =	ssyncset.done $0x0  }
0xd8: {  	[sflag:s8] =	ssyncadd.s32 $0xFFFFFF00  }
0xd9: {  	v3 =	vld [tilespmem:$0x2710]  }
0xda: {  	v4 =	vld [tilespmem:$0x2720]  }
0xdb: {  	v5 =	vld [tilespmem:$0x2730]  }
0xdc: {  	v6 =	vld [tilespmem:$0x2740]  }
0xdd: {  	v7 =	vld [tilespmem:$0x2750]  }
0xde: {  	v8 =	vld [tilespmem:$0x2760];
	v3 =	vmax.f32 v3, $-1.000000020e+30  }
0xdf: {  	v3 =	vmax.f32 v3, v4;
	v4 =	vld [tilespmem:$0x2770]  }
0xe0: {  	v3 =	vmax.f32 v3, v5;
	v5 =	vld [tilespmem:$0x2780]  }
0xe1: {  	v58 =	vld [tilespmem:$0x2790];
	v3 =	vmax.f32 v3, v6  }
0xe2: {  	v59 =	vld [tilespmem:$0x27A0];
	v3 =	vmax.f32 v3, v7  }
0xe3: {  	v60 =	vld [tilespmem:$0x27B0];
	v3 =	vmax.f32 v3, v8  }
0xe4: {  	v3 =	vmax.f32 v3, v4;
	v4 =	vld [tilespmem:$0x27C0]  }
0xe5: {  	v3 =	vmax.f32 v3, v5;
	v5 =	vld [tilespmem:$0x27D0]  }
0xe6: {  	v61 =	vld [tilespmem:$0x27E0];
	v3 =	vmax.f32 v3, v58  }
0xe7: {  	v62 =	vld [tilespmem:$0x27F0];
	v3 =	vmax.f32 v3, v59  }
0xe8: {  	v63 =	vld [tilespmem:$0x2800];
	v3 =	vmax.f32 v3, v60  }
0xe9: {  	v3 =	vmax.f32 v3, v4  }
0xea: {  	v3 =	vmax.f32 v3, v5  }
0xeb: {  	v3 =	vmax.f32 v3, v61  }
0xec: {  	v3 =	vmax.f32 v3, v62  }
0xed: {  	v3 =	vmax.f32 v3, v63  }
0xee: {  	(xrf0) =	vmax.scan.msk.f32 $0xffff, v3;
	_ =	sdelay $0x5  }
0xef: {  	v3, _, _ =	vpop (xrf0)  }
0xf0: {  	s26 =	simm.s32 $0x0;
	s28 =	simm.s32 $0x4E20;
	s29 =	simm.s32 $0x0;
	v3 =	vbroadcast v3, $0xF  }
.LBB2_8:
0xf1: {  	s0 =	sshll.u32 s29, $0x3  }
0xf2: {  	s0 =	sadd.s32 s30, s0  }
0xf3: {  	s0 =	sshll.u32 s0, $0x4  }
0xf4: {  	s4 =	sadd.s32 s10, s0  }
0xf5: {  	[tilespmem:s14], [sflag:$0x1] =	stream.linear.gather [hbm4b:s4+s26], $0x400, $0x38;
	[tilespmem:$0x16CB0] =	vst v63  }
0xf6: {  	_ =	swait.ge [sflag:s8], $0x400  }
0xf7: {  	[sflag:s8] =	ssyncset.done $0x0  }
0xf8: {  	v4 =	vmov s28;
	s0 =	sadd.s32 s16, s0;
	[sflag:s8] =	ssyncadd.s32 $0xFFFFFC00  }
0xf9: {  	[tilespmem:s15], [sflag:$0x1] =	stream.linear.gather [hbm4b:s0+s26], $0x400, $0x38;
	[tilespmem:$0x16CB0] =	vst v63  }
0xfa: {  	_ =	swait.ge [sflag:s8], $0x400  }
0xfb: {  	[sflag:s8] =	ssyncset.done $0x0  }
0xfc: {  	s4 =	simm.s32 $0x0;
	[sflag:s8] =	ssyncadd.s32 $0xFFFFFC00  }
0xfd: {  	v5 =	vld.idx.msk [tilespmem:v4+s4+$0x0 ss:$0x1], $0xffff;
	_ =	sdelay $0x4  }
0xfe: {  	v5 =	vsub.f32 v5, v3;
	_ =	sdelay $0x1  }
0xff: {  	v5 =	vmul.f32 $1.442695020e+00, v5;
	_ =	sdelay $0x1  }
0x100: {  	(erf) = vpow2.f32 v5;
	_ =	sdelay $0x4  }
0x101: {  	v5 =	vld [tilespmem:s4+$0xC620];
	_ =	sdelay $0x3  }
0x102: {  	v6 =	vpop (erf)  }
0x103: {  	v5 =	vmul.f32 v6, v5;
	_ =	sdelay $0x1  }
0x104: {  	[tilespmem:v4+s4+$0x0 ss:$0x1] =	vst.idx.msk $0xffff, v5  }
0x105: {  	v5 =	vld.idx.msk [tilespmem:v4+s4+$0x10 ss:$0x1], $0xffff;
	_ =	sdelay $0x4  }
0x106: {  	v5 =	vsub.f32 v5, v3;
	_ =	sdelay $0x1  }
0x107: {  	v5 =	vmul.f32 $1.442695020e+00, v5;
	_ =	sdelay $0x1  }
0x108: {  	(erf) = vpow2.f32 v5;
	_ =	sdelay $0x4  }
0x109: {  	v5 =	vld [tilespmem:s4+$0xC630];
	_ =	sdelay $0x3  }
0x10a: {  	v6 =	vpop (erf)  }
0x10b: {  	v5 =	vmul.f32 v6, v5;
	_ =	sdelay $0x1  }
0x10c: {  	[tilespmem:v4+s4+$0x10 ss:$0x1] =	vst.idx.msk $0xffff, v5  }
0x10d: {  	v5 =	vld.idx.msk [tilespmem:v4+s4+$0x20 ss:$0x1], $0xffff;
	_ =	sdelay $0x4  }
0x10e: {  	v5 =	vsub.f32 v5, v3;
	_ =	sdelay $0x1  }
0x10f: {  	v5 =	vmul.f32 $1.442695020e+00, v5;
	_ =	sdelay $0x1  }
0x110: {  	(erf) = vpow2.f32 v5;
	_ =	sdelay $0x4  }
0x111: {  	v5 =	vld [tilespmem:s4+$0xC640];
	_ =	sdelay $0x3  }
0x112: {  	v6 =	vpop (erf)  }
0x113: {  	v5 =	vmul.f32 v6, v5;
	_ =	sdelay $0x1  }
0x114: {  	[tilespmem:v4+s4+$0x20 ss:$0x1] =	vst.idx.msk $0xffff, v5  }
0x115: {  	v5 =	vld.idx.msk [tilespmem:v4+s4+$0x30 ss:$0x1], $0xffff;
	_ =	sdelay $0x4  }
0x116: {  	v5 =	vsub.f32 v5, v3;
	_ =	sdelay $0x1  }
0x117: {  	v5 =	vmul.f32 $1.442695020e+00, v5;
	_ =	sdelay $0x1  }
0x118: {  	(erf) = vpow2.f32 v5;
	_ =	sdelay $0x4  }
0x119: {  	v5 =	vld [tilespmem:s4+$0xC650];
	_ =	sdelay $0x3  }
0x11a: {  	v6 =	vpop (erf)  }
0x11b: {  	v5 =	vmul.f32 v6, v5;
	_ =	sdelay $0x1  }
0x11c: {  	[tilespmem:v4+s4+$0x30 ss:$0x1] =	vst.idx.msk $0xffff, v5  }
0x11d: {  	v5 =	vld.idx.msk [tilespmem:v4+s4+$0x40 ss:$0x1], $0xffff;
	_ =	sdelay $0x4  }
0x11e: {  	v5 =	vsub.f32 v5, v3;
	_ =	sdelay $0x1  }
0x11f: {  	v5 =	vmul.f32 $1.442695020e+00, v5;
	_ =	sdelay $0x1  }
0x120: {  	(erf) = vpow2.f32 v5;
	_ =	sdelay $0x4  }
0x121: {  	v5 =	vld [tilespmem:s4+$0xC660];
	_ =	sdelay $0x3  }
0x122: {  	v6 =	vpop (erf)  }
0x123: {  	v5 =	vmul.f32 v6, v5;
	_ =	sdelay $0x1  }
0x124: {  	[tilespmem:v4+s4+$0x40 ss:$0x1] =	vst.idx.msk $0xffff, v5  }
0x125: {  	v5 =	vld.idx.msk [tilespmem:v4+s4+$0x50 ss:$0x1], $0xffff;
	_ =	sdelay $0x4  }
0x126: {  	v5 =	vsub.f32 v5, v3;
	_ =	sdelay $0x1  }
0x127: {  	v5 =	vmul.f32 $1.442695020e+00, v5;
	_ =	sdelay $0x1  }
0x128: {  	(erf) = vpow2.f32 v5;
	_ =	sdelay $0x4  }
0x129: {  	v5 =	vld [tilespmem:s4+$0xC670];
	_ =	sdelay $0x3  }
0x12a: {  	v6 =	vpop (erf)  }
0x12b: {  	v5 =	vmul.f32 v6, v5;
	_ =	sdelay $0x1  }
0x12c: {  	[tilespmem:v4+s4+$0x50 ss:$0x1] =	vst.idx.msk $0xffff, v5  }
0x12d: {  	v5 =	vld.idx.msk [tilespmem:v4+s4+$0x60 ss:$0x1], $0xffff;
	_ =	sdelay $0x4  }
0x12e: {  	v5 =	vsub.f32 v5, v3;
	_ =	sdelay $0x1  }
0x12f: {  	v5 =	vmul.f32 $1.442695020e+00, v5;
	_ =	sdelay $0x1  }
0x130: {  	(erf) = vpow2.f32 v5;
	_ =	sdelay $0x4  }
0x131: {  	v5 =	vld [tilespmem:s4+$0xC680];
	_ =	sdelay $0x3  }
0x132: {  	v6 =	vpop (erf)  }
0x133: {  	v5 =	vmul.f32 v6, v5;
	_ =	sdelay $0x1  }
0x134: {  	[tilespmem:v4+s4+$0x60 ss:$0x1] =	vst.idx.msk $0xffff, v5  }
0x135: {  	v5 =	vld.idx.msk [tilespmem:v4+s4+$0x70 ss:$0x1], $0xffff;
	_ =	sdelay $0x4  }
0x136: {  	v5 =	vsub.f32 v5, v3;
	_ =	sdelay $0x1  }
0x137: {  	v5 =	vmul.f32 $1.442695020e+00, v5;
	_ =	sdelay $0x1  }
0x138: {  	(erf) = vpow2.f32 v5;
	_ =	sdelay $0x4  }
0x139: {  	v5 =	vld [tilespmem:s4+$0xC690];
	_ =	sdelay $0x3  }
0x13a: {  	v6 =	vpop (erf)  }
0x13b: {  	v5 =	vmul.f32 v6, v5;
	_ =	sdelay $0x1  }
0x13c: {  	s6 =	sadd.s32 $0x0, s28;
	s7 =	simm.s32 $0xC220;
	[tilespmem:v4+s4+$0x70 ss:$0x1] =	vst.idx.msk $0xffff, v5  }
0x13d: {  	[spmem:s3] =	stream.indirect.scatter.add.f32 [tilespmem:s6], [sflag:$0x1], $0x1, s7, s23, $0xb8;
	[tilespmem:$0x16CB0] =	vst v63  }
0x13e: {  	_ =	swait.ge [sflag:s8], $0x80  }
0x13f: {  	s31 =	simm.s32 $0x400;
	s0 =	simm.s32 $0x200;
	[sflag:s8] =	ssyncset.done $0x0  }
.LBB2_9:
0x140: {  	s6 =	sshra.s32 s0, $0x2  }
0x141: {  	[sflag:s8] =	ssyncadd.s32 $0xFFFFFF80;
	s0 =	smov.u32 s31;
	s4 =	sadd.s32 $0x200, s31  }
0x142: {  	p0 =	sne.s32 s31, $0xE00;
	v5 =	vld.idx.msk [tilespmem:v4+s6+$0x0 ss:$0x1], $0xffff;
	_ =	sdelay $0x5  }
0x143: {  	v5 =	vsub.f32 v5, v3;
	_ =	sdelay $0x1  }
0x144: {  	v5 =	vmul.f32 $1.442695020e+00, v5;
	_ =	sdelay $0x1  }
0x145: {  	(erf) = vpow2.f32 v5;
	_ =	sdelay $0x4  }
0x146: {  	v5 =	vld [tilespmem:s6+$0xC620];
	_ =	sdelay $0x3  }
0x147: {  	v6 =	vpop (erf)  }
0x148: {  	v5 =	vmul.f32 v6, v5;
	_ =	sdelay $0x1  }
0x149: {  	[tilespmem:v4+s6+$0x0 ss:$0x1] =	vst.idx.msk $0xffff, v5  }
0x14a: {  	v5 =	vld.idx.msk [tilespmem:v4+s6+$0x10 ss:$0x1], $0xffff;
	_ =	sdelay $0x5  }
0x14b: {  	v5 =	vsub.f32 v5, v3;
	_ =	sdelay $0x1  }
0x14c: {  	v5 =	vmul.f32 $1.442695020e+00, v5;
	_ =	sdelay $0x1  }
0x14d: {  	(erf) = vpow2.f32 v5;
	_ =	sdelay $0x4  }
0x14e: {  	v5 =	vld [tilespmem:s6+$0xC630];
	_ =	sdelay $0x3  }
0x14f: {  	v6 =	vpop (erf)  }
0x150: {  	v5 =	vmul.f32 v6, v5;
	_ =	sdelay $0x1  }
0x151: {  	[tilespmem:v4+s6+$0x10 ss:$0x1] =	vst.idx.msk $0xffff, v5  }
0x152: {  	v5 =	vld.idx.msk [tilespmem:v4+s6+$0x20 ss:$0x1], $0xffff;
	_ =	sdelay $0x5  }
0x153: {  	v5 =	vsub.f32 v5, v3;
	_ =	sdelay $0x1  }
0x154: {  	v5 =	vmul.f32 $1.442695020e+00, v5;
	_ =	sdelay $0x1  }
0x155: {  	(erf) = vpow2.f32 v5;
	_ =	sdelay $0x4  }
0x156: {  	v5 =	vld [tilespmem:s6+$0xC640];
	_ =	sdelay $0x3  }
0x157: {  	v6 =	vpop (erf)  }
0x158: {  	v5 =	vmul.f32 v6, v5;
	_ =	sdelay $0x1  }
0x159: {  	[tilespmem:v4+s6+$0x20 ss:$0x1] =	vst.idx.msk $0xffff, v5  }
0x15a: {  	v5 =	vld.idx.msk [tilespmem:v4+s6+$0x30 ss:$0x1], $0xffff;
	_ =	sdelay $0x5  }
0x15b: {  	v5 =	vsub.f32 v5, v3;
	_ =	sdelay $0x1  }
0x15c: {  	v5 =	vmul.f32 $1.442695020e+00, v5;
	_ =	sdelay $0x1  }
0x15d: {  	(erf) = vpow2.f32 v5;
	_ =	sdelay $0x4  }
0x15e: {  	v5 =	vld [tilespmem:s6+$0xC650];
	_ =	sdelay $0x3  }
0x15f: {  	v6 =	vpop (erf)  }
0x160: {  	v5 =	vmul.f32 v6, v5;
	_ =	sdelay $0x1  }
0x161: {  	[tilespmem:v4+s6+$0x30 ss:$0x1] =	vst.idx.msk $0xffff, v5  }
0x162: {  	v5 =	vld.idx.msk [tilespmem:v4+s6+$0x40 ss:$0x1], $0xffff;
	_ =	sdelay $0x5  }
0x163: {  	v5 =	vsub.f32 v5, v3;
	_ =	sdelay $0x1  }
0x164: {  	v5 =	vmul.f32 $1.442695020e+00, v5;
	_ =	sdelay $0x1  }
0x165: {  	(erf) = vpow2.f32 v5;
	_ =	sdelay $0x4  }
0x166: {  	v5 =	vld [tilespmem:s6+$0xC660];
	_ =	sdelay $0x3  }
0x167: {  	v6 =	vpop (erf)  }
0x168: {  	v5 =	vmul.f32 v6, v5;
	_ =	sdelay $0x1  }
0x169: {  	[tilespmem:v4+s6+$0x40 ss:$0x1] =	vst.idx.msk $0xffff, v5  }
0x16a: {  	v5 =	vld.idx.msk [tilespmem:v4+s6+$0x50 ss:$0x1], $0xffff;
	_ =	sdelay $0x5  }
0x16b: {  	v5 =	vsub.f32 v5, v3;
	_ =	sdelay $0x1  }
0x16c: {  	v5 =	vmul.f32 $1.442695020e+00, v5;
	_ =	sdelay $0x1  }
0x16d: {  	(erf) = vpow2.f32 v5;
	_ =	sdelay $0x4  }
0x16e: {  	v5 =	vld [tilespmem:s6+$0xC670];
	_ =	sdelay $0x3  }
0x16f: {  	v6 =	vpop (erf)  }
0x170: {  	v5 =	vmul.f32 v6, v5;
	_ =	sdelay $0x1  }
0x171: {  	[tilespmem:v4+s6+$0x50 ss:$0x1] =	vst.idx.msk $0xffff, v5  }
0x172: {  	v5 =	vld.idx.msk [tilespmem:v4+s6+$0x60 ss:$0x1], $0xffff  }
0x173: {  	v6 =	vld [tilespmem:s6+$0xC680];
	_ =	sdelay $0x4  }
0x174: {  	v5 =	vsub.f32 v5, v3;
	_ =	sdelay $0x1  }
0x175: {  	v5 =	vmul.f32 $1.442695020e+00, v5;
	_ =	sdelay $0x1  }
0x176: {  	(erf) = vpow2.f32 v5;
	_ =	sdelay $0x8  }
0x177: {  	v5 =	vpop (erf)  }
0x178: {  	v5 =	vmul.f32 v5, v6;
	_ =	sdelay $0x1  }
0x179: {  	[tilespmem:v4+s6+$0x60 ss:$0x1] =	vst.idx.msk $0xffff, v5  }
0x17a: {  	v5 =	vld.idx.msk [tilespmem:v4+s6+$0x70 ss:$0x1], $0xffff  }
0x17b: {  	v6 =	vld [tilespmem:s6+$0xC690];
	_ =	sdelay $0x4  }
0x17c: {  	v5 =	vsub.f32 v5, v3;
	_ =	sdelay $0x1  }
0x17d: {  	v5 =	vmul.f32 $1.442695020e+00, v5;
	_ =	sdelay $0x1  }
0x17e: {  	(erf) = vpow2.f32 v5;
	_ =	sdelay $0x8  }
0x17f: {  	v5 =	vpop (erf)  }
0x180: {  	v5 =	vmul.f32 v5, v6  }
.Ltmp3:
0x181: {  	(pc) =	sbr.rel @p0 .LBB2_9-.Ltmp3, $4  }
0x182: {  	s31 =	sadd.s32 s6, s28;
	[tilespmem:v4+s6+$0x70 ss:$0x1] =	vst.idx.msk $0xffff, v5;
	s6 =	sadd.s32 $0xC220, s6  }
0x183: {  	[spmem:s3] =	stream.indirect.scatter.add.f32 [tilespmem:s31], [sflag:$0x1], $0x1, s6, s23, $0xb8;
	[tilespmem:$0x16CB0] =	vst v63  }
0x184: {  	_ =	swait.ge [sflag:s8], $0x80  }
0x185: {  	s31 =	smov.u32 s4;
	[sflag:s8] =	ssyncset.done $0x0  }
0x186: {  	_ =	sdelay $0x2  }
0x187: {  	s0 =	sshra.s32 s0, $0x2;
	[sflag:s8] =	ssyncadd.s32 $0xFFFFFF80  }
0x188: {  	v5 =	vld.idx.msk [tilespmem:v4+s0+$0x0 ss:$0x1], $0xffff;
	_ =	sdelay $0x4  }
0x189: {  	v5 =	vsub.f32 v5, v3;
	_ =	sdelay $0x1  }
0x18a: {  	v5 =	vmul.f32 $1.442695020e+00, v5;
	_ =	sdelay $0x1  }
0x18b: {  	(erf) = vpow2.f32 v5;
	_ =	sdelay $0x4  }
0x18c: {  	v5 =	vld [tilespmem:s0+$0xC620];
	_ =	sdelay $0x3  }
0x18d: {  	v6 =	vpop (erf)  }
0x18e: {  	v5 =	vmul.f32 v6, v5;
	_ =	sdelay $0x1  }
0x18f: {  	[tilespmem:v4+s0+$0x0 ss:$0x1] =	vst.idx.msk $0xffff, v5  }
0x190: {  	v5 =	vld.idx.msk [tilespmem:v4+s0+$0x10 ss:$0x1], $0xffff;
	_ =	sdelay $0x4  }
0x191: {  	v5 =	vsub.f32 v5, v3;
	_ =	sdelay $0x1  }
0x192: {  	v5 =	vmul.f32 $1.442695020e+00, v5;
	_ =	sdelay $0x1  }
0x193: {  	(erf) = vpow2.f32 v5;
	_ =	sdelay $0x4  }
0x194: {  	v5 =	vld [tilespmem:s0+$0xC630];
	_ =	sdelay $0x3  }
0x195: {  	v57 =	vpop (erf)  }
0x196: {  	v5 =	vmul.f32 v57, v5;
	_ =	sdelay $0x1  }
0x197: {  	[tilespmem:v4+s0+$0x10 ss:$0x1] =	vst.idx.msk $0xffff, v5  }
0x198: {  	v5 =	vld.idx.msk [tilespmem:v4+s0+$0x20 ss:$0x1], $0xffff;
	_ =	sdelay $0x4  }
0x199: {  	v5 =	vsub.f32 v5, v3;
	_ =	sdelay $0x1  }
0x19a: {  	v5 =	vmul.f32 $1.442695020e+00, v5;
	_ =	sdelay $0x1  }
0x19b: {  	(erf) = vpow2.f32 v5;
	_ =	sdelay $0x4  }
0x19c: {  	v5 =	vld [tilespmem:s0+$0xC640];
	_ =	sdelay $0x3  }
0x19d: {  	v58 =	vpop (erf)  }
0x19e: {  	v5 =	vmul.f32 v58, v5;
	_ =	sdelay $0x1  }
0x19f: {  	[tilespmem:v4+s0+$0x20 ss:$0x1] =	vst.idx.msk $0xffff, v5  }
0x1a0: {  	v5 =	vld.idx.msk [tilespmem:v4+s0+$0x30 ss:$0x1], $0xffff;
	_ =	sdelay $0x4  }
0x1a1: {  	v5 =	vsub.f32 v5, v3;
	_ =	sdelay $0x1  }
0x1a2: {  	v5 =	vmul.f32 $1.442695020e+00, v5;
	_ =	sdelay $0x1  }
0x1a3: {  	(erf) = vpow2.f32 v5;
	_ =	sdelay $0x4  }
0x1a4: {  	v5 =	vld [tilespmem:s0+$0xC650];
	_ =	sdelay $0x3  }
0x1a5: {  	v59 =	vpop (erf)  }
0x1a6: {  	v5 =	vmul.f32 v59, v5;
	_ =	sdelay $0x1  }
0x1a7: {  	[tilespmem:v4+s0+$0x30 ss:$0x1] =	vst.idx.msk $0xffff, v5  }
0x1a8: {  	v5 =	vld.idx.msk [tilespmem:v4+s0+$0x40 ss:$0x1], $0xffff;
	_ =	sdelay $0x4  }
0x1a9: {  	v5 =	vsub.f32 v5, v3;
	_ =	sdelay $0x1  }
0x1aa: {  	v5 =	vmul.f32 $1.442695020e+00, v5;
	_ =	sdelay $0x1  }
0x1ab: {  	(erf) = vpow2.f32 v5;
	_ =	sdelay $0x4  }
0x1ac: {  	v5 =	vld [tilespmem:s0+$0xC660];
	_ =	sdelay $0x3  }
0x1ad: {  	v60 =	vpop (erf)  }
0x1ae: {  	v5 =	vmul.f32 v60, v5;
	_ =	sdelay $0x1  }
0x1af: {  	[tilespmem:v4+s0+$0x40 ss:$0x1] =	vst.idx.msk $0xffff, v5  }
0x1b0: {  	v5 =	vld.idx.msk [tilespmem:v4+s0+$0x50 ss:$0x1], $0xffff;
	_ =	sdelay $0x4  }
0x1b1: {  	v5 =	vsub.f32 v5, v3;
	_ =	sdelay $0x1  }
0x1b2: {  	v5 =	vmul.f32 $1.442695020e+00, v5;
	_ =	sdelay $0x1  }
0x1b3: {  	(erf) = vpow2.f32 v5;
	_ =	sdelay $0x4  }
0x1b4: {  	v5 =	vld [tilespmem:s0+$0xC670];
	_ =	sdelay $0x3  }
0x1b5: {  	v61 =	vpop (erf)  }
0x1b6: {  	v5 =	vmul.f32 v61, v5;
	_ =	sdelay $0x1  }
0x1b7: {  	[tilespmem:v4+s0+$0x50 ss:$0x1] =	vst.idx.msk $0xffff, v5  }
0x1b8: {  	v5 =	vld.idx.msk [tilespmem:v4+s0+$0x60 ss:$0x1], $0xffff;
	_ =	sdelay $0x4  }
0x1b9: {  	v5 =	vsub.f32 v5, v3;
	_ =	sdelay $0x1  }
0x1ba: {  	v5 =	vmul.f32 $1.442695020e+00, v5;
	_ =	sdelay $0x1  }
0x1bb: {  	(erf) = vpow2.f32 v5;
	_ =	sdelay $0x4  }
0x1bc: {  	v5 =	vld [tilespmem:s0+$0xC680];
	_ =	sdelay $0x3  }
0x1bd: {  	v62 =	vpop (erf)  }
0x1be: {  	v5 =	vmul.f32 v62, v5;
	_ =	sdelay $0x1  }
0x1bf: {  	[tilespmem:v4+s0+$0x60 ss:$0x1] =	vst.idx.msk $0xffff, v5  }
0x1c0: {  	v5 =	vld.idx.msk [tilespmem:v4+s0+$0x70 ss:$0x1], $0xffff;
	_ =	sdelay $0x4  }
0x1c1: {  	v5 =	vsub.f32 v5, v3;
	_ =	sdelay $0x1  }
0x1c2: {  	v5 =	vmul.f32 $1.442695020e+00, v5;
	_ =	sdelay $0x1  }
0x1c3: {  	(erf) = vpow2.f32 v5;
	_ =	sdelay $0x4  }
0x1c4: {  	v5 =	vld [tilespmem:s0+$0xC690];
	_ =	sdelay $0x3  }
0x1c5: {  	v63 =	vpop (erf)  }
0x1c6: {  	s29 =	sadd.s32 $0x1, s29;
	v5 =	vmul.f32 v63, v5  }
0x1c7: {  	p0 =	sne.s32 s29, $0x14  }
.Ltmp4:
0x1c8: {  	s4 =	sadd.s32 s0, s28;
	[tilespmem:v4+s0+$0x70 ss:$0x1] =	vst.idx.msk $0xffff, v5;
	s0 =	sadd.s32 $0xC220, s0;
	(pc) =	sbr.rel @p0 .LBB2_8-.Ltmp4, $4  }
0x1c9: {  	[spmem:s3] =	stream.indirect.scatter.add.f32 [tilespmem:s4], [sflag:$0x1], $0x1, s0, s23, $0xb8;
	[tilespmem:$0x16CB0] =	vst v63  }
0x1ca: {  	_ =	swait.ge [sflag:s8], $0x80  }
0x1cb: {  	[sflag:s8] =	ssyncset.done $0x0  }
0x1cc: {  	s28 =	sadd.s32 $0x400, s28;
	[sflag:s8] =	ssyncadd.s32 $0xFFFFFF80  }
0x1cd: {  	[bflag:$0x0] =	sbarrier.arrive $0xFFFF;
	s26 =	simm.s32 $0x0  }
0x1ce: {  	[tilespmem:s26], [sflag:$0x1] =	stream.linear.gather [spmem:s3], $0x2710, $0x38;
	[tilespmem:$0x16CB0] =	vst v63  }
0x1cf: {  	_ =	swait.ge [sflag:s8], $0x2710  }
0x1d0: {  	[sflag:s8] =	ssyncset.done $0x0  }
0x1d1: {  	s28 =	simm.s32 $0x0;
	[sflag:s8] =	ssyncadd.s32 $0xFFFFD8F0  }
.LBB2_12:
0x1d2: {  	s29 =	sshll.u32 s28, $0x3  }
0x1d3: {  	s0 =	sadd.s32 s30, s29  }
0x1d4: {  	s0 =	sshll.u32 s0, $0x4  }
0x1d5: {  	s4 =	sadd.s32 s9, s0  }
0x1d6: {  	[tilespmem:s13], [sflag:$0x1] =	stream.linear.gather [hbm4b:s4+s26], $0x400, $0x38;
	[tilespmem:$0x16CB0] =	vst v63  }
0x1d7: {  	_ =	swait.ge [sflag:s8], $0x400  }
0x1d8: {  	[sflag:s8] =	ssyncset.done $0x0  }
0x1d9: {  	s0 =	sadd.s32 s10, s0;
	[sflag:s8] =	ssyncadd.s32 $0xFFFFFC00  }
0x1da: {  	[tilespmem:s14], [sflag:$0x1] =	stream.linear.gather [hbm4b:s0+s26], $0x400, $0x38;
	[tilespmem:$0x16CB0] =	vst v63  }
0x1db: {  	_ =	swait.ge [sflag:s8], $0x400  }
0x1dc: {  	[sflag:s8] =	ssyncset.done $0x0  }
0x1dd: {  	s31 =	simm.s32 $0x0;
	[sflag:s8] =	ssyncadd.s32 $0xFFFFFC00  }
.LBB2_13:
0x1de: {  	s0 =	sshll.u32 s31, $0x7  }
0x1df: {  	v3 =	vld [tilespmem:s0+$0xC220];
	_ =	sdelay $0x7  }
0x1e0: {  	v3 =	vld.idx.msk [tilespmem:v3+s5+$0x0], $0xffff;
	_ =	sdelay $0x4  }
0x1e1: {  	v3 =	vadd.f32 $1.000000020e-16, v3;
	_ =	sdelay $0x1  }
0x1e2: {  	(erf) = vrcp.f32 v3;
	_ =	sdelay $0x1  }
0x1e3: {  	s4 =	sor.u32 s29, s31  }
0x1e4: {  	s4 =	sshll.u32 s4, $0x7  }
0x1e5: {  	s6 =	sand.u32 $0x3FFFFF80, s4  }
0x1e6: {  	v3 =	vld [tilespmem:s6+$0x4E20];
	_ =	sdelay $0x3  }
0x1e7: {  	v4 =	vpop (erf)  }
0x1e8: {  	v3 =	vmul.f32 v4, v3;
	_ =	sdelay $0x1  }
0x1e9: {  	[tilespmem:s6+$0x4E20] =	vst v3  }
0x1ea: {  	v3 =	vld [tilespmem:s0+$0xC230]  }
0x1eb: {  	v4 =	vld [tilespmem:s0+$0xBE20];
	_ =	sdelay $0x4  }
0x1ec: {  	v4 =	vadd.s32 v0, v4  }
0x1ed: {  	[tilespmem:s0+$0xBE20] =	vst v4  }
0x1ee: {  	v3 =	vld.idx.msk [tilespmem:v3+s5+$0x0], $0xffff;
	_ =	sdelay $0x4  }
0x1ef: {  	v3 =	vadd.f32 $1.000000020e-16, v3;
	_ =	sdelay $0x1  }
0x1f0: {  	(erf) = vrcp.f32 v3;
	_ =	sdelay $0x4  }
0x1f1: {  	v3 =	vld [tilespmem:s6+$0x4E30];
	_ =	sdelay $0x3  }
0x1f2: {  	v4 =	vpop (erf)  }
0x1f3: {  	v3 =	vmul.f32 v4, v3;
	_ =	sdelay $0x1  }
0x1f4: {  	[tilespmem:s6+$0x4E30] =	vst v3  }
0x1f5: {  	v3 =	vld [tilespmem:s0+$0xC240]  }
0x1f6: {  	v4 =	vld [tilespmem:s0+$0xBE30];
	_ =	sdelay $0x4  }
0x1f7: {  	v4 =	vadd.s32 v0, v4  }
0x1f8: {  	[tilespmem:s0+$0xBE30] =	vst v4  }
0x1f9: {  	v3 =	vld.idx.msk [tilespmem:v3+s5+$0x0], $0xffff;
	_ =	sdelay $0x4  }
0x1fa: {  	v3 =	vadd.f32 $1.000000020e-16, v3;
	_ =	sdelay $0x1  }
0x1fb: {  	(erf) = vrcp.f32 v3;
	_ =	sdelay $0x4  }
0x1fc: {  	v3 =	vld [tilespmem:s6+$0x4E40];
	_ =	sdelay $0x3  }
0x1fd: {  	v4 =	vpop (erf)  }
0x1fe: {  	v3 =	vmul.f32 v4, v3;
	_ =	sdelay $0x1  }
0x1ff: {  	[tilespmem:s6+$0x4E40] =	vst v3  }
0x200: {  	v3 =	vld [tilespmem:s0+$0xC250]  }
0x201: {  	v4 =	vld [tilespmem:s0+$0xBE40];
	_ =	sdelay $0x4  }
0x202: {  	v4 =	vadd.s32 v0, v4  }
0x203: {  	[tilespmem:s0+$0xBE40] =	vst v4  }
0x204: {  	v3 =	vld.idx.msk [tilespmem:v3+s5+$0x0], $0xffff;
	_ =	sdelay $0x4  }
0x205: {  	v3 =	vadd.f32 $1.000000020e-16, v3;
	_ =	sdelay $0x1  }
0x206: {  	(erf) = vrcp.f32 v3;
	_ =	sdelay $0x4  }
0x207: {  	v3 =	vld [tilespmem:s6+$0x4E50];
	_ =	sdelay $0x3  }
0x208: {  	v4 =	vpop (erf)  }
0x209: {  	v3 =	vmul.f32 v4, v3;
	_ =	sdelay $0x1  }
0x20a: {  	[tilespmem:s6+$0x4E50] =	vst v3  }
0x20b: {  	v3 =	vld [tilespmem:s0+$0xC260]  }
0x20c: {  	v4 =	vld [tilespmem:s0+$0xBE50];
	_ =	sdelay $0x4  }
0x20d: {  	v4 =	vadd.s32 v0, v4  }
0x20e: {  	[tilespmem:s0+$0xBE50] =	vst v4  }
0x20f: {  	v3 =	vld.idx.msk [tilespmem:v3+s5+$0x0], $0xffff;
	_ =	sdelay $0x4  }
0x210: {  	v3 =	vadd.f32 $1.000000020e-16, v3;
	_ =	sdelay $0x1  }
0x211: {  	(erf) = vrcp.f32 v3;
	_ =	sdelay $0x4  }
0x212: {  	v3 =	vld [tilespmem:s6+$0x4E60];
	_ =	sdelay $0x3  }
0x213: {  	v4 =	vpop (erf)  }
0x214: {  	v3 =	vmul.f32 v4, v3;
	_ =	sdelay $0x1  }
0x215: {  	[tilespmem:s6+$0x4E60] =	vst v3  }
0x216: {  	v3 =	vld [tilespmem:s0+$0xC270]  }
0x217: {  	v4 =	vld [tilespmem:s0+$0xBE60];
	_ =	sdelay $0x4  }
0x218: {  	v4 =	vadd.s32 v0, v4  }
0x219: {  	[tilespmem:s0+$0xBE60] =	vst v4  }
0x21a: {  	v3 =	vld.idx.msk [tilespmem:v3+s5+$0x0], $0xffff;
	_ =	sdelay $0x4  }
0x21b: {  	v3 =	vadd.f32 $1.000000020e-16, v3;
	_ =	sdelay $0x1  }
0x21c: {  	(erf) = vrcp.f32 v3;
	_ =	sdelay $0x4  }
0x21d: {  	v3 =	vld [tilespmem:s6+$0x4E70];
	_ =	sdelay $0x3  }
0x21e: {  	v4 =	vpop (erf)  }
0x21f: {  	v3 =	vmul.f32 v4, v3;
	_ =	sdelay $0x1  }
0x220: {  	[tilespmem:s6+$0x4E70] =	vst v3  }
0x221: {  	v3 =	vld [tilespmem:s0+$0xC280]  }
0x222: {  	v4 =	vld [tilespmem:s0+$0xBE70];
	_ =	sdelay $0x4  }
0x223: {  	v4 =	vadd.s32 v0, v4  }
0x224: {  	[tilespmem:s0+$0xBE70] =	vst v4  }
0x225: {  	v3 =	vld.idx.msk [tilespmem:v3+s5+$0x0], $0xffff;
	_ =	sdelay $0x4  }
0x226: {  	v3 =	vadd.f32 $1.000000020e-16, v3;
	_ =	sdelay $0x1  }
0x227: {  	(erf) = vrcp.f32 v3;
	_ =	sdelay $0x4  }
0x228: {  	v3 =	vld [tilespmem:s6+$0x4E80];
	_ =	sdelay $0x3  }
0x229: {  	v4 =	vpop (erf)  }
0x22a: {  	v3 =	vmul.f32 v4, v3;
	_ =	sdelay $0x1  }
0x22b: {  	[tilespmem:s6+$0x4E80] =	vst v3  }
0x22c: {  	v3 =	vld [tilespmem:s0+$0xC290]  }
0x22d: {  	v4 =	vld [tilespmem:s0+$0xBE80];
	_ =	sdelay $0x4  }
0x22e: {  	v4 =	vadd.s32 v0, v4  }
0x22f: {  	[tilespmem:s0+$0xBE80] =	vst v4  }
0x230: {  	v3 =	vld.idx.msk [tilespmem:v3+s5+$0x0], $0xffff;
	_ =	sdelay $0x4  }
0x231: {  	v3 =	vadd.f32 $1.000000020e-16, v3;
	_ =	sdelay $0x1  }
0x232: {  	(erf) = vrcp.f32 v3;
	_ =	sdelay $0x4  }
0x233: {  	v3 =	vld [tilespmem:s6+$0x4E90];
	_ =	sdelay $0x3  }
0x234: {  	v4 =	vpop (erf)  }
0x235: {  	v3 =	vmul.f32 v4, v3;
	_ =	sdelay $0x1  }
0x236: {  	[tilespmem:s6+$0x4E90] =	vst v3  }
0x237: {  	v3 =	vld [tilespmem:s0+$0xBE90];
	_ =	sdelay $0x4  }
0x238: {  	v3 =	vadd.s32 v0, v3  }
0x239: {  	s7 =	sadd.s32 $0xBE20, s0;
	[tilespmem:s0+$0xBE90] =	vst v3  }
0x23a: {  	v3 =	vmov s4;
	[tilespmem:s12], [sflag:$0x1] =	stream.indirect.gather [hbm4b:s1+s23], $0x40, s7, s23, $0xb8;
	[tilespmem:$0x16CB0] =	vst v63  }
0x23b: {  	v4 =	vor.u32 $0x1, v3;
	_ =	swait.ge [sflag:s8], $0x2000  }
0x23c: {  	s6 =	simm.s32 $0xA020;
	v5 =	vor.u32 $0x2, v3;
	v6 =	vor.u32 $0x3, v3;
	v7 =	vor.u32 $0x4, v3;
	[sflag:s8] =	ssyncset.done $0x0  }
0x23d: {  	s0 =	sadd.s32 $0xC220, s0;
	s4 =	simm.s32 $0xF;
	v8 =	vor.u32 $0x5, v3;
	v9 =	vor.u32 $0x6, v3;
	v10 =	vor.u32 $0x7, v3;
	[sflag:s8] =	ssyncadd.s32 $0xFFFFE000  }
.LBB2_14:
0x23e: {  	s7 =	sadd.s32 $0xFFFFFFF1, s4  }
0x23f: {  	v11 =	vmov s7  }
0x240: {  	v11 =	vshrl.u32 v11, $0x3  }
0x241: {  	v11 =	vshll.u32 v11, v2  }
0x242: {  	v11 =	vadd.s32 v3, v11  }
0x243: {  	v11 =	vbroadcast v11, $0x0;
	_ =	sdelay $0x4  }
0x244: {  	v12 =	vld [tilespmem:s6+$0xFFFFFE00]  }
0x245: {  	v11 =	vld.idx.msk [tilespmem:v11+s24+$0x0], $0xffff;
	_ =	sdelay $0x1  }
0x246: {  	v20 =	vld [tilespmem:s6+$0xFFFFFE10];
	_ =	sdelay $0x1  }
0x247: {  	v21 =	vld [tilespmem:s6+$0xFFFFFE20]  }
0x248: {  	v12 =	vmul.f32 v12, v11;
	_ =	sdelay $0x1  }
0x249: {  	[tilespmem:s6+$0xFFFFFE00] =	vst v12;
	v12 =	vmul.f32 v20, v11  }
0x24a: {  	s7 =	sadd.s32 $0xFFFFFFF2, s4  }
0x24b: {  	v13 =	vmov s7;
	[tilespmem:s6+$0xFFFFFE10] =	vst v12;
	v12 =	vmul.f32 v21, v11  }
0x24c: {  	v22 =	vshrl.u32 v13, $0x3  }
0x24d: {  	v23 =	vld [tilespmem:s6+$0xFFFFFE30];
	[tilespmem:s6+$0xFFFFFE20] =	vst v12;
	v12 =	vshll.u32 v22, v2  }
0x24e: {  	v12 =	vadd.s32 v12, v4  }
0x24f: {  	v12 =	vbroadcast v12, $0x0;
	_ =	sdelay $0x2  }
0x250: {  	v11 =	vmul.f32 v23, v11;
	_ =	sdelay $0x1  }
0x251: {  	v24 =	vld [tilespmem:s6+$0xFFFFFE40];
	[tilespmem:s6+$0xFFFFFE30] =	vst v11  }
0x252: {  	v11 =	vld.idx.msk [tilespmem:v12+s24+$0x0], $0xffff;
	_ =	sdelay $0x1  }
0x253: {  	v25 =	vld [tilespmem:s6+$0xFFFFFE50];
	_ =	sdelay $0x1  }
0x254: {  	v26 =	vld [tilespmem:s6+$0xFFFFFE60]  }
0x255: {  	v12 =	vmul.f32 v24, v11;
	_ =	sdelay $0x1  }
0x256: {  	[tilespmem:s6+$0xFFFFFE40] =	vst v12;
	v12 =	vmul.f32 v25, v11  }
0x257: {  	s7 =	sadd.s32 $0xFFFFFFF3, s4  }
0x258: {  	v27 =	vmov s7;
	[tilespmem:s6+$0xFFFFFE50] =	vst v12;
	v12 =	vmul.f32 v26, v11  }
0x259: {  	v28 =	vshrl.u32 v27, $0x3  }
0x25a: {  	v29 =	vld [tilespmem:s6+$0xFFFFFE70];
	[tilespmem:s6+$0xFFFFFE60] =	vst v12;
	v12 =	vshll.u32 v28, v2  }
0x25b: {  	v12 =	vadd.s32 v12, v5  }
0x25c: {  	v12 =	vbroadcast v12, $0x0;
	_ =	sdelay $0x2  }
0x25d: {  	v11 =	vmul.f32 v29, v11;
	_ =	sdelay $0x1  }
0x25e: {  	v30 =	vld [tilespmem:s6+$0xFFFFFE80];
	[tilespmem:s6+$0xFFFFFE70] =	vst v11  }
0x25f: {  	v11 =	vld.idx.msk [tilespmem:v12+s24+$0x0], $0xffff;
	_ =	sdelay $0x1  }
0x260: {  	v31 =	vld [tilespmem:s6+$0xFFFFFE90];
	_ =	sdelay $0x1  }
0x261: {  	v32 =	vld [tilespmem:s6+$0xFFFFFEA0]  }
0x262: {  	v12 =	vmul.f32 v30, v11;
	_ =	sdelay $0x1  }
0x263: {  	[tilespmem:s6+$0xFFFFFE80] =	vst v12;
	v12 =	vmul.f32 v31, v11  }
0x264: {  	s7 =	sadd.s32 $0xFFFFFFF4, s4  }
0x265: {  	v33 =	vmov s7;
	[tilespmem:s6+$0xFFFFFE90] =	vst v12;
	v12 =	vmul.f32 v32, v11  }
0x266: {  	v34 =	vshrl.u32 v33, $0x3  }
0x267: {  	v35 =	vld [tilespmem:s6+$0xFFFFFEB0];
	[tilespmem:s6+$0xFFFFFEA0] =	vst v12;
	v12 =	vshll.u32 v34, v2  }
0x268: {  	v12 =	vadd.s32 v12, v6  }
0x269: {  	v12 =	vbroadcast v12, $0x0;
	_ =	sdelay $0x2  }
0x26a: {  	v11 =	vmul.f32 v35, v11;
	_ =	sdelay $0x1  }
0x26b: {  	v36 =	vld [tilespmem:s6+$0xFFFFFEC0];
	[tilespmem:s6+$0xFFFFFEB0] =	vst v11  }
0x26c: {  	v11 =	vld.idx.msk [tilespmem:v12+s24+$0x0], $0xffff;
	_ =	sdelay $0x1  }
0x26d: {  	v37 =	vld [tilespmem:s6+$0xFFFFFED0];
	_ =	sdelay $0x1  }
0x26e: {  	v38 =	vld [tilespmem:s6+$0xFFFFFEE0]  }
0x26f: {  	v12 =	vmul.f32 v36, v11;
	_ =	sdelay $0x1  }
0x270: {  	[tilespmem:s6+$0xFFFFFEC0] =	vst v12;
	v12 =	vmul.f32 v37, v11  }
0x271: {  	s7 =	sadd.s32 $0xFFFFFFF5, s4  }
0x272: {  	v39 =	vmov s7;
	[tilespmem:s6+$0xFFFFFED0] =	vst v12;
	v12 =	vmul.f32 v38, v11  }
0x273: {  	v40 =	vshrl.u32 v39, $0x3  }
0x274: {  	v41 =	vld [tilespmem:s6+$0xFFFFFEF0];
	[tilespmem:s6+$0xFFFFFEE0] =	vst v12;
	v12 =	vshll.u32 v40, v2  }
0x275: {  	v12 =	vadd.s32 v12, v7  }
0x276: {  	v12 =	vbroadcast v12, $0x0;
	_ =	sdelay $0x2  }
0x277: {  	v11 =	vmul.f32 v41, v11;
	_ =	sdelay $0x1  }
0x278: {  	v42 =	vld [tilespmem:s6+$0xFFFFFF00];
	[tilespmem:s6+$0xFFFFFEF0] =	vst v11  }
0x279: {  	v11 =	vld.idx.msk [tilespmem:v12+s24+$0x0], $0xffff;
	_ =	sdelay $0x1  }
0x27a: {  	v43 =	vld [tilespmem:s6+$0xFFFFFF10];
	_ =	sdelay $0x1  }
0x27b: {  	v44 =	vld [tilespmem:s6+$0xFFFFFF20]  }
0x27c: {  	v12 =	vmul.f32 v42, v11;
	_ =	sdelay $0x1  }
0x27d: {  	[tilespmem:s6+$0xFFFFFF00] =	vst v12;
	v12 =	vmul.f32 v43, v11  }
0x27e: {  	s7 =	sadd.s32 $0xFFFFFFF6, s4  }
0x27f: {  	v45 =	vmov s7;
	[tilespmem:s6+$0xFFFFFF10] =	vst v12;
	v12 =	vmul.f32 v44, v11  }
0x280: {  	v46 =	vshrl.u32 v45, $0x3  }
0x281: {  	v47 =	vld [tilespmem:s6+$0xFFFFFF30];
	[tilespmem:s6+$0xFFFFFF20] =	vst v12;
	v12 =	vshll.u32 v46, v2  }
0x282: {  	v12 =	vadd.s32 v12, v8  }
0x283: {  	v12 =	vbroadcast v12, $0x0;
	_ =	sdelay $0x2  }
0x284: {  	v11 =	vmul.f32 v47, v11;
	_ =	sdelay $0x1  }
0x285: {  	v48 =	vld [tilespmem:s6+$0xFFFFFF40];
	[tilespmem:s6+$0xFFFFFF30] =	vst v11  }
0x286: {  	v11 =	vld.idx.msk [tilespmem:v12+s24+$0x0], $0xffff;
	_ =	sdelay $0x1  }
0x287: {  	v49 =	vld [tilespmem:s6+$0xFFFFFF50];
	_ =	sdelay $0x1  }
0x288: {  	v50 =	vld [tilespmem:s6+$0xFFFFFF60]  }
0x289: {  	v12 =	vmul.f32 v48, v11;
	_ =	sdelay $0x1  }
0x28a: {  	[tilespmem:s6+$0xFFFFFF40] =	vst v12;
	v12 =	vmul.f32 v49, v11  }
0x28b: {  	s7 =	sadd.s32 $0xFFFFFFF7, s4  }
0x28c: {  	v51 =	vmov s7;
	[tilespmem:s6+$0xFFFFFF50] =	vst v12;
	v12 =	vmul.f32 v50, v11  }
0x28d: {  	v52 =	vshrl.u32 v51, $0x3  }
0x28e: {  	v53 =	vld [tilespmem:s6+$0xFFFFFF70];
	[tilespmem:s6+$0xFFFFFF60] =	vst v12;
	v12 =	vshll.u32 v52, v2  }
0x28f: {  	v12 =	vadd.s32 v12, v9  }
0x290: {  	v12 =	vbroadcast v12, $0x0;
	_ =	sdelay $0x2  }
0x291: {  	v11 =	vmul.f32 v53, v11;
	_ =	sdelay $0x1  }
0x292: {  	v54 =	vld [tilespmem:s6+$0xFFFFFF80];
	[tilespmem:s6+$0xFFFFFF70] =	vst v11  }
0x293: {  	v11 =	vld.idx.msk [tilespmem:v12+s24+$0x0], $0xffff;
	_ =	sdelay $0x1  }
0x294: {  	v55 =	vld [tilespmem:s6+$0xFFFFFF90];
	_ =	sdelay $0x1  }
0x295: {  	v56 =	vld [tilespmem:s6+$0xFFFFFFA0]  }
0x296: {  	v12 =	vmul.f32 v54, v11;
	_ =	sdelay $0x1  }
0x297: {  	[tilespmem:s6+$0xFFFFFF80] =	vst v12;
	v12 =	vmul.f32 v55, v11  }
0x298: {  	s7 =	sadd.s32 $0xFFFFFFF8, s4  }
0x299: {  	v57 =	vmov s7;
	[tilespmem:s6+$0xFFFFFF90] =	vst v12;
	v12 =	vmul.f32 v56, v11  }
0x29a: {  	v58 =	vshrl.u32 v57, $0x3  }
0x29b: {  	v59 =	vld [tilespmem:s6+$0xFFFFFFB0];
	[tilespmem:s6+$0xFFFFFFA0] =	vst v12;
	v12 =	vshll.u32 v58, v2  }
0x29c: {  	v12 =	vadd.s32 v12, v10  }
0x29d: {  	v12 =	vbroadcast v12, $0x0;
	_ =	sdelay $0x2  }
0x29e: {  	v11 =	vmul.f32 v59, v11;
	_ =	sdelay $0x1  }
0x29f: {  	v60 =	vld [tilespmem:s6+$0xFFFFFFC0];
	[tilespmem:s6+$0xFFFFFFB0] =	vst v11  }
0x2a0: {  	v11 =	vld.idx.msk [tilespmem:v12+s24+$0x0], $0xffff;
	_ =	sdelay $0x1  }
0x2a1: {  	v61 =	vld [tilespmem:s6+$0xFFFFFFD0];
	_ =	sdelay $0x1  }
0x2a2: {  	v62 =	vld [tilespmem:s6+$0xFFFFFFE0]  }
0x2a3: {  	v12 =	vmul.f32 v60, v11;
	_ =	sdelay $0x1  }
0x2a4: {  	[tilespmem:s6+$0xFFFFFFC0] =	vst v12;
	v12 =	vmul.f32 v61, v11  }
0x2a5: {  	s7 =	sadd.s32 $0xFFFFFFF9, s4  }
0x2a6: {  	v63 =	vmov s7;
	[tilespmem:s6+$0xFFFFFFD0] =	vst v12;
	v12 =	vmul.f32 v62, v11  }
0x2a7: {  	v16 =	vshrl.u32 v63, $0x3  }
0x2a8: {  	v17 =	vld [tilespmem:s6+$0xFFFFFFF0];
	[tilespmem:s6+$0xFFFFFFE0] =	vst v12;
	v12 =	vshll.u32 v16, v2  }
0x2a9: {  	v12 =	vadd.s32 v3, v12  }
0x2aa: {  	v12 =	vbroadcast v12, $0x0;
	_ =	sdelay $0x2  }
0x2ab: {  	v11 =	vmul.f32 v17, v11;
	_ =	sdelay $0x1  }
0x2ac: {  	v18 =	vld [tilespmem:s6+$0x0];
	[tilespmem:s6+$0xFFFFFFF0] =	vst v11  }
0x2ad: {  	v11 =	vld.idx.msk [tilespmem:v12+s24+$0x0], $0xffff;
	_ =	sdelay $0x1  }
0x2ae: {  	v19 =	vld [tilespmem:s6+$0x10];
	_ =	sdelay $0x1  }
0x2af: {  	v20 =	vld [tilespmem:s6+$0x20]  }
0x2b0: {  	v12 =	vmul.f32 v18, v11;
	_ =	sdelay $0x1  }
0x2b1: {  	[tilespmem:s6+$0x0] =	vst v12;
	v12 =	vmul.f32 v19, v11  }
0x2b2: {  	s7 =	sadd.s32 $0xFFFFFFFA, s4  }
0x2b3: {  	v21 =	vmov s7;
	[tilespmem:s6+$0x10] =	vst v12;
	v12 =	vmul.f32 v20, v11  }
0x2b4: {  	v22 =	vshrl.u32 v21, $0x3  }
0x2b5: {  	v23 =	vld [tilespmem:s6+$0x30];
	[tilespmem:s6+$0x20] =	vst v12;
	v12 =	vshll.u32 v22, v2  }
0x2b6: {  	v12 =	vadd.s32 v12, v4  }
0x2b7: {  	v12 =	vbroadcast v12, $0x0;
	_ =	sdelay $0x2  }
0x2b8: {  	v11 =	vmul.f32 v23, v11;
	_ =	sdelay $0x1  }
0x2b9: {  	v24 =	vld [tilespmem:s6+$0x40];
	[tilespmem:s6+$0x30] =	vst v11  }
0x2ba: {  	v11 =	vld.idx.msk [tilespmem:v12+s24+$0x0], $0xffff;
	_ =	sdelay $0x1  }
0x2bb: {  	v25 =	vld [tilespmem:s6+$0x50];
	_ =	sdelay $0x1  }
0x2bc: {  	v26 =	vld [tilespmem:s6+$0x60]  }
0x2bd: {  	v12 =	vmul.f32 v24, v11;
	_ =	sdelay $0x1  }
0x2be: {  	[tilespmem:s6+$0x40] =	vst v12;
	v12 =	vmul.f32 v25, v11  }
0x2bf: {  	s7 =	sadd.s32 $0xFFFFFFFB, s4  }
0x2c0: {  	v27 =	vmov s7;
	[tilespmem:s6+$0x50] =	vst v12;
	v12 =	vmul.f32 v26, v11  }
0x2c1: {  	v28 =	vshrl.u32 v27, $0x3  }
0x2c2: {  	v29 =	vld [tilespmem:s6+$0x70];
	[tilespmem:s6+$0x60] =	vst v12;
	v12 =	vshll.u32 v28, v2  }
0x2c3: {  	v12 =	vadd.s32 v12, v5  }
0x2c4: {  	v12 =	vbroadcast v12, $0x0;
	_ =	sdelay $0x2  }
0x2c5: {  	v11 =	vmul.f32 v29, v11;
	_ =	sdelay $0x1  }
0x2c6: {  	v30 =	vld [tilespmem:s6+$0x80];
	[tilespmem:s6+$0x70] =	vst v11  }
0x2c7: {  	v11 =	vld.idx.msk [tilespmem:v12+s24+$0x0], $0xffff;
	_ =	sdelay $0x1  }
0x2c8: {  	v31 =	vld [tilespmem:s6+$0x90];
	_ =	sdelay $0x1  }
0x2c9: {  	v32 =	vld [tilespmem:s6+$0xA0]  }
0x2ca: {  	v12 =	vmul.f32 v30, v11;
	_ =	sdelay $0x1  }
0x2cb: {  	[tilespmem:s6+$0x80] =	vst v12;
	v12 =	vmul.f32 v31, v11  }
0x2cc: {  	s7 =	sadd.s32 $0xFFFFFFFC, s4  }
0x2cd: {  	v33 =	vmov s7;
	[tilespmem:s6+$0x90] =	vst v12;
	v12 =	vmul.f32 v32, v11  }
0x2ce: {  	v34 =	vshrl.u32 v33, $0x3  }
0x2cf: {  	v35 =	vld [tilespmem:s6+$0xB0];
	[tilespmem:s6+$0xA0] =	vst v12;
	v12 =	vshll.u32 v34, v2  }
0x2d0: {  	v12 =	vadd.s32 v12, v6  }
0x2d1: {  	v12 =	vbroadcast v12, $0x0;
	_ =	sdelay $0x2  }
0x2d2: {  	v11 =	vmul.f32 v35, v11;
	_ =	sdelay $0x1  }
0x2d3: {  	v36 =	vld [tilespmem:s6+$0xC0];
	[tilespmem:s6+$0xB0] =	vst v11  }
0x2d4: {  	v11 =	vld.idx.msk [tilespmem:v12+s24+$0x0], $0xffff;
	_ =	sdelay $0x1  }
0x2d5: {  	v37 =	vld [tilespmem:s6+$0xD0];
	_ =	sdelay $0x1  }
0x2d6: {  	v38 =	vld [tilespmem:s6+$0xE0]  }
0x2d7: {  	v12 =	vmul.f32 v36, v11;
	_ =	sdelay $0x1  }
0x2d8: {  	[tilespmem:s6+$0xC0] =	vst v12;
	v12 =	vmul.f32 v37, v11  }
0x2d9: {  	s7 =	sadd.s32 $0xFFFFFFFD, s4  }
0x2da: {  	v39 =	vmov s7;
	[tilespmem:s6+$0xD0] =	vst v12;
	v12 =	vmul.f32 v38, v11  }
0x2db: {  	v40 =	vshrl.u32 v39, $0x3  }
0x2dc: {  	v41 =	vld [tilespmem:s6+$0xF0];
	[tilespmem:s6+$0xE0] =	vst v12;
	v12 =	vshll.u32 v40, v2  }
0x2dd: {  	v12 =	vadd.s32 v12, v7  }
0x2de: {  	v12 =	vbroadcast v12, $0x0;
	_ =	sdelay $0x2  }
0x2df: {  	v11 =	vmul.f32 v41, v11;
	_ =	sdelay $0x1  }
0x2e0: {  	v42 =	vld [tilespmem:s6+$0x100];
	[tilespmem:s6+$0xF0] =	vst v11  }
0x2e1: {  	v11 =	vld.idx.msk [tilespmem:v12+s24+$0x0], $0xffff;
	_ =	sdelay $0x1  }
0x2e2: {  	v43 =	vld [tilespmem:s6+$0x110];
	_ =	sdelay $0x1  }
0x2e3: {  	v44 =	vld [tilespmem:s6+$0x120]  }
0x2e4: {  	v12 =	vmul.f32 v42, v11;
	_ =	sdelay $0x1  }
0x2e5: {  	[tilespmem:s6+$0x100] =	vst v12;
	v12 =	vmul.f32 v43, v11  }
0x2e6: {  	s7 =	sadd.s32 $0xFFFFFFFE, s4  }
0x2e7: {  	v45 =	vmov s7;
	[tilespmem:s6+$0x110] =	vst v12;
	v12 =	vmul.f32 v44, v11  }
0x2e8: {  	v46 =	vshrl.u32 v45, $0x3  }
0x2e9: {  	v47 =	vld [tilespmem:s6+$0x130];
	[tilespmem:s6+$0x120] =	vst v12;
	v12 =	vshll.u32 v46, v2  }
0x2ea: {  	v12 =	vadd.s32 v12, v8  }
0x2eb: {  	v12 =	vbroadcast v12, $0x0;
	_ =	sdelay $0x2  }
0x2ec: {  	v11 =	vmul.f32 v47, v11;
	_ =	sdelay $0x1  }
0x2ed: {  	v48 =	vld [tilespmem:s6+$0x140];
	[tilespmem:s6+$0x130] =	vst v11  }
0x2ee: {  	v11 =	vld.idx.msk [tilespmem:v12+s24+$0x0], $0xffff;
	_ =	sdelay $0x1  }
0x2ef: {  	v49 =	vld [tilespmem:s6+$0x150];
	_ =	sdelay $0x1  }
0x2f0: {  	v50 =	vld [tilespmem:s6+$0x160]  }
0x2f1: {  	v12 =	vmul.f32 v48, v11;
	_ =	sdelay $0x1  }
0x2f2: {  	[tilespmem:s6+$0x140] =	vst v12;
	v12 =	vmul.f32 v49, v11  }
0x2f3: {  	s7 =	sadd.s32 $0xFFFFFFFF, s4  }
0x2f4: {  	v51 =	vmov s7;
	[tilespmem:s6+$0x150] =	vst v12;
	v12 =	vmul.f32 v50, v11  }
0x2f5: {  	v52 =	vshrl.u32 v51, $0x3  }
0x2f6: {  	v53 =	vld [tilespmem:s6+$0x170];
	[tilespmem:s6+$0x160] =	vst v12;
	v12 =	vshll.u32 v52, v2  }
0x2f7: {  	v12 =	vadd.s32 v12, v9  }
0x2f8: {  	v12 =	vbroadcast v12, $0x0;
	_ =	sdelay $0x2  }
0x2f9: {  	v11 =	vmul.f32 v53, v11;
	_ =	sdelay $0x1  }
0x2fa: {  	v54 =	vld [tilespmem:s6+$0x180];
	[tilespmem:s6+$0x170] =	vst v11  }
0x2fb: {  	v11 =	vld.idx.msk [tilespmem:v12+s24+$0x0], $0xffff;
	_ =	sdelay $0x1  }
0x2fc: {  	v55 =	vld [tilespmem:s6+$0x190];
	_ =	sdelay $0x1  }
0x2fd: {  	v56 =	vld [tilespmem:s6+$0x1A0]  }
0x2fe: {  	v12 =	vmul.f32 v54, v11;
	_ =	sdelay $0x1  }
0x2ff: {  	[tilespmem:s6+$0x180] =	vst v12;
	v12 =	vmul.f32 v55, v11;
	_ =	sdelay $0x1  }
0x300: {  	v57 =	vmov s4;
	[tilespmem:s6+$0x190] =	vst v12;
	v12 =	vmul.f32 v56, v11  }
0x301: {  	v58 =	vshrl.u32 v57, $0x3  }
0x302: {  	v59 =	vld [tilespmem:s6+$0x1B0];
	[tilespmem:s6+$0x1A0] =	vst v12;
	v12 =	vshll.u32 v58, v2  }
0x303: {  	v12 =	vadd.s32 v12, v10  }
0x304: {  	v12 =	vbroadcast v12, $0x0;
	_ =	sdelay $0x2  }
0x305: {  	v11 =	vmul.f32 v59, v11;
	_ =	sdelay $0x1  }
0x306: {  	v60 =	vld [tilespmem:s6+$0x1C0];
	[tilespmem:s6+$0x1B0] =	vst v11  }
0x307: {  	v11 =	vld.idx.msk [tilespmem:v12+s24+$0x0], $0xffff;
	_ =	sdelay $0x1  }
0x308: {  	v61 =	vld [tilespmem:s6+$0x1D0];
	_ =	sdelay $0x1  }
0x309: {  	v62 =	vld [tilespmem:s6+$0x1E0]  }
0x30a: {  	v63 =	vld [tilespmem:s6+$0x1F0];
	v12 =	vmul.f32 v60, v11;
	_ =	sdelay $0x1  }
0x30b: {  	p0 =	sne.s32 s4, $0x7F;
	[tilespmem:s6+$0x1C0] =	vst v12;
	v12 =	vmul.f32 v61, v11  }
.Ltmp5:
0x30c: {  	_ = 	snop;
	(pc) =	sbr.rel @p0 .LBB2_14-.Ltmp5, $4  }
0x30d: {  	[tilespmem:s6+$0x1D0] =	vst v12;
	v12 =	vmul.f32 v62, v11  }
0x30e: {  	v11 =	vmul.f32 v63, v11  }
0x30f: {  	[tilespmem:s6+$0x1E0] =	vst v12  }
0x310: {  	s4 =	sadd.s32 $0x10, s4;
	[tilespmem:s6+$0x1F0] =	vst v11;
	s6 =	sadd.s32 $0x400, s6  }
0x311: {  	s31 =	sadd.s32 $0x1, s31  }
0x312: {  	p0 =	sne.s32 s31, $0x8  }
.Ltmp6:
0x313: {  	_ = 	snop;
	(pc) =	sbr.rel @p0 .LBB2_13-.Ltmp6, $4  }
0x314: {  	[spmem:s2] =	stream.indirect.scatter.add.f32 [tilespmem:s12], [sflag:$0x1], $0x40, s0, s23, $0xb8;
	[tilespmem:$0x16CB0] =	vst v63  }
0x315: {  	_ =	swait.ge [sflag:s8], $0x2000  }
0x316: {  	[sflag:s8] =	ssyncset.done $0x0  }
0x317: {  	[sflag:s8] =	ssyncadd.s32 $0xFFFFE000  }
0x318: {  	s28 =	sadd.s32 $0x1, s28  }
0x319: {  	p0 =	sne.s32 s28, $0x14  }
.Ltmp7:
0x31a: {  	_ = 	snop;
	(pc) =	sbr.rel @p0 .LBB2_12-.Ltmp7, $1  }
0x31b: {  	_ =	sdelay $0x3  }
0x31c: {  	s0 =	stileid.u32  }
0x31d: {  	[bflag:$0x0] =	sbarrier.arrive $0xFFFF;
	s0 =	sshll.u32 s0, $0x6  }
0x31e: {  	s4 =	sshrl.u32 s17, $0x3;
	s6 =	rddreg [dreg:$0x8];
	s0 =	sor.u32 $0x1C01, s0  }
0x31f: {  	[hbm:s6], [sflag:s0] =	dma.local [spmem:s4], $0x400  }
0x320: {  	_ =	swait.ge [sflag:s8], $0x400  }
0x321: {  	[sflag:s8] =	ssyncset.done $0x0  }
0x322: {  	s26 =	sshrl.u32 s18, $0x3;
	s28 =	rddreg [dreg:$0x9];
	[sflag:s8] =	ssyncadd.s32 $0xFFFFFC00  }
0x323: {  	[hbm:s28], [sflag:s0] =	dma.local [spmem:s26], $0x400  }
0x324: {  	_ =	swait.ge [sflag:s8], $0x400  }
0x325: {  	[sflag:s8] =	ssyncset.done $0x0  }
0x326: {  	s29 =	sshrl.u32 s19, $0x3;
	s31 =	rddreg [dreg:$0xa];
	[sflag:s8] =	ssyncadd.s32 $0xFFFFFC00  }
0x327: {  	[hbm:s31], [sflag:s0] =	dma.local [spmem:s29], $0x400  }
0x328: {  	_ =	swait.ge [sflag:s8], $0x400  }
0x329: {  	[sflag:s8] =	ssyncset.done $0x0  }
0x32a: {  	s7 =	sshrl.u32 s20, $0x3;
	s26 =	rddreg [dreg:$0xb];
	[sflag:s8] =	ssyncadd.s32 $0xFFFFFC00  }
0x32b: {  	[hbm:s26], [sflag:s0] =	dma.local [spmem:s7], $0x400  }
0x32c: {  	_ =	swait.ge [sflag:s8], $0x400  }
0x32d: {  	[sflag:s8] =	ssyncset.done $0x0  }
0x32e: {  	s28 =	sshrl.u32 s21, $0x3;
	s29 =	rddreg [dreg:$0xc];
	[sflag:s8] =	ssyncadd.s32 $0xFFFFFC00  }
0x32f: {  	[hbm:s29], [sflag:s0] =	dma.local [spmem:s28], $0x400  }
0x330: {  	_ =	swait.ge [sflag:s8], $0x400  }
0x331: {  	s25 =	sadd.s32 $0x1, s25;
	s31 =	rddreg [dreg:$0x12]  }
0x332: {  	p0 =	sne.s32 s25, s31  }
.Ltmp8:
0x333: {  	_ = 	snop;
	(pc) =	sbr.rel @p0 .LBB2_1-.Ltmp8, $3  }
0x334: {  	_ =	sdelay $0x1  }
0x335: {  	[sflag:s8] =	ssyncset.done $0x0  }
0x336: {  	[sflag:s8] =	ssyncadd.s32 $0xFFFFFC00  }
0x337: {  	_ =	sfence.sel $0x180000  }
0x338: {  	[bflag:$0x0] =	sbarrier.arrive $0xFFFF  }
0x339: {  	_ =	strace $0x90000047  }
0x33a: {  	s0 =	stileid.u32;
	[bflag:$0x2] =	sbarrier.arrive $0xFFFF  }
0x33b: {  	p0 =	sne.s32 s0, $0x0;
	s0 =	rddreg [dreg:$0x5]  }
0x33c: {  	s0 =	sadd.s32 @!p0 $0x100000, s0  }
0x33d: {  	[sflag:s0] =	ssyncadd.tile.s32 @!p0 $0x1;
	_ =	shalt  }
.Lfunc_end2:
_tile_overlayer_lowered:
.L_overlay_start_2:
0x33e: {  	(tag) =	ssettag $0x2  }
0x33f: {  	s0 =	rddreg [dreg:$0x0];
	s2 =	stileid.u32  }
0x340: {  	s1 =	rddreg [dreg:$0x1];
	p0 =	sne.s32 s2, $0x0  }
0x341: {  	s3 =	rddreg [dreg:$0x2];
	[bflag:$0x3] =	sbarrier.arrive $0xFFFF;
	s2 =	simm.s32 @!p0 $0x1C01  }
0x342: {  	[timem:s3], [sflag:s2] =	dma.local @!p0 [hbm:s0], s1  }
0x343: {  	s0 =	simm.s32 @!p0 $0x1  }
0x344: {  	_ =	swait.ge @!p0 [sflag:s0], s1  }
0x345: {  	s1 =	ssub.s32 @!p0 $0x0, s1;
	[sflag:s0] =	ssyncset.done @!p0 $0x0  }
0x346: {  	[sflag:s0] =	ssyncadd.s32 @!p0 s1  }
0x347: {  	[bflag:$0x3] =	sbarrier.arrive $0xFFFF  }
0x348: {  	_ =	shalt  }

</sc_bundles>
